<compile_context>
chip_gen: v7x
topology: tpu7x:2x2x1
jax: 0.10.2.dev20260603
libtpu: 0.0.44.dev20260713+nightly
codegen_flags: <defaults>
</compile_context>

<pallas_src>
import functools

import jax
import jax.numpy as jnp
from jax import lax
from jax.experimental import pallas as pl
from jax.experimental.pallas import tpu as pltpu
from jax.experimental.pallas import tpu_sc as plsc

D = 64
LANES = 16


_RELAYOUT_BC = 4096
_RELAYOUT_HB = 123


def _relayout_body(a_ref, b_ref, out_ref):
    out_ref[:, 0:D] = a_ref[...].T
    out_ref[:, D:2 * D] = b_ref[...].T


def _relayout(embt):
    V = embt.shape[1]
    bc, hb = _RELAYOUT_BC, _RELAYOUT_HB
    h = bc * hb
    assert h < V <= 2 * h
    last = (V - 1) // bc
    return pl.pallas_call(
        _relayout_body,
        grid=(hb,),
        in_specs=[
            pl.BlockSpec((D, bc), lambda i: (0, i)),
            pl.BlockSpec((D, bc), lambda i: (0, jnp.minimum(i + hb, last))),
        ],
        out_specs=pl.BlockSpec((bc, 2 * D), lambda i: (i, 0)),
        out_shape=jax.ShapeDtypeStruct((h, 2 * D), jnp.float32),
    )(embt, embt)


@functools.lru_cache(maxsize=None)
def _make_gather_sum(N, L, C):
    NC, NS = 2, 16
    NW = NC * NS
    assert N % (NW * C) == 0
    rows_per_w = N // NW
    steps = rows_per_w // C
    assert steps % 2 == 0
    CL = C * L
    TOKS_W = rows_per_w * L
    mesh = plsc.VectorSubcoreMesh(core_axis_name="c", subcore_axis_name="s")

    @functools.partial(
        pl.kernel,
        out_type=jax.ShapeDtypeStruct((N, D), jnp.float32),
        mesh=mesh,
        scratch_types=[
            pltpu.VMEM((TOKS_W,), jnp.int32),
            pltpu.VMEM((CL, D), jnp.float32),
            pltpu.VMEM((CL, D), jnp.float32),
            pltpu.VMEM((C, D), jnp.float32),
            pltpu.VMEM((C, D), jnp.float32),
            pltpu.SemaphoreType.DMA,
            pltpu.SemaphoreType.DMA,
        ],
        compiler_params=pltpu.CompilerParams(use_tc_tiling_on_sc=False),
    )
    def gather_sum(idx_hbm, emb_hbm, out_hbm,
                   idxs, rows0, rows1, out0, out1, gsem0, gsem1):
        wid = lax.axis_index("s") * NC + lax.axis_index("c")
        row0_w = wid * rows_per_w

        pltpu.sync_copy(idx_hbm.at[pl.ds(row0_w * L, TOKS_W)], idxs)

        def gather(chunk, rows, sem):
            pltpu.async_copy(
                emb_hbm.at[idxs.at[pl.ds(chunk * CL, CL)]], rows, sem)

        def wait_gather(chunk, rows, sem):
            pltpu.make_async_copy(
                emb_hbm.at[idxs.at[pl.ds(chunk * CL, CL)]], rows, sem).wait()

        def reduce_chunk(chunk, rows, outv):
            def reduce_row(r, carry):
                base = r * L
                accs = [rows[base, pl.ds(k * LANES, LANES)]
                        for k in range(D // LANES)]
                for j in range(1, L):
                    accs = [a + rows[base + j, pl.ds(k * LANES, LANES)]
                            for k, a in enumerate(accs)]
                for k, a in enumerate(accs):
                    outv[r, pl.ds(k * LANES, LANES)] = a
                return carry

            lax.fori_loop(0, C, reduce_row, 0)
            pltpu.sync_copy(outv, out_hbm.at[pl.ds(row0_w + chunk * C, C)])

        gather(0, rows0, gsem0)

        def body(i, carry):
            c0 = 2 * i
            gather(c0 + 1, rows1, gsem1)
            wait_gather(c0, rows0, gsem0)
            reduce_chunk(c0, rows0, out0)
            n2 = jnp.minimum(c0 + 2, steps - 1)
            gather(n2, rows0, gsem0)
            wait_gather(c0 + 1, rows1, gsem1)
            reduce_chunk(c0 + 1, rows1, out1)
            return carry

        lax.fori_loop(0, steps // 2, body, 0)
        wait_gather(steps - 1, rows0, gsem0)

    return gather_sum


def _finish_body(tok_ref, sums_ref, w_ref, b_ref, out_ref):
    tok = tok_ref[...]
    cnt = jnp.sum((tok != 0).astype(jnp.float32), axis=1, keepdims=True)
    inv = 1.0 / jnp.maximum(cnt, 1.0)
    mean = sums_ref[...] * inv
    acc = lax.dot_general(mean, w_ref[...], (((1,), (1,)), ((), ())),
                          preferred_element_type=jnp.float32)
    out_ref[...] = jnp.maximum(acc + b_ref[...], 0.0)


def _finish(tok, sums, W, b, block_rows=2048):
    N, L = tok.shape
    assert N % block_rows == 0
    return pl.pallas_call(
        _finish_body,
        grid=(N // block_rows,),
        in_specs=[
            pl.BlockSpec((block_rows, L), lambda i: (i, 0)),
            pl.BlockSpec((block_rows, D), lambda i: (i, 0)),
            pl.BlockSpec((D, D), lambda i: (0, 0)),
            pl.BlockSpec((1, D), lambda i: (0, 0)),
        ],
        out_specs=pl.BlockSpec((block_rows, D), lambda i: (i, 0)),
        out_shape=jax.ShapeDtypeStruct((N, D), jnp.float32),
    )(tok, sums, W, b.reshape(1, D))


def kernel(sample, emb, W, b):
    L = sample.shape[-1]
    flat = sample.reshape(-1, L).astype(jnp.int32)
    N = flat.shape[0]
    toks = flat.reshape(-1)
    half = _RELAYOUT_BC * _RELAYOUT_HB
    in_hi = (toks >= half).astype(jnp.int32)
    ridx = (toks - in_hi * half) * 2 + in_hi
    emb2 = _relayout(emb.T).reshape(2 * half, D)
    sums = _make_gather_sum(N, L, 8)(ridx, emb2)
    out = _finish(flat, sums, W, b)
    return out.reshape(sample.shape[:-1] + (D,))

# --- scband reference (transcript-rebuilt; emitter-appended) ---
"""Pipeline reference for scband-text-feat-89936615178772 (READ-ONLY COPY).

The authoritative reference and input builder live on the scoring server;
editing this copy changes nothing except your own understanding.
"""

import jax, jax.numpy as jnp
import numpy as np

VOCAB = 1000000
EMB_DIM = 64
FINAL_DIM = 64
PAD_TOKEN_ID = 0

def setup_inputs(seed: int = 0) -> dict:
    key = jax.random.key(seed)
    k1, k2, k3, k4 = jax.random.split(key, 4)
    sample = jax.random.randint(k1, (1024, 20, 50), 0, VOCAB, dtype=jnp.int64) if jax.config.jax_enable_x64 else jax.random.randint(k1, (1024, 20, 50), 0, VOCAB).astype(jnp.int32)
    # Embedding table (padding_idx=0 row zeroed, as nn.Embedding does at init)
    emb = jax.random.normal(k2, (VOCAB, EMB_DIM), dtype=jnp.float32) * (2.0 / np.sqrt(VOCAB + EMB_DIM))
    emb = emb.at[PAD_TOKEN_ID].set(0.0)
    # TryMlp('try_relu'): Linear(word_emb_size=64 -> final_emb_size=64) + ReLU
    W = jax.random.normal(k3, (FINAL_DIM, EMB_DIM), dtype=jnp.float32) * (1.0 / np.sqrt(EMB_DIM))
    b = jax.random.normal(k4, (FINAL_DIM,), dtype=jnp.float32) * 0.01
    return {"sample": sample, "emb": emb, "W": W, "b": b}

def reference(sample, emb, W, b):
    # flatten to (-1, token_ids_max_len)
    flat = sample.reshape((-1, sample.shape[-1]))
    # embedding gather
    token_emb = jnp.take(emb, flat, axis=0)  # (B*T, L, D)
    seqs_mask = flat == PAD_TOKEN_ID
    token_emb = jnp.where(seqs_mask[:, :, None], 0.0, token_emb)
    seqs_len = (~seqs_mask).sum(axis=1, keepdims=True)
    modified_seqs_len = jnp.where(seqs_len == 0, 1, seqs_len)
    mean_emb = jnp.sum(token_emb, axis=1) / modified_seqs_len.astype(token_emb.dtype)
    mean_emb = jnp.where(seqs_len == 0, 0.0, mean_emb)
    text_emb = mean_emb.reshape(sample.shape[:-1] + (emb.shape[1],))
    # TryMlp: ReLU(Linear(x))
    out = jax.nn.relu(text_emb @ W.T + b)
    return out

if __name__ == "__main__":
    import jax
    _d = setup_inputs()
    print(jax.jit(kernel)(*tuple(_d.values())))

</pallas_src>

<mosaic_0001>
#map = affine_map<(d0, d1) -> (0)>
#map1 = affine_map<(d0, d1) -> (0, 0)>
module attributes {stable_mosaic.version = 14 : i64} {
  func.func @gather_sum(%arg0: i32, %arg1: i32, %arg2: memref<1024000xi32, #tpu.memory_space<hbm>>, %arg3: memref<1007616x64xf32, #tpu.memory_space<hbm>>, %arg4: memref<20480x64xf32, #tpu.memory_space<hbm>>, %arg5: memref<32000xi32, #tpu.memory_space<vmem>>, %arg6: memref<400x64xf32, #tpu.memory_space<vmem>>, %arg7: memref<400x64xf32, #tpu.memory_space<vmem>>, %arg8: memref<8x64xf32, #tpu.memory_space<vmem>>, %arg9: memref<8x64xf32, #tpu.memory_space<vmem>>, %arg10: memref<!tpu.dma_semaphore, #tpu.memory_space<semaphore_mem>>, %arg11: memref<!tpu.dma_semaphore, #tpu.memory_space<semaphore_mem>>) attributes {dimension_semantics = [#tpu.dimension_semantics<core_parallel>, #tpu.dimension_semantics<subcore_parallel>], iteration_bounds = array<i64: 2, 16>, scalar_prefetch = 0 : i64, scratch_operands = 7 : i64, tpu.core_type = #tpu.core_type<sc_vector_subcore>, window_params = [{transform_indices = #map}, {transform_indices = #map1}, {transform_indices = #map1}]} {
    %mul3A = arith.constant 2 : i32
    %mul3A_0 = arith.muli %arg1, %mul3A : i32
    %add3A = arith.addi %mul3A_0, %arg0 : i32
    %mul3A_1 = arith.constant 640 : i32
    %mul3A_2 = arith.muli %add3A, %mul3A_1 : i32
    %mul3A_3 = arith.constant 50 : i32
    %mul3A_4 = arith.muli %mul3A_2, %mul3A_3 : i32
    "tpu.region"() ({
      %run_scoped3A = tpu.sem_alloc : memref<!tpu.dma_semaphore, #tpu.memory_space<semaphore_mem>>
      %dma_start3A_18 = tpu.memref_slice %arg2[%mul3A_4] : memref<1024000xi32, #tpu.memory_space<hbm>> -> memref<32000xi32, #tpu.memory_space<hbm>>
      %dma_start3A_19 = tpu.memref_slice %arg2[%mul3A_4] : memref<1024000xi32, #tpu.memory_space<hbm>> -> memref<32000xi32, #tpu.memory_space<hbm>>
      tpu.enqueue_dma source(%dma_start3A_19 : memref<32000xi32, #tpu.memory_space<hbm>>) target(%arg5 : memref<32000xi32, #tpu.memory_space<vmem>>) target_semaphore(%run_scoped3A : memref<!tpu.dma_semaphore, #tpu.memory_space<semaphore_mem>>)
      %dma_wait3A_20 = tpu.memref_slice %arg2[%mul3A_4] : memref<1024000xi32, #tpu.memory_space<hbm>> -> memref<32000xi32, #tpu.memory_space<hbm>>
      %dma_wait3A_21 = tpu.memref_slice %arg2[%mul3A_4] : memref<1024000xi32, #tpu.memory_space<hbm>> -> memref<32000xi32, #tpu.memory_space<hbm>>
      tpu.wait_dma2 semaphore(%run_scoped3A : memref<!tpu.dma_semaphore, #tpu.memory_space<semaphore_mem>>) src(%dma_wait3A_21 : memref<32000xi32, #tpu.memory_space<hbm>>) dst(%arg5 : memref<32000xi32, #tpu.memory_space<vmem>>)
      tpu.yield
    }) : () -> ()
    %dma_start3A = arith.constant 0 : i32
    %dma_start3A_5 = tpu.memref_slice %arg5[%dma_start3A] : memref<32000xi32, #tpu.memory_space<vmem>> -> memref<400xi32, #tpu.memory_space<vmem>>
    %dma_start3A_6 = arith.constant 0 : i32
    %dma_start3A_7 = arith.constant 0 : i32
    %dma_start3A_8 = tpu.memref_slice %arg3[%dma_start3A_6, %dma_start3A_7] : memref<1007616x64xf32, #tpu.memory_space<hbm>> -> memref<1007616x64xf32, #tpu.memory_space<hbm>>
    tpu.enqueue_indirect_dma source(%dma_start3A_8 : memref<1007616x64xf32, #tpu.memory_space<hbm>>) target(%arg6 : memref<400x64xf32, #tpu.memory_space<vmem>>) offsets(%dma_start3A_5 : memref<400xi32, #tpu.memory_space<vmem>>) semaphore(%arg10 : memref<!tpu.dma_semaphore, #tpu.memory_space<semaphore_mem>>)
    %scan3A = arith.constant 0 : i32
    %scan3A_9 = arith.constant 0 : i32
    %scan3A_10 = arith.constant 40 : i32
    %scan3A_11 = arith.addi %scan3A_9, %scan3A_10 : i32
    %scan3A_12 = arith.constant 1 : i32
    scf.for %scan3A_18 = %scan3A_9 to %scan3A_11 step %scan3A_12  : i32 {
      %mul3A_19 = arith.constant 2 : i32
      %mul3A_20 = arith.muli %mul3A_19, %scan3A_18 : i32
      %add3A_21 = arith.constant 1 : i32
      %add3A_22 = arith.addi %mul3A_20, %add3A_21 : i32
      %mul3A_23 = arith.constant 400 : i32
      %mul3A_24 = arith.muli %add3A_22, %mul3A_23 : i32
      %dma_start3A_25 = tpu.memref_slice %arg5[%mul3A_24] : memref<32000xi32, #tpu.memory_space<vmem>> -> memref<400xi32, #tpu.memory_space<vmem>>
      %dma_start3A_26 = arith.constant 0 : i32
      %dma_start3A_27 = arith.constant 0 : i32
      %dma_start3A_28 = tpu.memref_slice %arg3[%dma_start3A_26, %dma_start3A_27] : memref<1007616x64xf32, #tpu.memory_space<hbm>> -> memref<1007616x64xf32, #tpu.memory_space<hbm>>
      tpu.enqueue_indirect_dma source(%dma_start3A_28 : memref<1007616x64xf32, #tpu.memory_space<hbm>>) target(%arg7 : memref<400x64xf32, #tpu.memory_space<vmem>>) offsets(%dma_start3A_25 : memref<400xi32, #tpu.memory_space<vmem>>) semaphore(%arg11 : memref<!tpu.dma_semaphore, #tpu.memory_space<semaphore_mem>>)
      %mul3A_29 = arith.constant 400 : i32
      %mul3A_30 = arith.muli %mul3A_20, %mul3A_29 : i32
      %dma_wait3A_31 = tpu.memref_slice %arg5[%mul3A_30] : memref<32000xi32, #tpu.memory_space<vmem>> -> memref<400xi32, #tpu.memory_space<vmem>>
      %dma_wait3A_32 = arith.constant 0 : i32
      %dma_wait3A_33 = arith.constant 0 : i32
      %dma_wait3A_34 = tpu.memref_slice %arg3[%dma_wait3A_32, %dma_wait3A_33] : memref<1007616x64xf32, #tpu.memory_space<hbm>> -> memref<1007616x64xf32, #tpu.memory_space<hbm>>
      tpu.wait_indirect_dma semaphore(%arg10 : memref<!tpu.dma_semaphore, #tpu.memory_space<semaphore_mem>>) src(%dma_wait3A_34 : memref<1007616x64xf32, #tpu.memory_space<hbm>>) dst(%arg6 : memref<400x64xf32, #tpu.memory_space<vmem>>)
      %scan3A_35 = arith.constant 0 : i32
      %scan3A_36 = arith.constant 0 : i32
      %scan3A_37 = arith.constant 8 : i32
      %scan3A_38 = arith.addi %scan3A_36, %scan3A_37 : i32
      %scan3A_39 = arith.constant 1 : i32
      scf.for %scan3A_72 = %scan3A_36 to %scan3A_38 step %scan3A_39  : i32 {
        %mul3A_73 = arith.constant 50 : i32
        %mul3A_74 = arith.muli %scan3A_72, %mul3A_73 : i32
        %get3A = arith.index_cast %mul3A_74 : i32 to index
        %get3A_75 = arith.constant 0 : index
        %get3A_76 = tpu.vector_load %arg6[%get3A, %get3A_75] {strides = array<i32>} : memref<400x64xf32, #tpu.memory_space<vmem>>, vector<1x16xf32>,
        %get3A_77 = vector.shape_cast %get3A_76 : vector<1x16xf32> to vector<16xf32>
        %get3A_78 = arith.index_cast %mul3A_74 : i32 to index
        %get3A_79 = arith.constant 16 : index
        %get3A_80 = tpu.vector_load %arg6[%get3A_78, %get3A_79] {strides = array<i32>} : memref<400x64xf32, #tpu.memory_space<vmem>>, vector<1x16xf32>,
        %get3A_81 = vector.shape_cast %get3A_80 : vector<1x16xf32> to vector<16xf32>
        %get3A_82 = arith.index_cast %mul3A_74 : i32 to index
        %get3A_83 = arith.constant 32 : index
        %get3A_84 = tpu.vector_load %arg6[%get3A_82, %get3A_83] {strides = array<i32>} : memref<400x64xf32, #tpu.memory_space<vmem>>, vector<1x16xf32>,
        %get3A_85 = vector.shape_cast %get3A_84 : vector<1x16xf32> to vector<16xf32>
        %get3A_86 = arith.index_cast %mul3A_74 : i32 to index
        %get3A_87 = arith.constant 48 : index
        %get3A_88 = tpu.vector_load %arg6[%get3A_86, %get3A_87] {strides = array<i32>} : memref<400x64xf32, #tpu.memory_space<vmem>>, vector<1x16xf32>,
        %get3A_89 = vector.shape_cast %get3A_88 : vector<1x16xf32> to vector<16xf32>
        %add3A_90 = arith.constant 1 : i32
        %add3A_91 = arith.addi %mul3A_74, %add3A_90 : i32
        %get3A_92 = arith.index_cast %add3A_91 : i32 to index
        %get3A_93 = arith.constant 0 : index
        %get3A_94 = tpu.vector_load %arg6[%get3A_92, %get3A_93] {strides = array<i32>} : memref<400x64xf32, #tpu.memory_space<vmem>>, vector<1x16xf32>,
        %get3A_95 = vector.shape_cast %get3A_94 : vector<1x16xf32> to vector<16xf32>
        %add3A_96 = arith.addf %get3A_77, %get3A_95 : vector<16xf32>
        %add3A_97 = arith.constant 1 : i32
        %add3A_98 = arith.addi %mul3A_74, %add3A_97 : i32
        %get3A_99 = arith.index_cast %add3A_98 : i32 to index
        %get3A_100 = arith.constant 16 : index
        %get3A_101 = tpu.vector_load %arg6[%get3A_99, %get3A_100] {strides = array<i32>} : memref<400x64xf32, #tpu.memory_space<vmem>>, vector<1x16xf32>,
        %get3A_102 = vector.shape_cast %get3A_101 : vector<1x16xf32> to vector<16xf32>
        %add3A_103 = arith.addf %get3A_81, %get3A_102 : vector<16xf32>
        %add3A_104 = arith.constant 1 : i32
        %add3A_105 = arith.addi %mul3A_74, %add3A_104 : i32
        %get3A_106 = arith.index_cast %add3A_105 : i32 to index
        %get3A_107 = arith.constant 32 : index
        %get3A_108 = tpu.vector_load %arg6[%get3A_106, %get3A_107] {strides = array<i32>} : memref<400x64xf32, #tpu.memory_space<vmem>>, vector<1x16xf32>,
        %get3A_109 = vector.shape_cast %get3A_108 : vector<1x16xf32> to vector<16xf32>
        %add3A_110 = arith.addf %get3A_85, %get3A_109 : vector<16xf32>
        %add3A_111 = arith.constant 1 : i32
        %add3A_112 = arith.addi %mul3A_74, %add3A_111 : i32
        %get3A_113 = arith.index_cast %add3A_112 : i32 to index
        %get3A_114 = arith.constant 48 : index
        %get3A_115 = tpu.vector_load %arg6[%get3A_113, %get3A_114] {strides = array<i32>} : memref<400x64xf32, #tpu.memory_space<vmem>>, vector<1x16xf32>,
        %get3A_116 = vector.shape_cast %get3A_115 : vector<1x16xf32> to vector<16xf32>
        %add3A_117 = arith.addf %get3A_89, %get3A_116 : vector<16xf32>
        %add3A_118 = arith.constant 2 : i32
        %add3A_119 = arith.addi %mul3A_74, %add3A_118 : i32
        %get3A_120 = arith.index_cast %add3A_119 : i32 to index
        %get3A_121 = arith.constant 0 : index
        %get3A_122 = tpu.vector_load %arg6[%get3A_120, %get3A_121] {strides = array<i32>} : memref<400x64xf32, #tpu.memory_space<vmem>>, vector<1x16xf32>,
        %get3A_123 = vector.shape_cast %get3A_122 : vector<1x16xf32> to vector<16xf32>
        %add3A_124 = arith.addf %add3A_96, %get3A_123 : vector<16xf32>
        %add3A_125 = arith.constant 2 : i32
        %add3A_126 = arith.addi %mul3A_74, %add3A_125 : i32
        %get3A_127 = arith.index_cast %add3A_126 : i32 to index
        %get3A_128 = arith.constant 16 : index
        %get3A_129 = tpu.vector_load %arg6[%get3A_127, %get3A_128] {strides = array<i32>} : memref<400x64xf32, #tpu.memory_space<vmem>>, vector<1x16xf32>,
        %get3A_130 = vector.shape_cast %get3A_129 : vector<1x16xf32> to vector<16xf32>
        %add3A_131 = arith.addf %add3A_103, %get3A_130 : vector<16xf32>
        %add3A_132 = arith.constant 2 : i32
        %add3A_133 = arith.addi %mul3A_74, %add3A_132 : i32
        %get3A_134 = arith.index_cast %add3A_133 : i32 to index
        %get3A_135 = arith.constant 32 : index
        %get3A_136 = tpu.vector_load %arg6[%get3A_134, %get3A_135] {strides = array<i32>} : memref<400x64xf32, #tpu.memory_space<vmem>>, vector<1x16xf32>,
        %get3A_137 = vector.shape_cast %get3A_136 : vector<1x16xf32> to vector<16xf32>
        %add3A_138 = arith.addf %add3A_110, %get3A_137 : vector<16xf32>
        %add3A_139 = arith.constant 2 : i32
        %add3A_140 = arith.addi %mul3A_74, %add3A_139 : i32
        %get3A_141 = arith.index_cast %add3A_140 : i32 to index
        %get3A_142 = arith.constant 48 : index
        %get3A_143 = tpu.vector_load %arg6[%get3A_141, %get3A_142] {strides = array<i32>} : memref<400x64xf32, #tpu.memory_space<vmem>>, vector<1x16xf32>,
        %get3A_144 = vector.shape_cast %get3A_143 : vector<1x16xf32> to vector<16xf32>
        %add3A_145 = arith.addf %add3A_117, %get3A_144 : vector<16xf32>
        %add3A_146 = arith.constant 3 : i32
        %add3A_147 = arith.addi %mul3A_74, %add3A_146 : i32
        %get3A_148 = arith.index_cast %add3A_147 : i32 to index
        %get3A_149 = arith.constant 0 : index
        %get3A_150 = tpu.vector_load %arg6[%get3A_148, %get3A_149] {strides = array<i32>} : memref<400x64xf32, #tpu.memory_space<vmem>>, vector<1x16xf32>,
        %get3A_151 = vector.shape_cast %get3A_150 : vector<1x16xf32> to vector<16xf32>
        %add3A_152 = arith.addf %add3A_124, %get3A_151 : vector<16xf32>
        %add3A_153 = arith.constant 3 : i32
        %add3A_154 = arith.addi %mul3A_74, %add3A_153 : i32
        %get3A_155 = arith.index_cast %add3A_154 : i32 to index
        %get3A_156 = arith.constant 16 : index
        %get3A_157 = tpu.vector_load %arg6[%get3A_155, %get3A_156] {strides = array<i32>} : memref<400x64xf32, #tpu.memory_space<vmem>>, vector<1x16xf32>,
        %get3A_158 = vector.shape_cast %get3A_157 : vector<1x16xf32> to vector<16xf32>
        %add3A_159 = arith.addf %add3A_131, %get3A_158 : vector<16xf32>
        %add3A_160 = arith.constant 3 : i32
        %add3A_161 = arith.addi %mul3A_74, %add3A_160 : i32
        %get3A_162 = arith.index_cast %add3A_161 : i32 to index
        %get3A_163 = arith.constant 32 : index
        %get3A_164 = tpu.vector_load %arg6[%get3A_162, %get3A_163] {strides = array<i32>} : memref<400x64xf32, #tpu.memory_space<vmem>>, vector<1x16xf32>,
        %get3A_165 = vector.shape_cast %get3A_164 : vector<1x16xf32> to vector<16xf32>
        %add3A_166 = arith.addf %add3A_138, %get3A_165 : vector<16xf32>
        %add3A_167 = arith.constant 3 : i32
        %add3A_168 = arith.addi %mul3A_74, %add3A_167 : i32
        %get3A_169 = arith.index_cast %add3A_168 : i32 to index
        %get3A_170 = arith.constant 48 : index
        %get3A_171 = tpu.vector_load %arg6[%get3A_169, %get3A_170] {strides = array<i32>} : memref<400x64xf32, #tpu.memory_space<vmem>>, vector<1x16xf32>,
        %get3A_172 = vector.shape_cast %get3A_171 : vector<1x16xf32> to vector<16xf32>
        %add3A_173 = arith.addf %add3A_145, %get3A_172 : vector<16xf32>
        %add3A_174 = arith.constant 4 : i32
        %add3A_175 = arith.addi %mul3A_74, %add3A_174 : i32
        %get3A_176 = arith.index_cast %add3A_175 : i32 to index
        %get3A_177 = arith.constant 0 : index
        %get3A_178 = tpu.vector_load %arg6[%get3A_176, %get3A_177] {strides = array<i32>} : memref<400x64xf32, #tpu.memory_space<vmem>>, vector<1x16xf32>,
        %get3A_179 = vector.shape_cast %get3A_178 : vector<1x16xf32> to vector<16xf32>
        %add3A_180 = arith.addf %add3A_152, %get3A_179 : vector<16xf32>
        %add3A_181 = arith.constant 4 : i32
        %add3A_182 = arith.addi %mul3A_74, %add3A_181 : i32
        %get3A_183 = arith.index_cast %add3A_182 : i32 to index
        %get3A_184 = arith.constant 16 : index
        %get3A_185 = tpu.vector_load %arg6[%get3A_183, %get3A_184] {strides = array<i32>} : memref<400x64xf32, #tpu.memory_space<vmem>>, vector<1x16xf32>,
        %get3A_186 = vector.shape_cast %get3A_185 : vector<1x16xf32> to vector<16xf32>
        %add3A_187 = arith.addf %add3A_159, %get3A_186 : vector<16xf32>
        %add3A_188 = arith.constant 4 : i32
        %add3A_189 = arith.addi %mul3A_74, %add3A_188 : i32
        %get3A_190 = arith.index_cast %add3A_189 : i32 to index
        %get3A_191 = arith.constant 32 : index
        %get3A_192 = tpu.vector_load %arg6[%get3A_190, %get3A_191] {strides = array<i32>} : memref<400x64xf32, #tpu.memory_space<vmem>>, vector<1x16xf32>,
        %get3A_193 = vector.shape_cast %get3A_192 : vector<1x16xf32> to vector<16xf32>
        %add3A_194 = arith.addf %add3A_166, %get3A_193 : vector<16xf32>
        %add3A_195 = arith.constant 4 : i32
        %add3A_196 = arith.addi %mul3A_74, %add3A_195 : i32
        %get3A_197 = arith.index_cast %add3A_196 : i32 to index
        %get3A_198 = arith.constant 48 : index
        %get3A_199 = tpu.vector_load %arg6[%get3A_197, %get3A_198] {strides = array<i32>} : memref<400x64xf32, #tpu.memory_space<vmem>>, vector<1x16xf32>,
        %get3A_200 = vector.shape_cast %get3A_199 : vector<1x16xf32> to vector<16xf32>
        %add3A_201 = arith.addf %add3A_173, %get3A_200 : vector<16xf32>
        %add3A_202 = arith.constant 5 : i32
        %add3A_203 = arith.addi %mul3A_74, %add3A_202 : i32
        %get3A_204 = arith.index_cast %add3A_203 : i32 to index
        %get3A_205 = arith.constant 0 : index
        %get3A_206 = tpu.vector_load %arg6[%get3A_204, %get3A_205] {strides = array<i32>} : memref<400x64xf32, #tpu.memory_space<vmem>>, vector<1x16xf32>,
        %get3A_207 = vector.shape_cast %get3A_206 : vector<1x16xf32> to vector<16xf32>
        %add3A_208 = arith.addf %add3A_180, %get3A_207 : vector<16xf32>
        %add3A_209 = arith.constant 5 : i32
        %add3A_210 = arith.addi %mul3A_74, %add3A_209 : i32
        %get3A_211 = arith.index_cast %add3A_210 : i32 to index
        %get3A_212 = arith.constant 16 : index
        %get3A_213 = tpu.vector_load %arg6[%get3A_211, %get3A_212] {strides = array<i32>} : memref<400x64xf32, #tpu.memory_space<vmem>>, vector<1x16xf32>,
        %get3A_214 = vector.shape_cast %get3A_213 : vector<1x16xf32> to vector<16xf32>
        %add3A_215 = arith.addf %add3A_187, %get3A_214 : vector<16xf32>
        %add3A_216 = arith.constant 5 : i32
        %add3A_217 = arith.addi %mul3A_74, %add3A_216 : i32
        %get3A_218 = arith.index_cast %add3A_217 : i32 to index
        %get3A_219 = arith.constant 32 : index
        %get3A_220 = tpu.vector_load %arg6[%get3A_218, %get3A_219] {strides = array<i32>} : memref<400x64xf32, #tpu.memory_space<vmem>>, vector<1x16xf32>,
        %get3A_221 = vector.shape_cast %get3A_220 : vector<1x16xf32> to vector<16xf32>
        %add3A_222 = arith.addf %add3A_194, %get3A_221 : vector<16xf32>
        %add3A_223 = arith.constant 5 : i32
        %add3A_224 = arith.addi %mul3A_74, %add3A_223 : i32
        %get3A_225 = arith.index_cast %add3A_224 : i32 to index
        %get3A_226 = arith.constant 48 : index
        %get3A_227 = tpu.vector_load %arg6[%get3A_225, %get3A_226] {strides = array<i32>} : memref<400x64xf32, #tpu.memory_space<vmem>>, vector<1x16xf32>,
        %get3A_228 = vector.shape_cast %get3A_227 : vector<1x16xf32> to vector<16xf32>
        %add3A_229 = arith.addf %add3A_201, %get3A_228 : vector<16xf32>
        %add3A_230 = arith.constant 6 : i32
        %add3A_231 = arith.addi %mul3A_74, %add3A_230 : i32
        %get3A_232 = arith.index_cast %add3A_231 : i32 to index
        %get3A_233 = arith.constant 0 : index
        %get3A_234 = tpu.vector_load %arg6[%get3A_232, %get3A_233] {strides = array<i32>} : memref<400x64xf32, #tpu.memory_space<vmem>>, vector<1x16xf32>,
        %get3A_235 = vector.shape_cast %get3A_234 : vector<1x16xf32> to vector<16xf32>
        %add3A_236 = arith.addf %add3A_208, %get3A_235 : vector<16xf32>
        %add3A_237 = arith.constant 6 : i32
        %add3A_238 = arith.addi %mul3A_74, %add3A_237 : i32
        %get3A_239 = arith.index_cast %add3A_238 : i32 to index
        %get3A_240 = arith.constant 16 : index
        %get3A_241 = tpu.vector_load %arg6[%get3A_239, %get3A_240] {strides = array<i32>} : memref<400x64xf32, #tpu.memory_space<vmem>>, vector<1x16xf32>,
        %get3A_242 = vector.shape_cast %get3A_241 : vector<1x16xf32> to vector<16xf32>
        %add3A_243 = arith.addf %add3A_215, %get3A_242 : vector<16xf32>
        %add3A_244 = arith.constant 6 : i32
        %add3A_245 = arith.addi %mul3A_74, %add3A_244 : i32
        %get3A_246 = arith.index_cast %add3A_245 : i32 to index
        %get3A_247 = arith.constant 32 : index
        %get3A_248 = tpu.vector_load %arg6[%get3A_246, %get3A_247] {strides = array<i32>} : memref<400x64xf32, #tpu.memory_space<vmem>>, vector<1x16xf32>,
        %get3A_249 = vector.shape_cast %get3A_248 : vector<1x16xf32> to vector<16xf32>
        %add3A_250 = arith.addf %add3A_222, %get3A_249 : vector<16xf32>
        %add3A_251 = arith.constant 6 : i32
        %add3A_252 = arith.addi %mul3A_74, %add3A_251 : i32
        %get3A_253 = arith.index_cast %add3A_252 : i32 to index
        %get3A_254 = arith.constant 48 : index
        %get3A_255 = tpu.vector_load %arg6[%get3A_253, %get3A_254] {strides = array<i32>} : memref<400x64xf32, #tpu.memory_space<vmem>>, vector<1x16xf32>,
        %get3A_256 = vector.shape_cast %get3A_255 : vector<1x16xf32> to vector<16xf32>
        %add3A_257 = arith.addf %add3A_229, %get3A_256 : vector<16xf32>
        %add3A_258 = arith.constant 7 : i32
        %add3A_259 = arith.addi %mul3A_74, %add3A_258 : i32
        %get3A_260 = arith.index_cast %add3A_259 : i32 to index
        %get3A_261 = arith.constant 0 : index
        %get3A_262 = tpu.vector_load %arg6[%get3A_260, %get3A_261] {strides = array<i32>} : memref<400x64xf32, #tpu.memory_space<vmem>>, vector<1x16xf32>,
        %get3A_263 = vector.shape_cast %get3A_262 : vector<1x16xf32> to vector<16xf32>
        %add3A_264 = arith.addf %add3A_236, %get3A_263 : vector<16xf32>
        %add3A_265 = arith.constant 7 : i32
        %add3A_266 = arith.addi %mul3A_74, %add3A_265 : i32
        %get3A_267 = arith.index_cast %add3A_266 : i32 to index
        %get3A_268 = arith.constant 16 : index
        %get3A_269 = tpu.vector_load %arg6[%get3A_267, %get3A_268] {strides = array<i32>} : memref<400x64xf32, #tpu.memory_space<vmem>>, vector<1x16xf32>,
        %get3A_270 = vector.shape_cast %get3A_269 : vector<1x16xf32> to vector<16xf32>
        %add3A_271 = arith.addf %add3A_243, %get3A_270 : vector<16xf32>
        %add3A_272 = arith.constant 7 : i32
        %add3A_273 = arith.addi %mul3A_74, %add3A_272 : i32
        %get3A_274 = arith.index_cast %add3A_273 : i32 to index
        %get3A_275 = arith.constant 32 : index
        %get3A_276 = tpu.vector_load %arg6[%get3A_274, %get3A_275] {strides = array<i32>} : memref<400x64xf32, #tpu.memory_space<vmem>>, vector<1x16xf32>,
        %get3A_277 = vector.shape_cast %get3A_276 : vector<1x16xf32> to vector<16xf32>
        %add3A_278 = arith.addf %add3A_250, %get3A_277 : vector<16xf32>
        %add3A_279 = arith.constant 7 : i32
        %add3A_280 = arith.addi %mul3A_74, %add3A_279 : i32
        %get3A_281 = arith.index_cast %add3A_280 : i32 to index
        %get3A_282 = arith.constant 48 : index
        %get3A_283 = tpu.vector_load %arg6[%get3A_281, %get3A_282] {strides = array<i32>} : memref<400x64xf32, #tpu.memory_space<vmem>>, vector<1x16xf32>,
        %get3A_284 = vector.shape_cast %get3A_283 : vector<1x16xf32> to vector<16xf32>
        %add3A_285 = arith.addf %add3A_257, %get3A_284 : vector<16xf32>
        %add3A_286 = arith.constant 8 : i32
        %add3A_287 = arith.addi %mul3A_74, %add3A_286 : i32
        %get3A_288 = arith.index_cast %add3A_287 : i32 to index
        %get3A_289 = arith.constant 0 : index
        %get3A_290 = tpu.vector_load %arg6[%get3A_288, %get3A_289] {strides = array<i32>} : memref<400x64xf32, #tpu.memory_space<vmem>>, vector<1x16xf32>,
        %get3A_291 = vector.shape_cast %get3A_290 : vector<1x16xf32> to vector<16xf32>
        %add3A_292 = arith.addf %add3A_264, %get3A_291 : vector<16xf32>
        %add3A_293 = arith.constant 8 : i32
        %add3A_294 = arith.addi %mul3A_74, %add3A_293 : i32
        %get3A_295 = arith.index_cast %add3A_294 : i32 to index
        %get3A_296 = arith.constant 16 : index
        %get3A_297 = tpu.vector_load %arg6[%get3A_295, %get3A_296] {strides = array<i32>} : memref<400x64xf32, #tpu.memory_space<vmem>>, vector<1x16xf32>,
        %get3A_298 = vector.shape_cast %get3A_297 : vector<1x16xf32> to vector<16xf32>
        %add3A_299 = arith.addf %add3A_271, %get3A_298 : vector<16xf32>
        %add3A_300 = arith.constant 8 : i32
        %add3A_301 = arith.addi %mul3A_74, %add3A_300 : i32
        %get3A_302 = arith.index_cast %add3A_301 : i32 to index
        %get3A_303 = arith.constant 32 : index
        %get3A_304 = tpu.vector_load %arg6[%get3A_302, %get3A_303] {strides = array<i32>} : memref<400x64xf32, #tpu.memory_space<vmem>>, vector<1x16xf32>,
        %get3A_305 = vector.shape_cast %get3A_304 : vector<1x16xf32> to vector<16xf32>
        %add3A_306 = arith.addf %add3A_278, %get3A_305 : vector<16xf32>
        %add3A_307 = arith.constant 8 : i32
        %add3A_308 = arith.addi %mul3A_74, %add3A_307 : i32
        %get3A_309 = arith.index_cast %add3A_308 : i32 to index
        %get3A_310 = arith.constant 48 : index
        %get3A_311 = tpu.vector_load %arg6[%get3A_309, %get3A_310] {strides = array<i32>} : memref<400x64xf32, #tpu.memory_space<vmem>>, vector<1x16xf32>,
        %get3A_312 = vector.shape_cast %get3A_311 : vector<1x16xf32> to vector<16xf32>
        %add3A_313 = arith.addf %add3A_285, %get3A_312 : vector<16xf32>
        %add3A_314 = arith.constant 9 : i32
        %add3A_315 = arith.addi %mul3A_74, %add3A_314 : i32
        %get3A_316 = arith.index_cast %add3A_315 : i32 to index
        %get3A_317 = arith.constant 0 : index
        %get3A_318 = tpu.vector_load %arg6[%get3A_316, %get3A_317] {strides = array<i32>} : memref<400x64xf32, #tpu.memory_space<vmem>>, vector<1x16xf32>,
        %get3A_319 = vector.shape_cast %get3A_318 : vector<1x16xf32> to vector<16xf32>
        %add3A_320 = arith.addf %add3A_292, %get3A_319 : vector<16xf32>
        %add3A_321 = arith.constant 9 : i32
        %add3A_322 = arith.addi %mul3A_74, %add3A_321 : i32
        %get3A_323 = arith.index_cast %add3A_322 : i32 to index
        %get3A_324 = arith.constant 16 : index
        %get3A_325 = tpu.vector_load %arg6[%get3A_323, %get3A_324] {strides = array<i32>} : memref<400x64xf32, #tpu.memory_space<vmem>>, vector<1x16xf32>,
        %get3A_326 = vector.shape_cast %get3A_325 : vector<1x16xf32> to vector<16xf32>
        %add3A_327 = arith.addf %add3A_299, %get3A_326 : vector<16xf32>
        %add3A_328 = arith.constant 9 : i32
        %add3A_329 = arith.addi %mul3A_74, %add3A_328 : i32
        %get3A_330 = arith.index_cast %add3A_329 : i32 to index
        %get3A_331 = arith.constant 32 : index
        %get3A_332 = tpu.vector_load %arg6[%get3A_330, %get3A_331] {strides = array<i32>} : memref<400x64xf32, #tpu.memory_space<vmem>>, vector<1x16xf32>,
        %get3A_333 = vector.shape_cast %get3A_332 : vector<1x16xf32> to vector<16xf32>
        %add3A_334 = arith.addf %add3A_306, %get3A_333 : vector<16xf32>
        %add3A_335 = arith.constant 9 : i32
        %add3A_336 = arith.addi %mul3A_74, %add3A_335 : i32
        %get3A_337 = arith.index_cast %add3A_336 : i32 to index
        %get3A_338 = arith.constant 48 : index
        %get3A_339 = tpu.vector_load %arg6[%get3A_337, %get3A_338] {strides = array<i32>} : memref<400x64xf32, #tpu.memory_space<vmem>>, vector<1x16xf32>,
        %get3A_340 = vector.shape_cast %get3A_339 : vector<1x16xf32> to vector<16xf32>
        %add3A_341 = arith.addf %add3A_313, %get3A_340 : vector<16xf32>
        %add3A_342 = arith.constant 10 : i32
        %add3A_343 = arith.addi %mul3A_74, %add3A_342 : i32
        %get3A_344 = arith.index_cast %add3A_343 : i32 to index
        %get3A_345 = arith.constant 0 : index
        %get3A_346 = tpu.vector_load %arg6[%get3A_344, %get3A_345] {strides = array<i32>} : memref<400x64xf32, #tpu.memory_space<vmem>>, vector<1x16xf32>,
        %get3A_347 = vector.shape_cast %get3A_346 : vector<1x16xf32> to vector<16xf32>
        %add3A_348 = arith.addf %add3A_320, %get3A_347 : vector<16xf32>
        %add3A_349 = arith.constant 10 : i32
        %add3A_350 = arith.addi %mul3A_74, %add3A_349 : i32
        %get3A_351 = arith.index_cast %add3A_350 : i32 to index
        %get3A_352 = arith.constant 16 : index
        %get3A_353 = tpu.vector_load %arg6[%get3A_351, %get3A_352] {strides = array<i32>} : memref<400x64xf32, #tpu.memory_space<vmem>>, vector<1x16xf32>,
        %get3A_354 = vector.shape_cast %get3A_353 : vector<1x16xf32> to vector<16xf32>
        %add3A_355 = arith.addf %add3A_327, %get3A_354 : vector<16xf32>
        %add3A_356 = arith.constant 10 : i32
        %add3A_357 = arith.addi %mul3A_74, %add3A_356 : i32
        %get3A_358 = arith.index_cast %add3A_357 : i32 to index
        %get3A_359 = arith.constant 32 : index
        %get3A_360 = tpu.vector_load %arg6[%get3A_358, %get3A_359] {strides = array<i32>} : memref<400x64xf32, #tpu.memory_space<vmem>>, vector<1x16xf32>,
        %get3A_361 = vector.shape_cast %get3A_360 : vector<1x16xf32> to vector<16xf32>
        %add3A_362 = arith.addf %add3A_334, %get3A_361 : vector<16xf32>
        %add3A_363 = arith.constant 10 : i32
        %add3A_364 = arith.addi %mul3A_74, %add3A_363 : i32
        %get3A_365 = arith.index_cast %add3A_364 : i32 to index
        %get3A_366 = arith.constant 48 : index
        %get3A_367 = tpu.vector_load %arg6[%get3A_365, %get3A_366] {strides = array<i32>} : memref<400x64xf32, #tpu.memory_space<vmem>>, vector<1x16xf32>,
        %get3A_368 = vector.shape_cast %get3A_367 : vector<1x16xf32> to vector<16xf32>
        %add3A_369 = arith.addf %add3A_341, %get3A_368 : vector<16xf32>
        %add3A_370 = arith.constant 11 : i32
        %add3A_371 = arith.addi %mul3A_74, %add3A_370 : i32
        %get3A_372 = arith.index_cast %add3A_371 : i32 to index
        %get3A_373 = arith.constant 0 : index
        %get3A_374 = tpu.vector_load %arg6[%get3A_372, %get3A_373] {strides = array<i32>} : memref<400x64xf32, #tpu.memory_space<vmem>>, vector<1x16xf32>,
        %get3A_375 = vector.shape_cast %get3A_374 : vector<1x16xf32> to vector<16xf32>
        %add3A_376 = arith.addf %add3A_348, %get3A_375 : vector<16xf32>
        %add3A_377 = arith.constant 11 : i32
        %add3A_378 = arith.addi %mul3A_74, %add3A_377 : i32
        %get3A_379 = arith.index_cast %add3A_378 : i32 to index
        %get3A_380 = arith.constant 16 : index
        %get3A_381 = tpu.vector_load %arg6[%get3A_379, %get3A_380] {strides = array<i32>} : memref<400x64xf32, #tpu.memory_space<vmem>>, vector<1x16xf32>,
        %get3A_382 = vector.shape_cast %get3A_381 : vector<1x16xf32> to vector<16xf32>
        %add3A_383 = arith.addf %add3A_355, %get3A_382 : vector<16xf32>
        %add3A_384 = arith.constant 11 : i32
        %add3A_385 = arith.addi %mul3A_74, %add3A_384 : i32
        %get3A_386 = arith.index_cast %add3A_385 : i32 to index
        %get3A_387 = arith.constant 32 : index
        %get3A_388 = tpu.vector_load %arg6[%get3A_386, %get3A_387] {strides = array<i32>} : memref<400x64xf32, #tpu.memory_space<vmem>>, vector<1x16xf32>,
        %get3A_389 = vector.shape_cast %get3A_388 : vector<1x16xf32> to vector<16xf32>
        %add3A_390 = arith.addf %add3A_362, %get3A_389 : vector<16xf32>
        %add3A_391 = arith.constant 11 : i32
        %add3A_392 = arith.addi %mul3A_74, %add3A_391 : i32
        %get3A_393 = arith.index_cast %add3A_392 : i32 to index
        %get3A_394 = arith.constant 48 : index
        %get3A_395 = tpu.vector_load %arg6[%get3A_393, %get3A_394] {strides = array<i32>} : memref<400x64xf32, #tpu.memory_space<vmem>>, vector<1x16xf32>,
        %get3A_396 = vector.shape_cast %get3A_395 : vector<1x16xf32> to vector<16xf32>
        %add3A_397 = arith.addf %add3A_369, %get3A_396 : vector<16xf32>
        %add3A_398 = arith.constant 12 : i32
        %add3A_399 = arith.addi %mul3A_74, %add3A_398 : i32
        %get3A_400 = arith.index_cast %add3A_399 : i32 to index
        %get3A_401 = arith.constant 0 : index
        %get3A_402 = tpu.vector_load %arg6[%get3A_400, %get3A_401] {strides = array<i32>} : memref<400x64xf32, #tpu.memory_space<vmem>>, vector<1x16xf32>,
        %get3A_403 = vector.shape_cast %get3A_402 : vector<1x16xf32> to vector<16xf32>
        %add3A_404 = arith.addf %add3A_376, %get3A_403 : vector<16xf32>
        %add3A_405 = arith.constant 12 : i32
        %add3A_406 = arith.addi %mul3A_74, %add3A_405 : i32
        %get3A_407 = arith.index_cast %add3A_406 : i32 to index
        %get3A_408 = arith.constant 16 : index
        %get3A_409 = tpu.vector_load %arg6[%get3A_407, %get3A_408] {strides = array<i32>} : memref<400x64xf32, #tpu.memory_space<vmem>>, vector<1x16xf32>,
        %get3A_410 = vector.shape_cast %get3A_409 : vector<1x16xf32> to vector<16xf32>
        %add3A_411 = arith.addf %add3A_383, %get3A_410 : vector<16xf32>
        %add3A_412 = arith.constant 12 : i32
        %add3A_413 = arith.addi %mul3A_74, %add3A_412 : i32
        %get3A_414 = arith.index_cast %add3A_413 : i32 to index
        %get3A_415 = arith.constant 32 : index
        %get3A_416 = tpu.vector_load %arg6[%get3A_414, %get3A_415] {strides = array<i32>} : memref<400x64xf32, #tpu.memory_space<vmem>>, vector<1x16xf32>,
        %get3A_417 = vector.shape_cast %get3A_416 : vector<1x16xf32> to vector<16xf32>
        %add3A_418 = arith.addf %add3A_390, %get3A_417 : vector<16xf32>
        %add3A_419 = arith.constant 12 : i32
        %add3A_420 = arith.addi %mul3A_74, %add3A_419 : i32
        %get3A_421 = arith.index_cast %add3A_420 : i32 to index
        %get3A_422 = arith.constant 48 : index
        %get3A_423 = tpu.vector_load %arg6[%get3A_421, %get3A_422] {strides = array<i32>} : memref<400x64xf32, #tpu.memory_space<vmem>>, vector<1x16xf32>,
        %get3A_424 = vector.shape_cast %get3A_423 : vector<1x16xf32> to vector<16xf32>
        %add3A_425 = arith.addf %add3A_397, %get3A_424 : vector<16xf32>
        %add3A_426 = arith.constant 13 : i32
        %add3A_427 = arith.addi %mul3A_74, %add3A_426 : i32
        %get3A_428 = arith.index_cast %add3A_427 : i32 to index
        %get3A_429 = arith.constant 0 : index
        %get3A_430 = tpu.vector_load %arg6[%get3A_428, %get3A_429] {strides = array<i32>} : memref<400x64xf32, #tpu.memory_space<vmem>>, vector<1x16xf32>,
        %get3A_431 = vector.shape_cast %get3A_430 : vector<1x16xf32> to vector<16xf32>
        %add3A_432 = arith.addf %add3A_404, %get3A_431 : vector<16xf32>
        %add3A_433 = arith.constant 13 : i32
        %add3A_434 = arith.addi %mul3A_74, %add3A_433 : i32
        %get3A_435 = arith.index_cast %add3A_434 : i32 to index
        %get3A_436 = arith.constant 16 : index
        %get3A_437 = tpu.vector_load %arg6[%get3A_435, %get3A_436] {strides = array<i32>} : memref<400x64xf32, #tpu.memory_space<vmem>>, vector<1x16xf32>,
        %get3A_438 = vector.shape_cast %get3A_437 : vector<1x16xf32> to vector<16xf32>
        %add3A_439 = arith.addf %add3A_411, %get3A_438 : vector<16xf32>
        %add3A_440 = arith.constant 13 : i32
        %add3A_441 = arith.addi %mul3A_74, %add3A_440 : i32
        %get3A_442 = arith.index_cast %add3A_441 : i32 to index
        %get3A_443 = arith.constant 32 : index
        %get3A_444 = tpu.vector_load %arg6[%get3A_442, %get3A_443] {strides = array<i32>} : memref<400x64xf32, #tpu.memory_space<vmem>>, vector<1x16xf32>,
        %get3A_445 = vector.shape_cast %get3A_444 : vector<1x16xf32> to vector<16xf32>
        %add3A_446 = arith.addf %add3A_418, %get3A_445 : vector<16xf32>
        %add3A_447 = arith.constant 13 : i32
        %add3A_448 = arith.addi %mul3A_74, %add3A_447 : i32
        %get3A_449 = arith.index_cast %add3A_448 : i32 to index
        %get3A_450 = arith.constant 48 : index
        %get3A_451 = tpu.vector_load %arg6[%get3A_449, %get3A_450] {strides = array<i32>} : memref<400x64xf32, #tpu.memory_space<vmem>>, vector<1x16xf32>,
        %get3A_452 = vector.shape_cast %get3A_451 : vector<1x16xf32> to vector<16xf32>
        %add3A_453 = arith.addf %add3A_425, %get3A_452 : vector<16xf32>
        %add3A_454 = arith.constant 14 : i32
        %add3A_455 = arith.addi %mul3A_74, %add3A_454 : i32
        %get3A_456 = arith.index_cast %add3A_455 : i32 to index
        %get3A_457 = arith.constant 0 : index
        %get3A_458 = tpu.vector_load %arg6[%get3A_456, %get3A_457] {strides = array<i32>} : memref<400x64xf32, #tpu.memory_space<vmem>>, vector<1x16xf32>,
        %get3A_459 = vector.shape_cast %get3A_458 : vector<1x16xf32> to vector<16xf32>
        %add3A_460 = arith.addf %add3A_432, %get3A_459 : vector<16xf32>
        %add3A_461 = arith.constant 14 : i32
        %add3A_462 = arith.addi %mul3A_74, %add3A_461 : i32
        %get3A_463 = arith.index_cast %add3A_462 : i32 to index
        %get3A_464 = arith.constant 16 : index
        %get3A_465 = tpu.vector_load %arg6[%get3A_463, %get3A_464] {strides = array<i32>} : memref<400x64xf32, #tpu.memory_space<vmem>>, vector<1x16xf32>,
        %get3A_466 = vector.shape_cast %get3A_465 : vector<1x16xf32> to vector<16xf32>
        %add3A_467 = arith.addf %add3A_439, %get3A_466 : vector<16xf32>
        %add3A_468 = arith.constant 14 : i32
        %add3A_469 = arith.addi %mul3A_74, %add3A_468 : i32
        %get3A_470 = arith.index_cast %add3A_469 : i32 to index
        %get3A_471 = arith.constant 32 : index
        %get3A_472 = tpu.vector_load %arg6[%get3A_470, %get3A_471] {strides = array<i32>} : memref<400x64xf32, #tpu.memory_space<vmem>>, vector<1x16xf32>,
        %get3A_473 = vector.shape_cast %get3A_472 : vector<1x16xf32> to vector<16xf32>
        %add3A_474 = arith.addf %add3A_446, %get3A_473 : vector<16xf32>
        %add3A_475 = arith.constant 14 : i32
        %add3A_476 = arith.addi %mul3A_74, %add3A_475 : i32
        %get3A_477 = arith.index_cast %add3A_476 : i32 to index
        %get3A_478 = arith.constant 48 : index
        %get3A_479 = tpu.vector_load %arg6[%get3A_477, %get3A_478] {strides = array<i32>} : memref<400x64xf32, #tpu.memory_space<vmem>>, vector<1x16xf32>,
        %get3A_480 = vector.shape_cast %get3A_479 : vector<1x16xf32> to vector<16xf32>
        %add3A_481 = arith.addf %add3A_453, %get3A_480 : vector<16xf32>
        %add3A_482 = arith.constant 15 : i32
        %add3A_483 = arith.addi %mul3A_74, %add3A_482 : i32
        %get3A_484 = arith.index_cast %add3A_483 : i32 to index
        %get3A_485 = arith.constant 0 : index
        %get3A_486 = tpu.vector_load %arg6[%get3A_484, %get3A_485] {strides = array<i32>} : memref<400x64xf32, #tpu.memory_space<vmem>>, vector<1x16xf32>,
        %get3A_487 = vector.shape_cast %get3A_486 : vector<1x16xf32> to vector<16xf32>
        %add3A_488 = arith.addf %add3A_460, %get3A_487 : vector<16xf32>
        %add3A_489 = arith.constant 15 : i32
        %add3A_490 = arith.addi %mul3A_74, %add3A_489 : i32
        %get3A_491 = arith.index_cast %add3A_490 : i32 to index
        %get3A_492 = arith.constant 16 : index
        %get3A_493 = tpu.vector_load %arg6[%get3A_491, %get3A_492] {strides = array<i32>} : memref<400x64xf32, #tpu.memory_space<vmem>>, vector<1x16xf32>,
        %get3A_494 = vector.shape_cast %get3A_493 : vector<1x16xf32> to vector<16xf32>
        %add3A_495 = arith.addf %add3A_467, %get3A_494 : vector<16xf32>
        %add3A_496 = arith.constant 15 : i32
        %add3A_497 = arith.addi %mul3A_74, %add3A_496 : i32
        %get3A_498 = arith.index_cast %add3A_497 : i32 to index
        %get3A_499 = arith.constant 32 : index
        %get3A_500 = tpu.vector_load %arg6[%get3A_498, %get3A_499] {strides = array<i32>} : memref<400x64xf32, #tpu.memory_space<vmem>>, vector<1x16xf32>,
        %get3A_501 = vector.shape_cast %get3A_500 : vector<1x16xf32> to vector<16xf32>
        %add3A_502 = arith.addf %add3A_474, %get3A_501 : vector<16xf32>
        %add3A_503 = arith.constant 15 : i32
        %add3A_504 = arith.addi %mul3A_74, %add3A_503 : i32
        %get3A_505 = arith.index_cast %add3A_504 : i32 to index
        %get3A_506 = arith.constant 48 : index
        %get3A_507 = tpu.vector_load %arg6[%get3A_505, %get3A_506] {strides = array<i32>} : memref<400x64xf32, #tpu.memory_space<vmem>>, vector<1x16xf32>,
        %get3A_508 = vector.shape_cast %get3A_507 : vector<1x16xf32> to vector<16xf32>
        %add3A_509 = arith.addf %add3A_481, %get3A_508 : vector<16xf32>
        %add3A_510 = arith.constant 16 : i32
        %add3A_511 = arith.addi %mul3A_74, %add3A_510 : i32
        %get3A_512 = arith.index_cast %add3A_511 : i32 to index
        %get3A_513 = arith.constant 0 : index
        %get3A_514 = tpu.vector_load %arg6[%get3A_512, %get3A_513] {strides = array<i32>} : memref<400x64xf32, #tpu.memory_space<vmem>>, vector<1x16xf32>,
        %get3A_515 = vector.shape_cast %get3A_514 : vector<1x16xf32> to vector<16xf32>
        %add3A_516 = arith.addf %add3A_488, %get3A_515 : vector<16xf32>
        %add3A_517 = arith.constant 16 : i32
        %add3A_518 = arith.addi %mul3A_74, %add3A_517 : i32
        %get3A_519 = arith.index_cast %add3A_518 : i32 to index
        %get3A_520 = arith.constant 16 : index
        %get3A_521 = tpu.vector_load %arg6[%get3A_519, %get3A_520] {strides = array<i32>} : memref<400x64xf32, #tpu.memory_space<vmem>>, vector<1x16xf32>,
        %get3A_522 = vector.shape_cast %get3A_521 : vector<1x16xf32> to vector<16xf32>
        %add3A_523 = arith.addf %add3A_495, %get3A_522 : vector<16xf32>
        %add3A_524 = arith.constant 16 : i32
        %add3A_525 = arith.addi %mul3A_74, %add3A_524 : i32
        %get3A_526 = arith.index_cast %add3A_525 : i32 to index
        %get3A_527 = arith.constant 32 : index
        %get3A_528 = tpu.vector_load %arg6[%get3A_526, %get3A_527] {strides = array<i32>} : memref<400x64xf32, #tpu.memory_space<vmem>>, vector<1x16xf32>,
        %get3A_529 = vector.shape_cast %get3A_528 : vector<1x16xf32> to vector<16xf32>
        %add3A_530 = arith.addf %add3A_502, %get3A_529 : vector<16xf32>
        %add3A_531 = arith.constant 16 : i32
        %add3A_532 = arith.addi %mul3A_74, %add3A_531 : i32
        %get3A_533 = arith.index_cast %add3A_532 : i32 to index
        %get3A_534 = arith.constant 48 : index
        %get3A_535 = tpu.vector_load %arg6[%get3A_533, %get3A_534] {strides = array<i32>} : memref<400x64xf32, #tpu.memory_space<vmem>>, vector<1x16xf32>,
        %get3A_536 = vector.shape_cast %get3A_535 : vector<1x16xf32> to vector<16xf32>
        %add3A_537 = arith.addf %add3A_509, %get3A_536 : vector<16xf32>
        %add3A_538 = arith.constant 17 : i32
        %add3A_539 = arith.addi %mul3A_74, %add3A_538 : i32
        %get3A_540 = arith.index_cast %add3A_539 : i32 to index
        %get3A_541 = arith.constant 0 : index
        %get3A_542 = tpu.vector_load %arg6[%get3A_540, %get3A_541] {strides = array<i32>} : memref<400x64xf32, #tpu.memory_space<vmem>>, vector<1x16xf32>,
        %get3A_543 = vector.shape_cast %get3A_542 : vector<1x16xf32> to vector<16xf32>
        %add3A_544 = arith.addf %add3A_516, %get3A_543 : vector<16xf32>
        %add3A_545 = arith.constant 17 : i32
        %add3A_546 = arith.addi %mul3A_74, %add3A_545 : i32
        %get3A_547 = arith.index_cast %add3A_546 : i32 to index
        %get3A_548 = arith.constant 16 : index
        %get3A_549 = tpu.vector_load %arg6[%get3A_547, %get3A_548] {strides = array<i32>} : memref<400x64xf32, #tpu.memory_space<vmem>>, vector<1x16xf32>,
        %get3A_550 = vector.shape_cast %get3A_549 : vector<1x16xf32> to vector<16xf32>
        %add3A_551 = arith.addf %add3A_523, %get3A_550 : vector<16xf32>
        %add3A_552 = arith.constant 17 : i32
        %add3A_553 = arith.addi %mul3A_74, %add3A_552 : i32
        %get3A_554 = arith.index_cast %add3A_553 : i32 to index
        %get3A_555 = arith.constant 32 : index
        %get3A_556 = tpu.vector_load %arg6[%get3A_554, %get3A_555] {strides = array<i32>} : memref<400x64xf32, #tpu.memory_space<vmem>>, vector<1x16xf32>,
        %get3A_557 = vector.shape_cast %get3A_556 : vector<1x16xf32> to vector<16xf32>
        %add3A_558 = arith.addf %add3A_530, %get3A_557 : vector<16xf32>
        %add3A_559 = arith.constant 17 : i32
        %add3A_560 = arith.addi %mul3A_74, %add3A_559 : i32
        %get3A_561 = arith.index_cast %add3A_560 : i32 to index
        %get3A_562 = arith.constant 48 : index
        %get3A_563 = tpu.vector_load %arg6[%get3A_561, %get3A_562] {strides = array<i32>} : memref<400x64xf32, #tpu.memory_space<vmem>>, vector<1x16xf32>,
        %get3A_564 = vector.shape_cast %get3A_563 : vector<1x16xf32> to vector<16xf32>
        %add3A_565 = arith.addf %add3A_537, %get3A_564 : vector<16xf32>
        %add3A_566 = arith.constant 18 : i32
        %add3A_567 = arith.addi %mul3A_74, %add3A_566 : i32
        %get3A_568 = arith.index_cast %add3A_567 : i32 to index
        %get3A_569 = arith.constant 0 : index
        %get3A_570 = tpu.vector_load %arg6[%get3A_568, %get3A_569] {strides = array<i32>} : memref<400x64xf32, #tpu.memory_space<vmem>>, vector<1x16xf32>,
        %get3A_571 = vector.shape_cast %get3A_570 : vector<1x16xf32> to vector<16xf32>
        %add3A_572 = arith.addf %add3A_544, %get3A_571 : vector<16xf32>
        %add3A_573 = arith.constant 18 : i32
        %add3A_574 = arith.addi %mul3A_74, %add3A_573 : i32
        %get3A_575 = arith.index_cast %add3A_574 : i32 to index
        %get3A_576 = arith.constant 16 : index
        %get3A_577 = tpu.vector_load %arg6[%get3A_575, %get3A_576] {strides = array<i32>} : memref<400x64xf32, #tpu.memory_space<vmem>>, vector<1x16xf32>,
        %get3A_578 = vector.shape_cast %get3A_577 : vector<1x16xf32> to vector<16xf32>
        %add3A_579 = arith.addf %add3A_551, %get3A_578 : vector<16xf32>
        %add3A_580 = arith.constant 18 : i32
        %add3A_581 = arith.addi %mul3A_74, %add3A_580 : i32
        %get3A_582 = arith.index_cast %add3A_581 : i32 to index
        %get3A_583 = arith.constant 32 : index
        %get3A_584 = tpu.vector_load %arg6[%get3A_582, %get3A_583] {strides = array<i32>} : memref<400x64xf32, #tpu.memory_space<vmem>>, vector<1x16xf32>,
        %get3A_585 = vector.shape_cast %get3A_584 : vector<1x16xf32> to vector<16xf32>
        %add3A_586 = arith.addf %add3A_558, %get3A_585 : vector<16xf32>
        %add3A_587 = arith.constant 18 : i32
        %add3A_588 = arith.addi %mul3A_74, %add3A_587 : i32
        %get3A_589 = arith.index_cast %add3A_588 : i32 to index
        %get3A_590 = arith.constant 48 : index
        %get3A_591 = tpu.vector_load %arg6[%get3A_589, %get3A_590] {strides = array<i32>} : memref<400x64xf32, #tpu.memory_space<vmem>>, vector<1x16xf32>,
        %get3A_592 = vector.shape_cast %get3A_591 : vector<1x16xf32> to vector<16xf32>
        %add3A_593 = arith.addf %add3A_565, %get3A_592 : vector<16xf32>
        %add3A_594 = arith.constant 19 : i32
        %add3A_595 = arith.addi %mul3A_74, %add3A_594 : i32
        %get3A_596 = arith.index_cast %add3A_595 : i32 to index
        %get3A_597 = arith.constant 0 : index
        %get3A_598 = tpu.vector_load %arg6[%get3A_596, %get3A_597] {strides = array<i32>} : memref<400x64xf32, #tpu.memory_space<vmem>>, vector<1x16xf32>,
        %get3A_599 = vector.shape_cast %get3A_598 : vector<1x16xf32> to vector<16xf32>
        %add3A_600 = arith.addf %add3A_572, %get3A_599 : vector<16xf32>
        %add3A_601 = arith.constant 19 : i32
        %add3A_602 = arith.addi %mul3A_74, %add3A_601 : i32
        %get3A_603 = arith.index_cast %add3A_602 : i32 to index
        %get3A_604 = arith.constant 16 : index
        %get3A_605 = tpu.vector_load %arg6[%get3A_603, %get3A_604] {strides = array<i32>} : memref<400x64xf32, #tpu.memory_space<vmem>>, vector<1x16xf32>,
        %get3A_606 = vector.shape_cast %get3A_605 : vector<1x16xf32> to vector<16xf32>
        %add3A_607 = arith.addf %add3A_579, %get3A_606 : vector<16xf32>
        %add3A_608 = arith.constant 19 : i32
        %add3A_609 = arith.addi %mul3A_74, %add3A_608 : i32
        %get3A_610 = arith.index_cast %add3A_609 : i32 to index
        %get3A_611 = arith.constant 32 : index
        %get3A_612 = tpu.vector_load %arg6[%get3A_610, %get3A_611] {strides = array<i32>} : memref<400x64xf32, #tpu.memory_space<vmem>>, vector<1x16xf32>,
        %get3A_613 = vector.shape_cast %get3A_612 : vector<1x16xf32> to vector<16xf32>
        %add3A_614 = arith.addf %add3A_586, %get3A_613 : vector<16xf32>
        %add3A_615 = arith.constant 19 : i32
        %add3A_616 = arith.addi %mul3A_74, %add3A_615 : i32
        %get3A_617 = arith.index_cast %add3A_616 : i32 to index
        %get3A_618 = arith.constant 48 : index
        %get3A_619 = tpu.vector_load %arg6[%get3A_617, %get3A_618] {strides = array<i32>} : memref<400x64xf32, #tpu.memory_space<vmem>>, vector<1x16xf32>,
        %get3A_620 = vector.shape_cast %get3A_619 : vector<1x16xf32> to vector<16xf32>
        %add3A_621 = arith.addf %add3A_593, %get3A_620 : vector<16xf32>
        %add3A_622 = arith.constant 20 : i32
        %add3A_623 = arith.addi %mul3A_74, %add3A_622 : i32
        %get3A_624 = arith.index_cast %add3A_623 : i32 to index
        %get3A_625 = arith.constant 0 : index
        %get3A_626 = tpu.vector_load %arg6[%get3A_624, %get3A_625] {strides = array<i32>} : memref<400x64xf32, #tpu.memory_space<vmem>>, vector<1x16xf32>,
        %get3A_627 = vector.shape_cast %get3A_626 : vector<1x16xf32> to vector<16xf32>
        %add3A_628 = arith.addf %add3A_600, %get3A_627 : vector<16xf32>
        %add3A_629 = arith.constant 20 : i32
        %add3A_630 = arith.addi %mul3A_74, %add3A_629 : i32
        %get3A_631 = arith.index_cast %add3A_630 : i32 to index
        %get3A_632 = arith.constant 16 : index
        %get3A_633 = tpu.vector_load %arg6[%get3A_631, %get3A_632] {strides = array<i32>} : memref<400x64xf32, #tpu.memory_space<vmem>>, vector<1x16xf32>,
        %get3A_634 = vector.shape_cast %get3A_633 : vector<1x16xf32> to vector<16xf32>
        %add3A_635 = arith.addf %add3A_607, %get3A_634 : vector<16xf32>
        %add3A_636 = arith.constant 20 : i32
        %add3A_637 = arith.addi %mul3A_74, %add3A_636 : i32
        %get3A_638 = arith.index_cast %add3A_637 : i32 to index
        %get3A_639 = arith.constant 32 : index
        %get3A_640 = tpu.vector_load %arg6[%get3A_638, %get3A_639] {strides = array<i32>} : memref<400x64xf32, #tpu.memory_space<vmem>>, vector<1x16xf32>,
        %get3A_641 = vector.shape_cast %get3A_640 : vector<1x16xf32> to vector<16xf32>
        %add3A_642 = arith.addf %add3A_614, %get3A_641 : vector<16xf32>
        %add3A_643 = arith.constant 20 : i32
        %add3A_644 = arith.addi %mul3A_74, %add3A_643 : i32
        %get3A_645 = arith.index_cast %add3A_644 : i32 to index
        %get3A_646 = arith.constant 48 : index
        %get3A_647 = tpu.vector_load %arg6[%get3A_645, %get3A_646] {strides = array<i32>} : memref<400x64xf32, #tpu.memory_space<vmem>>, vector<1x16xf32>,
        %get3A_648 = vector.shape_cast %get3A_647 : vector<1x16xf32> to vector<16xf32>
        %add3A_649 = arith.addf %add3A_621, %get3A_648 : vector<16xf32>
        %add3A_650 = arith.constant 21 : i32
        %add3A_651 = arith.addi %mul3A_74, %add3A_650 : i32
        %get3A_652 = arith.index_cast %add3A_651 : i32 to index
        %get3A_653 = arith.constant 0 : index
        %get3A_654 = tpu.vector_load %arg6[%get3A_652, %get3A_653] {strides = array<i32>} : memref<400x64xf32, #tpu.memory_space<vmem>>, vector<1x16xf32>,
        %get3A_655 = vector.shape_cast %get3A_654 : vector<1x16xf32> to vector<16xf32>
        %add3A_656 = arith.addf %add3A_628, %get3A_655 : vector<16xf32>
        %add3A_657 = arith.constant 21 : i32
        %add3A_658 = arith.addi %mul3A_74, %add3A_657 : i32
        %get3A_659 = arith.index_cast %add3A_658 : i32 to index
        %get3A_660 = arith.constant 16 : index
        %get3A_661 = tpu.vector_load %arg6[%get3A_659, %get3A_660] {strides = array<i32>} : memref<400x64xf32, #tpu.memory_space<vmem>>, vector<1x16xf32>,
        %get3A_662 = vector.shape_cast %get3A_661 : vector<1x16xf32> to vector<16xf32>
        %add3A_663 = arith.addf %add3A_635, %get3A_662 : vector<16xf32>
        %add3A_664 = arith.constant 21 : i32
        %add3A_665 = arith.addi %mul3A_74, %add3A_664 : i32
        %get3A_666 = arith.index_cast %add3A_665 : i32 to index
        %get3A_667 = arith.constant 32 : index
        %get3A_668 = tpu.vector_load %arg6[%get3A_666, %get3A_667] {strides = array<i32>} : memref<400x64xf32, #tpu.memory_space<vmem>>, vector<1x16xf32>,
        %get3A_669 = vector.shape_cast %get3A_668 : vector<1x16xf32> to vector<16xf32>
        %add3A_670 = arith.addf %add3A_642, %get3A_669 : vector<16xf32>
        %add3A_671 = arith.constant 21 : i32
        %add3A_672 = arith.addi %mul3A_74, %add3A_671 : i32
        %get3A_673 = arith.index_cast %add3A_672 : i32 to index
        %get3A_674 = arith.constant 48 : index
        %get3A_675 = tpu.vector_load %arg6[%get3A_673, %get3A_674] {strides = array<i32>} : memref<400x64xf32, #tpu.memory_space<vmem>>, vector<1x16xf32>,
        %get3A_676 = vector.shape_cast %get3A_675 : vector<1x16xf32> to vector<16xf32>
        %add3A_677 = arith.addf %add3A_649, %get3A_676 : vector<16xf32>
        %add3A_678 = arith.constant 22 : i32
        %add3A_679 = arith.addi %mul3A_74, %add3A_678 : i32
        %get3A_680 = arith.index_cast %add3A_679 : i32 to index
        %get3A_681 = arith.constant 0 : index
        %get3A_682 = tpu.vector_load %arg6[%get3A_680, %get3A_681] {strides = array<i32>} : memref<400x64xf32, #tpu.memory_space<vmem>>, vector<1x16xf32>,
        %get3A_683 = vector.shape_cast %get3A_682 : vector<1x16xf32> to vector<16xf32>
        %add3A_684 = arith.addf %add3A_656, %get3A_683 : vector<16xf32>
        %add3A_685 = arith.constant 22 : i32
        %add3A_686 = arith.addi %mul3A_74, %add3A_685 : i32
        %get3A_687 = arith.index_cast %add3A_686 : i32 to index
        %get3A_688 = arith.constant 16 : index
        %get3A_689 = tpu.vector_load %arg6[%get3A_687, %get3A_688] {strides = array<i32>} : memref<400x64xf32, #tpu.memory_space<vmem>>, vector<1x16xf32>,
        %get3A_690 = vector.shape_cast %get3A_689 : vector<1x16xf32> to vector<16xf32>
        %add3A_691 = arith.addf %add3A_663, %get3A_690 : vector<16xf32>
        %add3A_692 = arith.constant 22 : i32
        %add3A_693 = arith.addi %mul3A_74, %add3A_692 : i32
        %get3A_694 = arith.index_cast %add3A_693 : i32 to index
        %get3A_695 = arith.constant 32 : index
        %get3A_696 = tpu.vector_load %arg6[%get3A_694, %get3A_695] {strides = array<i32>} : memref<400x64xf32, #tpu.memory_space<vmem>>, vector<1x16xf32>,
        %get3A_697 = vector.shape_cast %get3A_696 : vector<1x16xf32> to vector<16xf32>
        %add3A_698 = arith.addf %add3A_670, %get3A_697 : vector<16xf32>
        %add3A_699 = arith.constant 22 : i32
        %add3A_700 = arith.addi %mul3A_74, %add3A_699 : i32
        %get3A_701 = arith.index_cast %add3A_700 : i32 to index
        %get3A_702 = arith.constant 48 : index
        %get3A_703 = tpu.vector_load %arg6[%get3A_701, %get3A_702] {strides = array<i32>} : memref<400x64xf32, #tpu.memory_space<vmem>>, vector<1x16xf32>,
        %get3A_704 = vector.shape_cast %get3A_703 : vector<1x16xf32> to vector<16xf32>
        %add3A_705 = arith.addf %add3A_677, %get3A_704 : vector<16xf32>
        %add3A_706 = arith.constant 23 : i32
        %add3A_707 = arith.addi %mul3A_74, %add3A_706 : i32
        %get3A_708 = arith.index_cast %add3A_707 : i32 to index
        %get3A_709 = arith.constant 0 : index
        %get3A_710 = tpu.vector_load %arg6[%get3A_708, %get3A_709] {strides = array<i32>} : memref<400x64xf32, #tpu.memory_space<vmem>>, vector<1x16xf32>,
        %get3A_711 = vector.shape_cast %get3A_710 : vector<1x16xf32> to vector<16xf32>
        %add3A_712 = arith.addf %add3A_684, %get3A_711 : vector<16xf32>
        %add3A_713 = arith.constant 23 : i32
        %add3A_714 = arith.addi %mul3A_74, %add3A_713 : i32
        %get3A_715 = arith.index_cast %add3A_714 : i32 to index
        %get3A_716 = arith.constant 16 : index
        %get3A_717 = tpu.vector_load %arg6[%get3A_715, %get3A_716] {strides = array<i32>} : memref<400x64xf32, #tpu.memory_space<vmem>>, vector<1x16xf32>,
        %get3A_718 = vector.shape_cast %get3A_717 : vector<1x16xf32> to vector<16xf32>
        %add3A_719 = arith.addf %add3A_691, %get3A_718 : vector<16xf32>
        %add3A_720 = arith.constant 23 : i32
        %add3A_721 = arith.addi %mul3A_74, %add3A_720 : i32
        %get3A_722 = arith.index_cast %add3A_721 : i32 to index
        %get3A_723 = arith.constant 32 : index
        %get3A_724 = tpu.vector_load %arg6[%get3A_722, %get3A_723] {strides = array<i32>} : memref<400x64xf32, #tpu.memory_space<vmem>>, vector<1x16xf32>,
        %get3A_725 = vector.shape_cast %get3A_724 : vector<1x16xf32> to vector<16xf32>
        %add3A_726 = arith.addf %add3A_698, %get3A_725 : vector<16xf32>
        %add3A_727 = arith.constant 23 : i32
        %add3A_728 = arith.addi %mul3A_74, %add3A_727 : i32
        %get3A_729 = arith.index_cast %add3A_728 : i32 to index
        %get3A_730 = arith.constant 48 : index
        %get3A_731 = tpu.vector_load %arg6[%get3A_729, %get3A_730] {strides = array<i32>} : memref<400x64xf32, #tpu.memory_space<vmem>>, vector<1x16xf32>,
        %get3A_732 = vector.shape_cast %get3A_731 : vector<1x16xf32> to vector<16xf32>
        %add3A_733 = arith.addf %add3A_705, %get3A_732 : vector<16xf32>
        %add3A_734 = arith.constant 24 : i32
        %add3A_735 = arith.addi %mul3A_74, %add3A_734 : i32
        %get3A_736 = arith.index_cast %add3A_735 : i32 to index
        %get3A_737 = arith.constant 0 : index
        %get3A_738 = tpu.vector_load %arg6[%get3A_736, %get3A_737] {strides = array<i32>} : memref<400x64xf32, #tpu.memory_space<vmem>>, vector<1x16xf32>,
        %get3A_739 = vector.shape_cast %get3A_738 : vector<1x16xf32> to vector<16xf32>
        %add3A_740 = arith.addf %add3A_712, %get3A_739 : vector<16xf32>
        %add3A_741 = arith.constant 24 : i32
        %add3A_742 = arith.addi %mul3A_74, %add3A_741 : i32
        %get3A_743 = arith.index_cast %add3A_742 : i32 to index
        %get3A_744 = arith.constant 16 : index
        %get3A_745 = tpu.vector_load %arg6[%get3A_743, %get3A_744] {strides = array<i32>} : memref<400x64xf32, #tpu.memory_space<vmem>>, vector<1x16xf32>,
        %get3A_746 = vector.shape_cast %get3A_745 : vector<1x16xf32> to vector<16xf32>
        %add3A_747 = arith.addf %add3A_719, %get3A_746 : vector<16xf32>
        %add3A_748 = arith.constant 24 : i32
        %add3A_749 = arith.addi %mul3A_74, %add3A_748 : i32
        %get3A_750 = arith.index_cast %add3A_749 : i32 to index
        %get3A_751 = arith.constant 32 : index
        %get3A_752 = tpu.vector_load %arg6[%get3A_750, %get3A_751] {strides = array<i32>} : memref<400x64xf32, #tpu.memory_space<vmem>>, vector<1x16xf32>,
        %get3A_753 = vector.shape_cast %get3A_752 : vector<1x16xf32> to vector<16xf32>
        %add3A_754 = arith.addf %add3A_726, %get3A_753 : vector<16xf32>
        %add3A_755 = arith.constant 24 : i32
        %add3A_756 = arith.addi %mul3A_74, %add3A_755 : i32
        %get3A_757 = arith.index_cast %add3A_756 : i32 to index
        %get3A_758 = arith.constant 48 : index
        %get3A_759 = tpu.vector_load %arg6[%get3A_757, %get3A_758] {strides = array<i32>} : memref<400x64xf32, #tpu.memory_space<vmem>>, vector<1x16xf32>,
        %get3A_760 = vector.shape_cast %get3A_759 : vector<1x16xf32> to vector<16xf32>
        %add3A_761 = arith.addf %add3A_733, %get3A_760 : vector<16xf32>
        %add3A_762 = arith.constant 25 : i32
        %add3A_763 = arith.addi %mul3A_74, %add3A_762 : i32
        %get3A_764 = arith.index_cast %add3A_763 : i32 to index
        %get3A_765 = arith.constant 0 : index
        %get3A_766 = tpu.vector_load %arg6[%get3A_764, %get3A_765] {strides = array<i32>} : memref<400x64xf32, #tpu.memory_space<vmem>>, vector<1x16xf32>,
        %get3A_767 = vector.shape_cast %get3A_766 : vector<1x16xf32> to vector<16xf32>
        %add3A_768 = arith.addf %add3A_740, %get3A_767 : vector<16xf32>
        %add3A_769 = arith.constant 25 : i32
        %add3A_770 = arith.addi %mul3A_74, %add3A_769 : i32
        %get3A_771 = arith.index_cast %add3A_770 : i32 to index
        %get3A_772 = arith.constant 16 : index
        %get3A_773 = tpu.vector_load %arg6[%get3A_771, %get3A_772] {strides = array<i32>} : memref<400x64xf32, #tpu.memory_space<vmem>>, vector<1x16xf32>,
        %get3A_774 = vector.shape_cast %get3A_773 : vector<1x16xf32> to vector<16xf32>
        %add3A_775 = arith.addf %add3A_747, %get3A_774 : vector<16xf32>
        %add3A_776 = arith.constant 25 : i32
        %add3A_777 = arith.addi %mul3A_74, %add3A_776 : i32
        %get3A_778 = arith.index_cast %add3A_777 : i32 to index
        %get3A_779 = arith.constant 32 : index
        %get3A_780 = tpu.vector_load %arg6[%get3A_778, %get3A_779] {strides = array<i32>} : memref<400x64xf32, #tpu.memory_space<vmem>>, vector<1x16xf32>,
        %get3A_781 = vector.shape_cast %get3A_780 : vector<1x16xf32> to vector<16xf32>
        %add3A_782 = arith.addf %add3A_754, %get3A_781 : vector<16xf32>
        %add3A_783 = arith.constant 25 : i32
        %add3A_784 = arith.addi %mul3A_74, %add3A_783 : i32
        %get3A_785 = arith.index_cast %add3A_784 : i32 to index
        %get3A_786 = arith.constant 48 : index
        %get3A_787 = tpu.vector_load %arg6[%get3A_785, %get3A_786] {strides = array<i32>} : memref<400x64xf32, #tpu.memory_space<vmem>>, vector<1x16xf32>,
        %get3A_788 = vector.shape_cast %get3A_787 : vector<1x16xf32> to vector<16xf32>
        %add3A_789 = arith.addf %add3A_761, %get3A_788 : vector<16xf32>
        %add3A_790 = arith.constant 26 : i32
        %add3A_791 = arith.addi %mul3A_74, %add3A_790 : i32
        %get3A_792 = arith.index_cast %add3A_791 : i32 to index
        %get3A_793 = arith.constant 0 : index
        %get3A_794 = tpu.vector_load %arg6[%get3A_792, %get3A_793] {strides = array<i32>} : memref<400x64xf32, #tpu.memory_space<vmem>>, vector<1x16xf32>,
        %get3A_795 = vector.shape_cast %get3A_794 : vector<1x16xf32> to vector<16xf32>
        %add3A_796 = arith.addf %add3A_768, %get3A_795 : vector<16xf32>
        %add3A_797 = arith.constant 26 : i32
        %add3A_798 = arith.addi %mul3A_74, %add3A_797 : i32
        %get3A_799 = arith.index_cast %add3A_798 : i32 to index
        %get3A_800 = arith.constant 16 : index
        %get3A_801 = tpu.vector_load %arg6[%get3A_799, %get3A_800] {strides = array<i32>} : memref<400x64xf32, #tpu.memory_space<vmem>>, vector<1x16xf32>,
        %get3A_802 = vector.shape_cast %get3A_801 : vector<1x16xf32> to vector<16xf32>
        %add3A_803 = arith.addf %add3A_775, %get3A_802 : vector<16xf32>
        %add3A_804 = arith.constant 26 : i32
        %add3A_805 = arith.addi %mul3A_74, %add3A_804 : i32
        %get3A_806 = arith.index_cast %add3A_805 : i32 to index
        %get3A_807 = arith.constant 32 : index
        %get3A_808 = tpu.vector_load %arg6[%get3A_806, %get3A_807] {strides = array<i32>} : memref<400x64xf32, #tpu.memory_space<vmem>>, vector<1x16xf32>,
        %get3A_809 = vector.shape_cast %get3A_808 : vector<1x16xf32> to vector<16xf32>
        %add3A_810 = arith.addf %add3A_782, %get3A_809 : vector<16xf32>
        %add3A_811 = arith.constant 26 : i32
        %add3A_812 = arith.addi %mul3A_74, %add3A_811 : i32
        %get3A_813 = arith.index_cast %add3A_812 : i32 to index
        %get3A_814 = arith.constant 48 : index
        %get3A_815 = tpu.vector_load %arg6[%get3A_813, %get3A_814] {strides = array<i32>} : memref<400x64xf32, #tpu.memory_space<vmem>>, vector<1x16xf32>,
        %get3A_816 = vector.shape_cast %get3A_815 : vector<1x16xf32> to vector<16xf32>
        %add3A_817 = arith.addf %add3A_789, %get3A_816 : vector<16xf32>
        %add3A_818 = arith.constant 27 : i32
        %add3A_819 = arith.addi %mul3A_74, %add3A_818 : i32
        %get3A_820 = arith.index_cast %add3A_819 : i32 to index
        %get3A_821 = arith.constant 0 : index
        %get3A_822 = tpu.vector_load %arg6[%get3A_820, %get3A_821] {strides = array<i32>} : memref<400x64xf32, #tpu.memory_space<vmem>>, vector<1x16xf32>,
        %get3A_823 = vector.shape_cast %get3A_822 : vector<1x16xf32> to vector<16xf32>
        %add3A_824 = arith.addf %add3A_796, %get3A_823 : vector<16xf32>
        %add3A_825 = arith.constant 27 : i32
        %add3A_826 = arith.addi %mul3A_74, %add3A_825 : i32
        %get3A_827 = arith.index_cast %add3A_826 : i32 to index
        %get3A_828 = arith.constant 16 : index
        %get3A_829 = tpu.vector_load %arg6[%get3A_827, %get3A_828] {strides = array<i32>} : memref<400x64xf32, #tpu.memory_space<vmem>>, vector<1x16xf32>,
        %get3A_830 = vector.shape_cast %get3A_829 : vector<1x16xf32> to vector<16xf32>
        %add3A_831 = arith.addf %add3A_803, %get3A_830 : vector<16xf32>
        %add3A_832 = arith.constant 27 : i32
        %add3A_833 = arith.addi %mul3A_74, %add3A_832 : i32
        %get3A_834 = arith.index_cast %add3A_833 : i32 to index
        %get3A_835 = arith.constant 32 : index
        %get3A_836 = tpu.vector_load %arg6[%get3A_834, %get3A_835] {strides = array<i32>} : memref<400x64xf32, #tpu.memory_space<vmem>>, vector<1x16xf32>,
        %get3A_837 = vector.shape_cast %get3A_836 : vector<1x16xf32> to vector<16xf32>
        %add3A_838 = arith.addf %add3A_810, %get3A_837 : vector<16xf32>
        %add3A_839 = arith.constant 27 : i32
        %add3A_840 = arith.addi %mul3A_74, %add3A_839 : i32
        %get3A_841 = arith.index_cast %add3A_840 : i32 to index
        %get3A_842 = arith.constant 48 : index
        %get3A_843 = tpu.vector_load %arg6[%get3A_841, %get3A_842] {strides = array<i32>} : memref<400x64xf32, #tpu.memory_space<vmem>>, vector<1x16xf32>,
        %get3A_844 = vector.shape_cast %get3A_843 : vector<1x16xf32> to vector<16xf32>
        %add3A_845 = arith.addf %add3A_817, %get3A_844 : vector<16xf32>
        %add3A_846 = arith.constant 28 : i32
        %add3A_847 = arith.addi %mul3A_74, %add3A_846 : i32
        %get3A_848 = arith.index_cast %add3A_847 : i32 to index
        %get3A_849 = arith.constant 0 : index
        %get3A_850 = tpu.vector_load %arg6[%get3A_848, %get3A_849] {strides = array<i32>} : memref<400x64xf32, #tpu.memory_space<vmem>>, vector<1x16xf32>,
        %get3A_851 = vector.shape_cast %get3A_850 : vector<1x16xf32> to vector<16xf32>
        %add3A_852 = arith.addf %add3A_824, %get3A_851 : vector<16xf32>
        %add3A_853 = arith.constant 28 : i32
        %add3A_854 = arith.addi %mul3A_74, %add3A_853 : i32
        %get3A_855 = arith.index_cast %add3A_854 : i32 to index
        %get3A_856 = arith.constant 16 : index
        %get3A_857 = tpu.vector_load %arg6[%get3A_855, %get3A_856] {strides = array<i32>} : memref<400x64xf32, #tpu.memory_space<vmem>>, vector<1x16xf32>,
        %get3A_858 = vector.shape_cast %get3A_857 : vector<1x16xf32> to vector<16xf32>
        %add3A_859 = arith.addf %add3A_831, %get3A_858 : vector<16xf32>
        %add3A_860 = arith.constant 28 : i32
        %add3A_861 = arith.addi %mul3A_74, %add3A_860 : i32
        %get3A_862 = arith.index_cast %add3A_861 : i32 to index
        %get3A_863 = arith.constant 32 : index
        %get3A_864 = tpu.vector_load %arg6[%get3A_862, %get3A_863] {strides = array<i32>} : memref<400x64xf32, #tpu.memory_space<vmem>>, vector<1x16xf32>,
        %get3A_865 = vector.shape_cast %get3A_864 : vector<1x16xf32> to vector<16xf32>
        %add3A_866 = arith.addf %add3A_838, %get3A_865 : vector<16xf32>
        %add3A_867 = arith.constant 28 : i32
        %add3A_868 = arith.addi %mul3A_74, %add3A_867 : i32
        %get3A_869 = arith.index_cast %add3A_868 : i32 to index
        %get3A_870 = arith.constant 48 : index
        %get3A_871 = tpu.vector_load %arg6[%get3A_869, %get3A_870] {strides = array<i32>} : memref<400x64xf32, #tpu.memory_space<vmem>>, vector<1x16xf32>,
        %get3A_872 = vector.shape_cast %get3A_871 : vector<1x16xf32> to vector<16xf32>
        %add3A_873 = arith.addf %add3A_845, %get3A_872 : vector<16xf32>
        %add3A_874 = arith.constant 29 : i32
        %add3A_875 = arith.addi %mul3A_74, %add3A_874 : i32
        %get3A_876 = arith.index_cast %add3A_875 : i32 to index
        %get3A_877 = arith.constant 0 : index
        %get3A_878 = tpu.vector_load %arg6[%get3A_876, %get3A_877] {strides = array<i32>} : memref<400x64xf32, #tpu.memory_space<vmem>>, vector<1x16xf32>,
        %get3A_879 = vector.shape_cast %get3A_878 : vector<1x16xf32> to vector<16xf32>
        %add3A_880 = arith.addf %add3A_852, %get3A_879 : vector<16xf32>
        %add3A_881 = arith.constant 29 : i32
        %add3A_882 = arith.addi %mul3A_74, %add3A_881 : i32
        %get3A_883 = arith.index_cast %add3A_882 : i32 to index
        %get3A_884 = arith.constant 16 : index
        %get3A_885 = tpu.vector_load %arg6[%get3A_883, %get3A_884] {strides = array<i32>} : memref<400x64xf32, #tpu.memory_space<vmem>>, vector<1x16xf32>,
        %get3A_886 = vector.shape_cast %get3A_885 : vector<1x16xf32> to vector<16xf32>
        %add3A_887 = arith.addf %add3A_859, %get3A_886 : vector<16xf32>
        %add3A_888 = arith.constant 29 : i32
        %add3A_889 = arith.addi %mul3A_74, %add3A_888 : i32
        %get3A_890 = arith.index_cast %add3A_889 : i32 to index
        %get3A_891 = arith.constant 32 : index
        %get3A_892 = tpu.vector_load %arg6[%get3A_890, %get3A_891] {strides = array<i32>} : memref<400x64xf32, #tpu.memory_space<vmem>>, vector<1x16xf32>,
        %get3A_893 = vector.shape_cast %get3A_892 : vector<1x16xf32> to vector<16xf32>
        %add3A_894 = arith.addf %add3A_866, %get3A_893 : vector<16xf32>
        %add3A_895 = arith.constant 29 : i32
        %add3A_896 = arith.addi %mul3A_74, %add3A_895 : i32
        %get3A_897 = arith.index_cast %add3A_896 : i32 to index
        %get3A_898 = arith.constant 48 : index
        %get3A_899 = tpu.vector_load %arg6[%get3A_897, %get3A_898] {strides = array<i32>} : memref<400x64xf32, #tpu.memory_space<vmem>>, vector<1x16xf32>,
        %get3A_900 = vector.shape_cast %get3A_899 : vector<1x16xf32> to vector<16xf32>
        %add3A_901 = arith.addf %add3A_873, %get3A_900 : vector<16xf32>
        %add3A_902 = arith.constant 30 : i32
        %add3A_903 = arith.addi %mul3A_74, %add3A_902 : i32
        %get3A_904 = arith.index_cast %add3A_903 : i32 to index
        %get3A_905 = arith.constant 0 : index
        %get3A_906 = tpu.vector_load %arg6[%get3A_904, %get3A_905] {strides = array<i32>} : memref<400x64xf32, #tpu.memory_space<vmem>>, vector<1x16xf32>,
        %get3A_907 = vector.shape_cast %get3A_906 : vector<1x16xf32> to vector<16xf32>
        %add3A_908 = arith.addf %add3A_880, %get3A_907 : vector<16xf32>
        %add3A_909 = arith.constant 30 : i32
        %add3A_910 = arith.addi %mul3A_74, %add3A_909 : i32
        %get3A_911 = arith.index_cast %add3A_910 : i32 to index
        %get3A_912 = arith.constant 16 : index
        %get3A_913 = tpu.vector_load %arg6[%get3A_911, %get3A_912] {strides = array<i32>} : memref<400x64xf32, #tpu.memory_space<vmem>>, vector<1x16xf32>,
        %get3A_914 = vector.shape_cast %get3A_913 : vector<1x16xf32> to vector<16xf32>
        %add3A_915 = arith.addf %add3A_887, %get3A_914 : vector<16xf32>
        %add3A_916 = arith.constant 30 : i32
        %add3A_917 = arith.addi %mul3A_74, %add3A_916 : i32
        %get3A_918 = arith.index_cast %add3A_917 : i32 to index
        %get3A_919 = arith.constant 32 : index
        %get3A_920 = tpu.vector_load %arg6[%get3A_918, %get3A_919] {strides = array<i32>} : memref<400x64xf32, #tpu.memory_space<vmem>>, vector<1x16xf32>,
        %get3A_921 = vector.shape_cast %get3A_920 : vector<1x16xf32> to vector<16xf32>
        %add3A_922 = arith.addf %add3A_894, %get3A_921 : vector<16xf32>
        %add3A_923 = arith.constant 30 : i32
        %add3A_924 = arith.addi %mul3A_74, %add3A_923 : i32
        %get3A_925 = arith.index_cast %add3A_924 : i32 to index
        %get3A_926 = arith.constant 48 : index
        %get3A_927 = tpu.vector_load %arg6[%get3A_925, %get3A_926] {strides = array<i32>} : memref<400x64xf32, #tpu.memory_space<vmem>>, vector<1x16xf32>,
        %get3A_928 = vector.shape_cast %get3A_927 : vector<1x16xf32> to vector<16xf32>
        %add3A_929 = arith.addf %add3A_901, %get3A_928 : vector<16xf32>
        %add3A_930 = arith.constant 31 : i32
        %add3A_931 = arith.addi %mul3A_74, %add3A_930 : i32
        %get3A_932 = arith.index_cast %add3A_931 : i32 to index
        %get3A_933 = arith.constant 0 : index
        %get3A_934 = tpu.vector_load %arg6[%get3A_932, %get3A_933] {strides = array<i32>} : memref<400x64xf32, #tpu.memory_space<vmem>>, vector<1x16xf32>,
        %get3A_935 = vector.shape_cast %get3A_934 : vector<1x16xf32> to vector<16xf32>
        %add3A_936 = arith.addf %add3A_908, %get3A_935 : vector<16xf32>
        %add3A_937 = arith.constant 31 : i32
        %add3A_938 = arith.addi %mul3A_74, %add3A_937 : i32
        %get3A_939 = arith.index_cast %add3A_938 : i32 to index
        %get3A_940 = arith.constant 16 : index
        %get3A_941 = tpu.vector_load %arg6[%get3A_939, %get3A_940] {strides = array<i32>} : memref<400x64xf32, #tpu.memory_space<vmem>>, vector<1x16xf32>,
        %get3A_942 = vector.shape_cast %get3A_941 : vector<1x16xf32> to vector<16xf32>
        %add3A_943 = arith.addf %add3A_915, %get3A_942 : vector<16xf32>
        %add3A_944 = arith.constant 31 : i32
        %add3A_945 = arith.addi %mul3A_74, %add3A_944 : i32
        %get3A_946 = arith.index_cast %add3A_945 : i32 to index
        %get3A_947 = arith.constant 32 : index
        %get3A_948 = tpu.vector_load %arg6[%get3A_946, %get3A_947] {strides = array<i32>} : memref<400x64xf32, #tpu.memory_space<vmem>>, vector<1x16xf32>,
        %get3A_949 = vector.shape_cast %get3A_948 : vector<1x16xf32> to vector<16xf32>
        %add3A_950 = arith.addf %add3A_922, %get3A_949 : vector<16xf32>
        %add3A_951 = arith.constant 31 : i32
        %add3A_952 = arith.addi %mul3A_74, %add3A_951 : i32
        %get3A_953 = arith.index_cast %add3A_952 : i32 to index
        %get3A_954 = arith.constant 48 : index
        %get3A_955 = tpu.vector_load %arg6[%get3A_953, %get3A_954] {strides = array<i32>} : memref<400x64xf32, #tpu.memory_space<vmem>>, vector<1x16xf32>,
        %get3A_956 = vector.shape_cast %get3A_955 : vector<1x16xf32> to vector<16xf32>
        %add3A_957 = arith.addf %add3A_929, %get3A_956 : vector<16xf32>
        %add3A_958 = arith.constant 32 : i32
        %add3A_959 = arith.addi %mul3A_74, %add3A_958 : i32
        %get3A_960 = arith.index_cast %add3A_959 : i32 to index
        %get3A_961 = arith.constant 0 : index
        %get3A_962 = tpu.vector_load %arg6[%get3A_960, %get3A_961] {strides = array<i32>} : memref<400x64xf32, #tpu.memory_space<vmem>>, vector<1x16xf32>,
        %get3A_963 = vector.shape_cast %get3A_962 : vector<1x16xf32> to vector<16xf32>
        %add3A_964 = arith.addf %add3A_936, %get3A_963 : vector<16xf32>
        %add3A_965 = arith.constant 32 : i32
        %add3A_966 = arith.addi %mul3A_74, %add3A_965 : i32
        %get3A_967 = arith.index_cast %add3A_966 : i32 to index
        %get3A_968 = arith.constant 16 : index
        %get3A_969 = tpu.vector_load %arg6[%get3A_967, %get3A_968] {strides = array<i32>} : memref<400x64xf32, #tpu.memory_space<vmem>>, vector<1x16xf32>,
        %get3A_970 = vector.shape_cast %get3A_969 : vector<1x16xf32> to vector<16xf32>
        %add3A_971 = arith.addf %add3A_943, %get3A_970 : vector<16xf32>
        %add3A_972 = arith.constant 32 : i32
        %add3A_973 = arith.addi %mul3A_74, %add3A_972 : i32
        %get3A_974 = arith.index_cast %add3A_973 : i32 to index
        %get3A_975 = arith.constant 32 : index
        %get3A_976 = tpu.vector_load %arg6[%get3A_974, %get3A_975] {strides = array<i32>} : memref<400x64xf32, #tpu.memory_space<vmem>>, vector<1x16xf32>,
        %get3A_977 = vector.shape_cast %get3A_976 : vector<1x16xf32> to vector<16xf32>
        %add3A_978 = arith.addf %add3A_950, %get3A_977 : vector<16xf32>
        %add3A_979 = arith.constant 32 : i32
        %add3A_980 = arith.addi %mul3A_74, %add3A_979 : i32
        %get3A_981 = arith.index_cast %add3A_980 : i32 to index
        %get3A_982 = arith.constant 48 : index
        %get3A_983 = tpu.vector_load %arg6[%get3A_981, %get3A_982] {strides = array<i32>} : memref<400x64xf32, #tpu.memory_space<vmem>>, vector<1x16xf32>,
        %get3A_984 = vector.shape_cast %get3A_983 : vector<1x16xf32> to vector<16xf32>
        %add3A_985 = arith.addf %add3A_957, %get3A_984 : vector<16xf32>
        %add3A_986 = arith.constant 33 : i32
        %add3A_987 = arith.addi %mul3A_74, %add3A_986 : i32
        %get3A_988 = arith.index_cast %add3A_987 : i32 to index
        %get3A_989 = arith.constant 0 : index
        %get3A_990 = tpu.vector_load %arg6[%get3A_988, %get3A_989] {strides = array<i32>} : memref<400x64xf32, #tpu.memory_space<vmem>>, vector<1x16xf32>,
        %get3A_991 = vector.shape_cast %get3A_990 : vector<1x16xf32> to vector<16xf32>
        %add3A_992 = arith.addf %add3A_964, %get3A_991 : vector<16xf32>
        %add3A_993 = arith.constant 33 : i32
        %add3A_994 = arith.addi %mul3A_74, %add3A_993 : i32
        %get3A_995 = arith.index_cast %add3A_994 : i32 to index
        %get3A_996 = arith.constant 16 : index
        %get3A_997 = tpu.vector_load %arg6[%get3A_995, %get3A_996] {strides = array<i32>} : memref<400x64xf32, #tpu.memory_space<vmem>>, vector<1x16xf32>,
        %get3A_998 = vector.shape_cast %get3A_997 : vector<1x16xf32> to vector<16xf32>
        %add3A_999 = arith.addf %add3A_971, %get3A_998 : vector<16xf32>
        %add3A_1000 = arith.constant 33 : i32
        %add3A_1001 = arith.addi %mul3A_74, %add3A_1000 : i32
        %get3A_1002 = arith.index_cast %add3A_1001 : i32 to index
        %get3A_1003 = arith.constant 32 : index
        %get3A_1004 = tpu.vector_load %arg6[%get3A_1002, %get3A_1003] {strides = array<i32>} : memref<400x64xf32, #tpu.memory_space<vmem>>, vector<1x16xf32>,
        %get3A_1005 = vector.shape_cast %get3A_1004 : vector<1x16xf32> to vector<16xf32>
        %add3A_1006 = arith.addf %add3A_978, %get3A_1005 : vector<16xf32>
        %add3A_1007 = arith.constant 33 : i32
        %add3A_1008 = arith.addi %mul3A_74, %add3A_1007 : i32
        %get3A_1009 = arith.index_cast %add3A_1008 : i32 to index
        %get3A_1010 = arith.constant 48 : index
        %get3A_1011 = tpu.vector_load %arg6[%get3A_1009, %get3A_1010] {strides = array<i32>} : memref<400x64xf32, #tpu.memory_space<vmem>>, vector<1x16xf32>,
        %get3A_1012 = vector.shape_cast %get3A_1011 : vector<1x16xf32> to vector<16xf32>
        %add3A_1013 = arith.addf %add3A_985, %get3A_1012 : vector<16xf32>
        %add3A_1014 = arith.constant 34 : i32
        %add3A_1015 = arith.addi %mul3A_74, %add3A_1014 : i32
        %get3A_1016 = arith.index_cast %add3A_1015 : i32 to index
        %get3A_1017 = arith.constant 0 : index
        %get3A_1018 = tpu.vector_load %arg6[%get3A_1016, %get3A_1017] {strides = array<i32>} : memref<400x64xf32, #tpu.memory_space<vmem>>, vector<1x16xf32>,
        %get3A_1019 = vector.shape_cast %get3A_1018 : vector<1x16xf32> to vector<16xf32>
        %add3A_1020 = arith.addf %add3A_992, %get3A_1019 : vector<16xf32>
        %add3A_1021 = arith.constant 34 : i32
        %add3A_1022 = arith.addi %mul3A_74, %add3A_1021 : i32
        %get3A_1023 = arith.index_cast %add3A_1022 : i32 to index
        %get3A_1024 = arith.constant 16 : index
        %get3A_1025 = tpu.vector_load %arg6[%get3A_1023, %get3A_1024] {strides = array<i32>} : memref<400x64xf32, #tpu.memory_space<vmem>>, vector<1x16xf32>,
        %get3A_1026 = vector.shape_cast %get3A_1025 : vector<1x16xf32> to vector<16xf32>
        %add3A_1027 = arith.addf %add3A_999, %get3A_1026 : vector<16xf32>
        %add3A_1028 = arith.constant 34 : i32
        %add3A_1029 = arith.addi %mul3A_74, %add3A_1028 : i32
        %get3A_1030 = arith.index_cast %add3A_1029 : i32 to index
        %get3A_1031 = arith.constant 32 : index
        %get3A_1032 = tpu.vector_load %arg6[%get3A_1030, %get3A_1031] {strides = array<i32>} : memref<400x64xf32, #tpu.memory_space<vmem>>, vector<1x16xf32>,
        %get3A_1033 = vector.shape_cast %get3A_1032 : vector<1x16xf32> to vector<16xf32>
        %add3A_1034 = arith.addf %add3A_1006, %get3A_1033 : vector<16xf32>
        %add3A_1035 = arith.constant 34 : i32
        %add3A_1036 = arith.addi %mul3A_74, %add3A_1035 : i32
        %get3A_1037 = arith.index_cast %add3A_1036 : i32 to index
        %get3A_1038 = arith.constant 48 : index
        %get3A_1039 = tpu.vector_load %arg6[%get3A_1037, %get3A_1038] {strides = array<i32>} : memref<400x64xf32, #tpu.memory_space<vmem>>, vector<1x16xf32>,
        %get3A_1040 = vector.shape_cast %get3A_1039 : vector<1x16xf32> to vector<16xf32>
        %add3A_1041 = arith.addf %add3A_1013, %get3A_1040 : vector<16xf32>
        %add3A_1042 = arith.constant 35 : i32
        %add3A_1043 = arith.addi %mul3A_74, %add3A_1042 : i32
        %get3A_1044 = arith.index_cast %add3A_1043 : i32 to index
        %get3A_1045 = arith.constant 0 : index
        %get3A_1046 = tpu.vector_load %arg6[%get3A_1044, %get3A_1045] {strides = array<i32>} : memref<400x64xf32, #tpu.memory_space<vmem>>, vector<1x16xf32>,
        %get3A_1047 = vector.shape_cast %get3A_1046 : vector<1x16xf32> to vector<16xf32>
        %add3A_1048 = arith.addf %add3A_1020, %get3A_1047 : vector<16xf32>
        %add3A_1049 = arith.constant 35 : i32
        %add3A_1050 = arith.addi %mul3A_74, %add3A_1049 : i32
        %get3A_1051 = arith.index_cast %add3A_1050 : i32 to index
        %get3A_1052 = arith.constant 16 : index
        %get3A_1053 = tpu.vector_load %arg6[%get3A_1051, %get3A_1052] {strides = array<i32>} : memref<400x64xf32, #tpu.memory_space<vmem>>, vector<1x16xf32>,
        %get3A_1054 = vector.shape_cast %get3A_1053 : vector<1x16xf32> to vector<16xf32>
        %add3A_1055 = arith.addf %add3A_1027, %get3A_1054 : vector<16xf32>
        %add3A_1056 = arith.constant 35 : i32
        %add3A_1057 = arith.addi %mul3A_74, %add3A_1056 : i32
        %get3A_1058 = arith.index_cast %add3A_1057 : i32 to index
        %get3A_1059 = arith.constant 32 : index
        %get3A_1060 = tpu.vector_load %arg6[%get3A_1058, %get3A_1059] {strides = array<i32>} : memref<400x64xf32, #tpu.memory_space<vmem>>, vector<1x16xf32>,
        %get3A_1061 = vector.shape_cast %get3A_1060 : vector<1x16xf32> to vector<16xf32>
        %add3A_1062 = arith.addf %add3A_1034, %get3A_1061 : vector<16xf32>
        %add3A_1063 = arith.constant 35 : i32
        %add3A_1064 = arith.addi %mul3A_74, %add3A_1063 : i32
        %get3A_1065 = arith.index_cast %add3A_1064 : i32 to index
        %get3A_1066 = arith.constant 48 : index
        %get3A_1067 = tpu.vector_load %arg6[%get3A_1065, %get3A_1066] {strides = array<i32>} : memref<400x64xf32, #tpu.memory_space<vmem>>, vector<1x16xf32>,
        %get3A_1068 = vector.shape_cast %get3A_1067 : vector<1x16xf32> to vector<16xf32>
        %add3A_1069 = arith.addf %add3A_1041, %get3A_1068 : vector<16xf32>
        %add3A_1070 = arith.constant 36 : i32
        %add3A_1071 = arith.addi %mul3A_74, %add3A_1070 : i32
        %get3A_1072 = arith.index_cast %add3A_1071 : i32 to index
        %get3A_1073 = arith.constant 0 : index
        %get3A_1074 = tpu.vector_load %arg6[%get3A_1072, %get3A_1073] {strides = array<i32>} : memref<400x64xf32, #tpu.memory_space<vmem>>, vector<1x16xf32>,
        %get3A_1075 = vector.shape_cast %get3A_1074 : vector<1x16xf32> to vector<16xf32>
        %add3A_1076 = arith.addf %add3A_1048, %get3A_1075 : vector<16xf32>
        %add3A_1077 = arith.constant 36 : i32
        %add3A_1078 = arith.addi %mul3A_74, %add3A_1077 : i32
        %get3A_1079 = arith.index_cast %add3A_1078 : i32 to index
        %get3A_1080 = arith.constant 16 : index
        %get3A_1081 = tpu.vector_load %arg6[%get3A_1079, %get3A_1080] {strides = array<i32>} : memref<400x64xf32, #tpu.memory_space<vmem>>, vector<1x16xf32>,
        %get3A_1082 = vector.shape_cast %get3A_1081 : vector<1x16xf32> to vector<16xf32>
        %add3A_1083 = arith.addf %add3A_1055, %get3A_1082 : vector<16xf32>
        %add3A_1084 = arith.constant 36 : i32
        %add3A_1085 = arith.addi %mul3A_74, %add3A_1084 : i32
        %get3A_1086 = arith.index_cast %add3A_1085 : i32 to index
        %get3A_1087 = arith.constant 32 : index
        %get3A_1088 = tpu.vector_load %arg6[%get3A_1086, %get3A_1087] {strides = array<i32>} : memref<400x64xf32, #tpu.memory_space<vmem>>, vector<1x16xf32>,
        %get3A_1089 = vector.shape_cast %get3A_1088 : vector<1x16xf32> to vector<16xf32>
        %add3A_1090 = arith.addf %add3A_1062, %get3A_1089 : vector<16xf32>
        %add3A_1091 = arith.constant 36 : i32
        %add3A_1092 = arith.addi %mul3A_74, %add3A_1091 : i32
        %get3A_1093 = arith.index_cast %add3A_1092 : i32 to index
        %get3A_1094 = arith.constant 48 : index
        %get3A_1095 = tpu.vector_load %arg6[%get3A_1093, %get3A_1094] {strides = array<i32>} : memref<400x64xf32, #tpu.memory_space<vmem>>, vector<1x16xf32>,
        %get3A_1096 = vector.shape_cast %get3A_1095 : vector<1x16xf32> to vector<16xf32>
        %add3A_1097 = arith.addf %add3A_1069, %get3A_1096 : vector<16xf32>
        %add3A_1098 = arith.constant 37 : i32
        %add3A_1099 = arith.addi %mul3A_74, %add3A_1098 : i32
        %get3A_1100 = arith.index_cast %add3A_1099 : i32 to index
        %get3A_1101 = arith.constant 0 : index
        %get3A_1102 = tpu.vector_load %arg6[%get3A_1100, %get3A_1101] {strides = array<i32>} : memref<400x64xf32, #tpu.memory_space<vmem>>, vector<1x16xf32>,
        %get3A_1103 = vector.shape_cast %get3A_1102 : vector<1x16xf32> to vector<16xf32>
        %add3A_1104 = arith.addf %add3A_1076, %get3A_1103 : vector<16xf32>
        %add3A_1105 = arith.constant 37 : i32
        %add3A_1106 = arith.addi %mul3A_74, %add3A_1105 : i32
        %get3A_1107 = arith.index_cast %add3A_1106 : i32 to index
        %get3A_1108 = arith.constant 16 : index
        %get3A_1109 = tpu.vector_load %arg6[%get3A_1107, %get3A_1108] {strides = array<i32>} : memref<400x64xf32, #tpu.memory_space<vmem>>, vector<1x16xf32>,
        %get3A_1110 = vector.shape_cast %get3A_1109 : vector<1x16xf32> to vector<16xf32>
        %add3A_1111 = arith.addf %add3A_1083, %get3A_1110 : vector<16xf32>
        %add3A_1112 = arith.constant 37 : i32
        %add3A_1113 = arith.addi %mul3A_74, %add3A_1112 : i32
        %get3A_1114 = arith.index_cast %add3A_1113 : i32 to index
        %get3A_1115 = arith.constant 32 : index
        %get3A_1116 = tpu.vector_load %arg6[%get3A_1114, %get3A_1115] {strides = array<i32>} : memref<400x64xf32, #tpu.memory_space<vmem>>, vector<1x16xf32>,
        %get3A_1117 = vector.shape_cast %get3A_1116 : vector<1x16xf32> to vector<16xf32>
        %add3A_1118 = arith.addf %add3A_1090, %get3A_1117 : vector<16xf32>
        %add3A_1119 = arith.constant 37 : i32
        %add3A_1120 = arith.addi %mul3A_74, %add3A_1119 : i32
        %get3A_1121 = arith.index_cast %add3A_1120 : i32 to index
        %get3A_1122 = arith.constant 48 : index
        %get3A_1123 = tpu.vector_load %arg6[%get3A_1121, %get3A_1122] {strides = array<i32>} : memref<400x64xf32, #tpu.memory_space<vmem>>, vector<1x16xf32>,
        %get3A_1124 = vector.shape_cast %get3A_1123 : vector<1x16xf32> to vector<16xf32>
        %add3A_1125 = arith.addf %add3A_1097, %get3A_1124 : vector<16xf32>
        %add3A_1126 = arith.constant 38 : i32
        %add3A_1127 = arith.addi %mul3A_74, %add3A_1126 : i32
        %get3A_1128 = arith.index_cast %add3A_1127 : i32 to index
        %get3A_1129 = arith.constant 0 : index
        %get3A_1130 = tpu.vector_load %arg6[%get3A_1128, %get3A_1129] {strides = array<i32>} : memref<400x64xf32, #tpu.memory_space<vmem>>, vector<1x16xf32>,
        %get3A_1131 = vector.shape_cast %get3A_1130 : vector<1x16xf32> to vector<16xf32>
        %add3A_1132 = arith.addf %add3A_1104, %get3A_1131 : vector<16xf32>
        %add3A_1133 = arith.constant 38 : i32
        %add3A_1134 = arith.addi %mul3A_74, %add3A_1133 : i32
        %get3A_1135 = arith.index_cast %add3A_1134 : i32 to index
        %get3A_1136 = arith.constant 16 : index
        %get3A_1137 = tpu.vector_load %arg6[%get3A_1135, %get3A_1136] {strides = array<i32>} : memref<400x64xf32, #tpu.memory_space<vmem>>, vector<1x16xf32>,
        %get3A_1138 = vector.shape_cast %get3A_1137 : vector<1x16xf32> to vector<16xf32>
        %add3A_1139 = arith.addf %add3A_1111, %get3A_1138 : vector<16xf32>
        %add3A_1140 = arith.constant 38 : i32
        %add3A_1141 = arith.addi %mul3A_74, %add3A_1140 : i32
        %get3A_1142 = arith.index_cast %add3A_1141 : i32 to index
        %get3A_1143 = arith.constant 32 : index
        %get3A_1144 = tpu.vector_load %arg6[%get3A_1142, %get3A_1143] {strides = array<i32>} : memref<400x64xf32, #tpu.memory_space<vmem>>, vector<1x16xf32>,
        %get3A_1145 = vector.shape_cast %get3A_1144 : vector<1x16xf32> to vector<16xf32>
        %add3A_1146 = arith.addf %add3A_1118, %get3A_1145 : vector<16xf32>
        %add3A_1147 = arith.constant 38 : i32
        %add3A_1148 = arith.addi %mul3A_74, %add3A_1147 : i32
        %get3A_1149 = arith.index_cast %add3A_1148 : i32 to index
        %get3A_1150 = arith.constant 48 : index
        %get3A_1151 = tpu.vector_load %arg6[%get3A_1149, %get3A_1150] {strides = array<i32>} : memref<400x64xf32, #tpu.memory_space<vmem>>, vector<1x16xf32>,
        %get3A_1152 = vector.shape_cast %get3A_1151 : vector<1x16xf32> to vector<16xf32>
        %add3A_1153 = arith.addf %add3A_1125, %get3A_1152 : vector<16xf32>
        %add3A_1154 = arith.constant 39 : i32
        %add3A_1155 = arith.addi %mul3A_74, %add3A_1154 : i32
        %get3A_1156 = arith.index_cast %add3A_1155 : i32 to index
        %get3A_1157 = arith.constant 0 : index
        %get3A_1158 = tpu.vector_load %arg6[%get3A_1156, %get3A_1157] {strides = array<i32>} : memref<400x64xf32, #tpu.memory_space<vmem>>, vector<1x16xf32>,
        %get3A_1159 = vector.shape_cast %get3A_1158 : vector<1x16xf32> to vector<16xf32>
        %add3A_1160 = arith.addf %add3A_1132, %get3A_1159 : vector<16xf32>
        %add3A_1161 = arith.constant 39 : i32
        %add3A_1162 = arith.addi %mul3A_74, %add3A_1161 : i32
        %get3A_1163 = arith.index_cast %add3A_1162 : i32 to index
        %get3A_1164 = arith.constant 16 : index
        %get3A_1165 = tpu.vector_load %arg6[%get3A_1163, %get3A_1164] {strides = array<i32>} : memref<400x64xf32, #tpu.memory_space<vmem>>, vector<1x16xf32>,
        %get3A_1166 = vector.shape_cast %get3A_1165 : vector<1x16xf32> to vector<16xf32>
        %add3A_1167 = arith.addf %add3A_1139, %get3A_1166 : vector<16xf32>
        %add3A_1168 = arith.constant 39 : i32
        %add3A_1169 = arith.addi %mul3A_74, %add3A_1168 : i32
        %get3A_1170 = arith.index_cast %add3A_1169 : i32 to index
        %get3A_1171 = arith.constant 32 : index
        %get3A_1172 = tpu.vector_load %arg6[%get3A_1170, %get3A_1171] {strides = array<i32>} : memref<400x64xf32, #tpu.memory_space<vmem>>, vector<1x16xf32>,
        %get3A_1173 = vector.shape_cast %get3A_1172 : vector<1x16xf32> to vector<16xf32>
        %add3A_1174 = arith.addf %add3A_1146, %get3A_1173 : vector<16xf32>
        %add3A_1175 = arith.constant 39 : i32
        %add3A_1176 = arith.addi %mul3A_74, %add3A_1175 : i32
        %get3A_1177 = arith.index_cast %add3A_1176 : i32 to index
        %get3A_1178 = arith.constant 48 : index
        %get3A_1179 = tpu.vector_load %arg6[%get3A_1177, %get3A_1178] {strides = array<i32>} : memref<400x64xf32, #tpu.memory_space<vmem>>, vector<1x16xf32>,
        %get3A_1180 = vector.shape_cast %get3A_1179 : vector<1x16xf32> to vector<16xf32>
        %add3A_1181 = arith.addf %add3A_1153, %get3A_1180 : vector<16xf32>
        %add3A_1182 = arith.constant 40 : i32
        %add3A_1183 = arith.addi %mul3A_74, %add3A_1182 : i32
        %get3A_1184 = arith.index_cast %add3A_1183 : i32 to index
        %get3A_1185 = arith.constant 0 : index
        %get3A_1186 = tpu.vector_load %arg6[%get3A_1184, %get3A_1185] {strides = array<i32>} : memref<400x64xf32, #tpu.memory_space<vmem>>, vector<1x16xf32>,
        %get3A_1187 = vector.shape_cast %get3A_1186 : vector<1x16xf32> to vector<16xf32>
        %add3A_1188 = arith.addf %add3A_1160, %get3A_1187 : vector<16xf32>
        %add3A_1189 = arith.constant 40 : i32
        %add3A_1190 = arith.addi %mul3A_74, %add3A_1189 : i32
        %get3A_1191 = arith.index_cast %add3A_1190 : i32 to index
        %get3A_1192 = arith.constant 16 : index
        %get3A_1193 = tpu.vector_load %arg6[%get3A_1191, %get3A_1192] {strides = array<i32>} : memref<400x64xf32, #tpu.memory_space<vmem>>, vector<1x16xf32>,
        %get3A_1194 = vector.shape_cast %get3A_1193 : vector<1x16xf32> to vector<16xf32>
        %add3A_1195 = arith.addf %add3A_1167, %get3A_1194 : vector<16xf32>
        %add3A_1196 = arith.constant 40 : i32
        %add3A_1197 = arith.addi %mul3A_74, %add3A_1196 : i32
        %get3A_1198 = arith.index_cast %add3A_1197 : i32 to index
        %get3A_1199 = arith.constant 32 : index
        %get3A_1200 = tpu.vector_load %arg6[%get3A_1198, %get3A_1199] {strides = array<i32>} : memref<400x64xf32, #tpu.memory_space<vmem>>, vector<1x16xf32>,
        %get3A_1201 = vector.shape_cast %get3A_1200 : vector<1x16xf32> to vector<16xf32>
        %add3A_1202 = arith.addf %add3A_1174, %get3A_1201 : vector<16xf32>
        %add3A_1203 = arith.constant 40 : i32
        %add3A_1204 = arith.addi %mul3A_74, %add3A_1203 : i32
        %get3A_1205 = arith.index_cast %add3A_1204 : i32 to index
        %get3A_1206 = arith.constant 48 : index
        %get3A_1207 = tpu.vector_load %arg6[%get3A_1205, %get3A_1206] {strides = array<i32>} : memref<400x64xf32, #tpu.memory_space<vmem>>, vector<1x16xf32>,
        %get3A_1208 = vector.shape_cast %get3A_1207 : vector<1x16xf32> to vector<16xf32>
        %add3A_1209 = arith.addf %add3A_1181, %get3A_1208 : vector<16xf32>
        %add3A_1210 = arith.constant 41 : i32
        %add3A_1211 = arith.addi %mul3A_74, %add3A_1210 : i32
        %get3A_1212 = arith.index_cast %add3A_1211 : i32 to index
        %get3A_1213 = arith.constant 0 : index
        %get3A_1214 = tpu.vector_load %arg6[%get3A_1212, %get3A_1213] {strides = array<i32>} : memref<400x64xf32, #tpu.memory_space<vmem>>, vector<1x16xf32>,
        %get3A_1215 = vector.shape_cast %get3A_1214 : vector<1x16xf32> to vector<16xf32>
        %add3A_1216 = arith.addf %add3A_1188, %get3A_1215 : vector<16xf32>
        %add3A_1217 = arith.constant 41 : i32
        %add3A_1218 = arith.addi %mul3A_74, %add3A_1217 : i32
        %get3A_1219 = arith.index_cast %add3A_1218 : i32 to index
        %get3A_1220 = arith.constant 16 : index
        %get3A_1221 = tpu.vector_load %arg6[%get3A_1219, %get3A_1220] {strides = array<i32>} : memref<400x64xf32, #tpu.memory_space<vmem>>, vector<1x16xf32>,
        %get3A_1222 = vector.shape_cast %get3A_1221 : vector<1x16xf32> to vector<16xf32>
        %add3A_1223 = arith.addf %add3A_1195, %get3A_1222 : vector<16xf32>
        %add3A_1224 = arith.constant 41 : i32
        %add3A_1225 = arith.addi %mul3A_74, %add3A_1224 : i32
        %get3A_1226 = arith.index_cast %add3A_1225 : i32 to index
        %get3A_1227 = arith.constant 32 : index
        %get3A_1228 = tpu.vector_load %arg6[%get3A_1226, %get3A_1227] {strides = array<i32>} : memref<400x64xf32, #tpu.memory_space<vmem>>, vector<1x16xf32>,
        %get3A_1229 = vector.shape_cast %get3A_1228 : vector<1x16xf32> to vector<16xf32>
        %add3A_1230 = arith.addf %add3A_1202, %get3A_1229 : vector<16xf32>
        %add3A_1231 = arith.constant 41 : i32
        %add3A_1232 = arith.addi %mul3A_74, %add3A_1231 : i32
        %get3A_1233 = arith.index_cast %add3A_1232 : i32 to index
        %get3A_1234 = arith.constant 48 : index
        %get3A_1235 = tpu.vector_load %arg6[%get3A_1233, %get3A_1234] {strides = array<i32>} : memref<400x64xf32, #tpu.memory_space<vmem>>, vector<1x16xf32>,
        %get3A_1236 = vector.shape_cast %get3A_1235 : vector<1x16xf32> to vector<16xf32>
        %add3A_1237 = arith.addf %add3A_1209, %get3A_1236 : vector<16xf32>
        %add3A_1238 = arith.constant 42 : i32
        %add3A_1239 = arith.addi %mul3A_74, %add3A_1238 : i32
        %get3A_1240 = arith.index_cast %add3A_1239 : i32 to index
        %get3A_1241 = arith.constant 0 : index
        %get3A_1242 = tpu.vector_load %arg6[%get3A_1240, %get3A_1241] {strides = array<i32>} : memref<400x64xf32, #tpu.memory_space<vmem>>, vector<1x16xf32>,
        %get3A_1243 = vector.shape_cast %get3A_1242 : vector<1x16xf32> to vector<16xf32>
        %add3A_1244 = arith.addf %add3A_1216, %get3A_1243 : vector<16xf32>
        %add3A_1245 = arith.constant 42 : i32
        %add3A_1246 = arith.addi %mul3A_74, %add3A_1245 : i32
        %get3A_1247 = arith.index_cast %add3A_1246 : i32 to index
        %get3A_1248 = arith.constant 16 : index
        %get3A_1249 = tpu.vector_load %arg6[%get3A_1247, %get3A_1248] {strides = array<i32>} : memref<400x64xf32, #tpu.memory_space<vmem>>, vector<1x16xf32>,
        %get3A_1250 = vector.shape_cast %get3A_1249 : vector<1x16xf32> to vector<16xf32>
        %add3A_1251 = arith.addf %add3A_1223, %get3A_1250 : vector<16xf32>
        %add3A_1252 = arith.constant 42 : i32
        %add3A_1253 = arith.addi %mul3A_74, %add3A_1252 : i32
        %get3A_1254 = arith.index_cast %add3A_1253 : i32 to index
        %get3A_1255 = arith.constant 32 : index
        %get3A_1256 = tpu.vector_load %arg6[%get3A_1254, %get3A_1255] {strides = array<i32>} : memref<400x64xf32, #tpu.memory_space<vmem>>, vector<1x16xf32>,
        %get3A_1257 = vector.shape_cast %get3A_1256 : vector<1x16xf32> to vector<16xf32>
        %add3A_1258 = arith.addf %add3A_1230, %get3A_1257 : vector<16xf32>
        %add3A_1259 = arith.constant 42 : i32
        %add3A_1260 = arith.addi %mul3A_74, %add3A_1259 : i32
        %get3A_1261 = arith.index_cast %add3A_1260 : i32 to index
        %get3A_1262 = arith.constant 48 : index
        %get3A_1263 = tpu.vector_load %arg6[%get3A_1261, %get3A_1262] {strides = array<i32>} : memref<400x64xf32, #tpu.memory_space<vmem>>, vector<1x16xf32>,
        %get3A_1264 = vector.shape_cast %get3A_1263 : vector<1x16xf32> to vector<16xf32>
        %add3A_1265 = arith.addf %add3A_1237, %get3A_1264 : vector<16xf32>
        %add3A_1266 = arith.constant 43 : i32
        %add3A_1267 = arith.addi %mul3A_74, %add3A_1266 : i32
        %get3A_1268 = arith.index_cast %add3A_1267 : i32 to index
        %get3A_1269 = arith.constant 0 : index
        %get3A_1270 = tpu.vector_load %arg6[%get3A_1268, %get3A_1269] {strides = array<i32>} : memref<400x64xf32, #tpu.memory_space<vmem>>, vector<1x16xf32>,
        %get3A_1271 = vector.shape_cast %get3A_1270 : vector<1x16xf32> to vector<16xf32>
        %add3A_1272 = arith.addf %add3A_1244, %get3A_1271 : vector<16xf32>
        %add3A_1273 = arith.constant 43 : i32
        %add3A_1274 = arith.addi %mul3A_74, %add3A_1273 : i32
        %get3A_1275 = arith.index_cast %add3A_1274 : i32 to index
        %get3A_1276 = arith.constant 16 : index
        %get3A_1277 = tpu.vector_load %arg6[%get3A_1275, %get3A_1276] {strides = array<i32>} : memref<400x64xf32, #tpu.memory_space<vmem>>, vector<1x16xf32>,
        %get3A_1278 = vector.shape_cast %get3A_1277 : vector<1x16xf32> to vector<16xf32>
        %add3A_1279 = arith.addf %add3A_1251, %get3A_1278 : vector<16xf32>
        %add3A_1280 = arith.constant 43 : i32
        %add3A_1281 = arith.addi %mul3A_74, %add3A_1280 : i32
        %get3A_1282 = arith.index_cast %add3A_1281 : i32 to index
        %get3A_1283 = arith.constant 32 : index
        %get3A_1284 = tpu.vector_load %arg6[%get3A_1282, %get3A_1283] {strides = array<i32>} : memref<400x64xf32, #tpu.memory_space<vmem>>, vector<1x16xf32>,
        %get3A_1285 = vector.shape_cast %get3A_1284 : vector<1x16xf32> to vector<16xf32>
        %add3A_1286 = arith.addf %add3A_1258, %get3A_1285 : vector<16xf32>
        %add3A_1287 = arith.constant 43 : i32
        %add3A_1288 = arith.addi %mul3A_74, %add3A_1287 : i32
        %get3A_1289 = arith.index_cast %add3A_1288 : i32 to index
        %get3A_1290 = arith.constant 48 : index
        %get3A_1291 = tpu.vector_load %arg6[%get3A_1289, %get3A_1290] {strides = array<i32>} : memref<400x64xf32, #tpu.memory_space<vmem>>, vector<1x16xf32>,
        %get3A_1292 = vector.shape_cast %get3A_1291 : vector<1x16xf32> to vector<16xf32>
        %add3A_1293 = arith.addf %add3A_1265, %get3A_1292 : vector<16xf32>
        %add3A_1294 = arith.constant 44 : i32
        %add3A_1295 = arith.addi %mul3A_74, %add3A_1294 : i32
        %get3A_1296 = arith.index_cast %add3A_1295 : i32 to index
        %get3A_1297 = arith.constant 0 : index
        %get3A_1298 = tpu.vector_load %arg6[%get3A_1296, %get3A_1297] {strides = array<i32>} : memref<400x64xf32, #tpu.memory_space<vmem>>, vector<1x16xf32>,
        %get3A_1299 = vector.shape_cast %get3A_1298 : vector<1x16xf32> to vector<16xf32>
        %add3A_1300 = arith.addf %add3A_1272, %get3A_1299 : vector<16xf32>
        %add3A_1301 = arith.constant 44 : i32
        %add3A_1302 = arith.addi %mul3A_74, %add3A_1301 : i32
        %get3A_1303 = arith.index_cast %add3A_1302 : i32 to index
        %get3A_1304 = arith.constant 16 : index
        %get3A_1305 = tpu.vector_load %arg6[%get3A_1303, %get3A_1304] {strides = array<i32>} : memref<400x64xf32, #tpu.memory_space<vmem>>, vector<1x16xf32>,
        %get3A_1306 = vector.shape_cast %get3A_1305 : vector<1x16xf32> to vector<16xf32>
        %add3A_1307 = arith.addf %add3A_1279, %get3A_1306 : vector<16xf32>
        %add3A_1308 = arith.constant 44 : i32
        %add3A_1309 = arith.addi %mul3A_74, %add3A_1308 : i32
        %get3A_1310 = arith.index_cast %add3A_1309 : i32 to index
        %get3A_1311 = arith.constant 32 : index
        %get3A_1312 = tpu.vector_load %arg6[%get3A_1310, %get3A_1311] {strides = array<i32>} : memref<400x64xf32, #tpu.memory_space<vmem>>, vector<1x16xf32>,
        %get3A_1313 = vector.shape_cast %get3A_1312 : vector<1x16xf32> to vector<16xf32>
        %add3A_1314 = arith.addf %add3A_1286, %get3A_1313 : vector<16xf32>
        %add3A_1315 = arith.constant 44 : i32
        %add3A_1316 = arith.addi %mul3A_74, %add3A_1315 : i32
        %get3A_1317 = arith.index_cast %add3A_1316 : i32 to index
        %get3A_1318 = arith.constant 48 : index
        %get3A_1319 = tpu.vector_load %arg6[%get3A_1317, %get3A_1318] {strides = array<i32>} : memref<400x64xf32, #tpu.memory_space<vmem>>, vector<1x16xf32>,
        %get3A_1320 = vector.shape_cast %get3A_1319 : vector<1x16xf32> to vector<16xf32>
        %add3A_1321 = arith.addf %add3A_1293, %get3A_1320 : vector<16xf32>
        %add3A_1322 = arith.constant 45 : i32
        %add3A_1323 = arith.addi %mul3A_74, %add3A_1322 : i32
        %get3A_1324 = arith.index_cast %add3A_1323 : i32 to index
        %get3A_1325 = arith.constant 0 : index
        %get3A_1326 = tpu.vector_load %arg6[%get3A_1324, %get3A_1325] {strides = array<i32>} : memref<400x64xf32, #tpu.memory_space<vmem>>, vector<1x16xf32>,
        %get3A_1327 = vector.shape_cast %get3A_1326 : vector<1x16xf32> to vector<16xf32>
        %add3A_1328 = arith.addf %add3A_1300, %get3A_1327 : vector<16xf32>
        %add3A_1329 = arith.constant 45 : i32
        %add3A_1330 = arith.addi %mul3A_74, %add3A_1329 : i32
        %get3A_1331 = arith.index_cast %add3A_1330 : i32 to index
        %get3A_1332 = arith.constant 16 : index
        %get3A_1333 = tpu.vector_load %arg6[%get3A_1331, %get3A_1332] {strides = array<i32>} : memref<400x64xf32, #tpu.memory_space<vmem>>, vector<1x16xf32>,
        %get3A_1334 = vector.shape_cast %get3A_1333 : vector<1x16xf32> to vector<16xf32>
        %add3A_1335 = arith.addf %add3A_1307, %get3A_1334 : vector<16xf32>
        %add3A_1336 = arith.constant 45 : i32
        %add3A_1337 = arith.addi %mul3A_74, %add3A_1336 : i32
        %get3A_1338 = arith.index_cast %add3A_1337 : i32 to index
        %get3A_1339 = arith.constant 32 : index
        %get3A_1340 = tpu.vector_load %arg6[%get3A_1338, %get3A_1339] {strides = array<i32>} : memref<400x64xf32, #tpu.memory_space<vmem>>, vector<1x16xf32>,
        %get3A_1341 = vector.shape_cast %get3A_1340 : vector<1x16xf32> to vector<16xf32>
        %add3A_1342 = arith.addf %add3A_1314, %get3A_1341 : vector<16xf32>
        %add3A_1343 = arith.constant 45 : i32
        %add3A_1344 = arith.addi %mul3A_74, %add3A_1343 : i32
        %get3A_1345 = arith.index_cast %add3A_1344 : i32 to index
        %get3A_1346 = arith.constant 48 : index
        %get3A_1347 = tpu.vector_load %arg6[%get3A_1345, %get3A_1346] {strides = array<i32>} : memref<400x64xf32, #tpu.memory_space<vmem>>, vector<1x16xf32>,
        %get3A_1348 = vector.shape_cast %get3A_1347 : vector<1x16xf32> to vector<16xf32>
        %add3A_1349 = arith.addf %add3A_1321, %get3A_1348 : vector<16xf32>
        %add3A_1350 = arith.constant 46 : i32
        %add3A_1351 = arith.addi %mul3A_74, %add3A_1350 : i32
        %get3A_1352 = arith.index_cast %add3A_1351 : i32 to index
        %get3A_1353 = arith.constant 0 : index
        %get3A_1354 = tpu.vector_load %arg6[%get3A_1352, %get3A_1353] {strides = array<i32>} : memref<400x64xf32, #tpu.memory_space<vmem>>, vector<1x16xf32>,
        %get3A_1355 = vector.shape_cast %get3A_1354 : vector<1x16xf32> to vector<16xf32>
        %add3A_1356 = arith.addf %add3A_1328, %get3A_1355 : vector<16xf32>
        %add3A_1357 = arith.constant 46 : i32
        %add3A_1358 = arith.addi %mul3A_74, %add3A_1357 : i32
        %get3A_1359 = arith.index_cast %add3A_1358 : i32 to index
        %get3A_1360 = arith.constant 16 : index
        %get3A_1361 = tpu.vector_load %arg6[%get3A_1359, %get3A_1360] {strides = array<i32>} : memref<400x64xf32, #tpu.memory_space<vmem>>, vector<1x16xf32>,
        %get3A_1362 = vector.shape_cast %get3A_1361 : vector<1x16xf32> to vector<16xf32>
        %add3A_1363 = arith.addf %add3A_1335, %get3A_1362 : vector<16xf32>
        %add3A_1364 = arith.constant 46 : i32
        %add3A_1365 = arith.addi %mul3A_74, %add3A_1364 : i32
        %get3A_1366 = arith.index_cast %add3A_1365 : i32 to index
        %get3A_1367 = arith.constant 32 : index
        %get3A_1368 = tpu.vector_load %arg6[%get3A_1366, %get3A_1367] {strides = array<i32>} : memref<400x64xf32, #tpu.memory_space<vmem>>, vector<1x16xf32>,
        %get3A_1369 = vector.shape_cast %get3A_1368 : vector<1x16xf32> to vector<16xf32>
        %add3A_1370 = arith.addf %add3A_1342, %get3A_1369 : vector<16xf32>
        %add3A_1371 = arith.constant 46 : i32
        %add3A_1372 = arith.addi %mul3A_74, %add3A_1371 : i32
        %get3A_1373 = arith.index_cast %add3A_1372 : i32 to index
        %get3A_1374 = arith.constant 48 : index
        %get3A_1375 = tpu.vector_load %arg6[%get3A_1373, %get3A_1374] {strides = array<i32>} : memref<400x64xf32, #tpu.memory_space<vmem>>, vector<1x16xf32>,
        %get3A_1376 = vector.shape_cast %get3A_1375 : vector<1x16xf32> to vector<16xf32>
        %add3A_1377 = arith.addf %add3A_1349, %get3A_1376 : vector<16xf32>
        %add3A_1378 = arith.constant 47 : i32
        %add3A_1379 = arith.addi %mul3A_74, %add3A_1378 : i32
        %get3A_1380 = arith.index_cast %add3A_1379 : i32 to index
        %get3A_1381 = arith.constant 0 : index
        %get3A_1382 = tpu.vector_load %arg6[%get3A_1380, %get3A_1381] {strides = array<i32>} : memref<400x64xf32, #tpu.memory_space<vmem>>, vector<1x16xf32>,
        %get3A_1383 = vector.shape_cast %get3A_1382 : vector<1x16xf32> to vector<16xf32>
        %add3A_1384 = arith.addf %add3A_1356, %get3A_1383 : vector<16xf32>
        %add3A_1385 = arith.constant 47 : i32
        %add3A_1386 = arith.addi %mul3A_74, %add3A_1385 : i32
        %get3A_1387 = arith.index_cast %add3A_1386 : i32 to index
        %get3A_1388 = arith.constant 16 : index
        %get3A_1389 = tpu.vector_load %arg6[%get3A_1387, %get3A_1388] {strides = array<i32>} : memref<400x64xf32, #tpu.memory_space<vmem>>, vector<1x16xf32>,
        %get3A_1390 = vector.shape_cast %get3A_1389 : vector<1x16xf32> to vector<16xf32>
        %add3A_1391 = arith.addf %add3A_1363, %get3A_1390 : vector<16xf32>
        %add3A_1392 = arith.constant 47 : i32
        %add3A_1393 = arith.addi %mul3A_74, %add3A_1392 : i32
        %get3A_1394 = arith.index_cast %add3A_1393 : i32 to index
        %get3A_1395 = arith.constant 32 : index
        %get3A_1396 = tpu.vector_load %arg6[%get3A_1394, %get3A_1395] {strides = array<i32>} : memref<400x64xf32, #tpu.memory_space<vmem>>, vector<1x16xf32>,
        %get3A_1397 = vector.shape_cast %get3A_1396 : vector<1x16xf32> to vector<16xf32>
        %add3A_1398 = arith.addf %add3A_1370, %get3A_1397 : vector<16xf32>
        %add3A_1399 = arith.constant 47 : i32
        %add3A_1400 = arith.addi %mul3A_74, %add3A_1399 : i32
        %get3A_1401 = arith.index_cast %add3A_1400 : i32 to index
        %get3A_1402 = arith.constant 48 : index
        %get3A_1403 = tpu.vector_load %arg6[%get3A_1401, %get3A_1402] {strides = array<i32>} : memref<400x64xf32, #tpu.memory_space<vmem>>, vector<1x16xf32>,
        %get3A_1404 = vector.shape_cast %get3A_1403 : vector<1x16xf32> to vector<16xf32>
        %add3A_1405 = arith.addf %add3A_1377, %get3A_1404 : vector<16xf32>
        %add3A_1406 = arith.constant 48 : i32
        %add3A_1407 = arith.addi %mul3A_74, %add3A_1406 : i32
        %get3A_1408 = arith.index_cast %add3A_1407 : i32 to index
        %get3A_1409 = arith.constant 0 : index
        %get3A_1410 = tpu.vector_load %arg6[%get3A_1408, %get3A_1409] {strides = array<i32>} : memref<400x64xf32, #tpu.memory_space<vmem>>, vector<1x16xf32>,
        %get3A_1411 = vector.shape_cast %get3A_1410 : vector<1x16xf32> to vector<16xf32>
        %add3A_1412 = arith.addf %add3A_1384, %get3A_1411 : vector<16xf32>
        %add3A_1413 = arith.constant 48 : i32
        %add3A_1414 = arith.addi %mul3A_74, %add3A_1413 : i32
        %get3A_1415 = arith.index_cast %add3A_1414 : i32 to index
        %get3A_1416 = arith.constant 16 : index
        %get3A_1417 = tpu.vector_load %arg6[%get3A_1415, %get3A_1416] {strides = array<i32>} : memref<400x64xf32, #tpu.memory_space<vmem>>, vector<1x16xf32>,
        %get3A_1418 = vector.shape_cast %get3A_1417 : vector<1x16xf32> to vector<16xf32>
        %add3A_1419 = arith.addf %add3A_1391, %get3A_1418 : vector<16xf32>
        %add3A_1420 = arith.constant 48 : i32
        %add3A_1421 = arith.addi %mul3A_74, %add3A_1420 : i32
        %get3A_1422 = arith.index_cast %add3A_1421 : i32 to index
        %get3A_1423 = arith.constant 32 : index
        %get3A_1424 = tpu.vector_load %arg6[%get3A_1422, %get3A_1423] {strides = array<i32>} : memref<400x64xf32, #tpu.memory_space<vmem>>, vector<1x16xf32>,
        %get3A_1425 = vector.shape_cast %get3A_1424 : vector<1x16xf32> to vector<16xf32>
        %add3A_1426 = arith.addf %add3A_1398, %get3A_1425 : vector<16xf32>
        %add3A_1427 = arith.constant 48 : i32
        %add3A_1428 = arith.addi %mul3A_74, %add3A_1427 : i32
        %get3A_1429 = arith.index_cast %add3A_1428 : i32 to index
        %get3A_1430 = arith.constant 48 : index
        %get3A_1431 = tpu.vector_load %arg6[%get3A_1429, %get3A_1430] {strides = array<i32>} : memref<400x64xf32, #tpu.memory_space<vmem>>, vector<1x16xf32>,
        %get3A_1432 = vector.shape_cast %get3A_1431 : vector<1x16xf32> to vector<16xf32>
        %add3A_1433 = arith.addf %add3A_1405, %get3A_1432 : vector<16xf32>
        %add3A_1434 = arith.constant 49 : i32
        %add3A_1435 = arith.addi %mul3A_74, %add3A_1434 : i32
        %get3A_1436 = arith.index_cast %add3A_1435 : i32 to index
        %get3A_1437 = arith.constant 0 : index
        %get3A_1438 = tpu.vector_load %arg6[%get3A_1436, %get3A_1437] {strides = array<i32>} : memref<400x64xf32, #tpu.memory_space<vmem>>, vector<1x16xf32>,
        %get3A_1439 = vector.shape_cast %get3A_1438 : vector<1x16xf32> to vector<16xf32>
        %add3A_1440 = arith.addf %add3A_1412, %get3A_1439 : vector<16xf32>
        %add3A_1441 = arith.constant 49 : i32
        %add3A_1442 = arith.addi %mul3A_74, %add3A_1441 : i32
        %get3A_1443 = arith.index_cast %add3A_1442 : i32 to index
        %get3A_1444 = arith.constant 16 : index
        %get3A_1445 = tpu.vector_load %arg6[%get3A_1443, %get3A_1444] {strides = array<i32>} : memref<400x64xf32, #tpu.memory_space<vmem>>, vector<1x16xf32>,
        %get3A_1446 = vector.shape_cast %get3A_1445 : vector<1x16xf32> to vector<16xf32>
        %add3A_1447 = arith.addf %add3A_1419, %get3A_1446 : vector<16xf32>
        %add3A_1448 = arith.constant 49 : i32
        %add3A_1449 = arith.addi %mul3A_74, %add3A_1448 : i32
        %get3A_1450 = arith.index_cast %add3A_1449 : i32 to index
        %get3A_1451 = arith.constant 32 : index
        %get3A_1452 = tpu.vector_load %arg6[%get3A_1450, %get3A_1451] {strides = array<i32>} : memref<400x64xf32, #tpu.memory_space<vmem>>, vector<1x16xf32>,
        %get3A_1453 = vector.shape_cast %get3A_1452 : vector<1x16xf32> to vector<16xf32>
        %add3A_1454 = arith.addf %add3A_1426, %get3A_1453 : vector<16xf32>
        %add3A_1455 = arith.constant 49 : i32
        %add3A_1456 = arith.addi %mul3A_74, %add3A_1455 : i32
        %get3A_1457 = arith.index_cast %add3A_1456 : i32 to index
        %get3A_1458 = arith.constant 48 : index
        %get3A_1459 = tpu.vector_load %arg6[%get3A_1457, %get3A_1458] {strides = array<i32>} : memref<400x64xf32, #tpu.memory_space<vmem>>, vector<1x16xf32>,
        %get3A_1460 = vector.shape_cast %get3A_1459 : vector<1x16xf32> to vector<16xf32>
        %add3A_1461 = arith.addf %add3A_1433, %get3A_1460 : vector<16xf32>
        %swap3A = arith.index_cast %scan3A_72 : i32 to index
        %swap3A_1462 = arith.constant 0 : index
        %swap3A_1463 = tpu.vector_load %arg8[%swap3A, %swap3A_1462] {strides = array<i32>} : memref<8x64xf32, #tpu.memory_space<vmem>>, vector<1x16xf32>,
        %swap3A_1464 = vector.shape_cast %swap3A_1463 : vector<1x16xf32> to vector<16xf32>
        %swap3A_1465 = vector.shape_cast %add3A_1440 : vector<16xf32> to vector<1x16xf32>
        tpu.vector_store %arg8[%swap3A, %swap3A_1462], %swap3A_1465 {strides = array<i32>} : memref<8x64xf32, #tpu.memory_space<vmem>>, vector<1x16xf32>,
        %swap3A_1466 = arith.index_cast %scan3A_72 : i32 to index
        %swap3A_1467 = arith.constant 16 : index
        %swap3A_1468 = tpu.vector_load %arg8[%swap3A_1466, %swap3A_1467] {strides = array<i32>} : memref<8x64xf32, #tpu.memory_space<vmem>>, vector<1x16xf32>,
        %swap3A_1469 = vector.shape_cast %swap3A_1468 : vector<1x16xf32> to vector<16xf32>
        %swap3A_1470 = vector.shape_cast %add3A_1447 : vector<16xf32> to vector<1x16xf32>
        tpu.vector_store %arg8[%swap3A_1466, %swap3A_1467], %swap3A_1470 {strides = array<i32>} : memref<8x64xf32, #tpu.memory_space<vmem>>, vector<1x16xf32>,
        %swap3A_1471 = arith.index_cast %scan3A_72 : i32 to index
        %swap3A_1472 = arith.constant 32 : index
        %swap3A_1473 = tpu.vector_load %arg8[%swap3A_1471, %swap3A_1472] {strides = array<i32>} : memref<8x64xf32, #tpu.memory_space<vmem>>, vector<1x16xf32>,
        %swap3A_1474 = vector.shape_cast %swap3A_1473 : vector<1x16xf32> to vector<16xf32>
        %swap3A_1475 = vector.shape_cast %add3A_1454 : vector<16xf32> to vector<1x16xf32>
        tpu.vector_store %arg8[%swap3A_1471, %swap3A_1472], %swap3A_1475 {strides = array<i32>} : memref<8x64xf32, #tpu.memory_space<vmem>>, vector<1x16xf32>,
        %swap3A_1476 = arith.index_cast %scan3A_72 : i32 to index
        %swap3A_1477 = arith.constant 48 : index
        %swap3A_1478 = tpu.vector_load %arg8[%swap3A_1476, %swap3A_1477] {strides = array<i32>} : memref<8x64xf32, #tpu.memory_space<vmem>>, vector<1x16xf32>,
        %swap3A_1479 = vector.shape_cast %swap3A_1478 : vector<1x16xf32> to vector<16xf32>
        %swap3A_1480 = vector.shape_cast %add3A_1461 : vector<16xf32> to vector<1x16xf32>
        tpu.vector_store %arg8[%swap3A_1476, %swap3A_1477], %swap3A_1480 {strides = array<i32>} : memref<8x64xf32, #tpu.memory_space<vmem>>, vector<1x16xf32>,
      }
      %scan3A_40 = arith.constant 8 : i32
      %mul3A_41 = arith.constant 8 : i32
      %mul3A_42 = arith.muli %mul3A_20, %mul3A_41 : i32
      %add3A_43 = arith.addi %mul3A_2, %mul3A_42 : i32
      "tpu.region"() ({
        %run_scoped3A = tpu.sem_alloc : memref<!tpu.dma_semaphore, #tpu.memory_space<semaphore_mem>>
        %dma_start3A_72 = arith.constant 0 : i32
        %dma_start3A_73 = tpu.memref_slice %arg4[%add3A_43, %dma_start3A_72] : memref<20480x64xf32, #tpu.memory_space<hbm>> -> memref<8x64xf32, #tpu.memory_space<hbm>>
        %dma_start3A_74 = arith.constant 0 : i32
        %dma_start3A_75 = tpu.memref_slice %arg4[%add3A_43, %dma_start3A_74] : memref<20480x64xf32, #tpu.memory_space<hbm>> -> memref<8x64xf32, #tpu.memory_space<hbm>>
        tpu.enqueue_dma source(%arg8 : memref<8x64xf32, #tpu.memory_space<vmem>>) target(%dma_start3A_75 : memref<8x64xf32, #tpu.memory_space<hbm>>) target_semaphore(%run_scoped3A : memref<!tpu.dma_semaphore, #tpu.memory_space<semaphore_mem>>)
        %dma_wait3A_76 = arith.constant 0 : i32
        %dma_wait3A_77 = tpu.memref_slice %arg4[%add3A_43, %dma_wait3A_76] : memref<20480x64xf32, #tpu.memory_space<hbm>> -> memref<8x64xf32, #tpu.memory_space<hbm>>
        %dma_wait3A_78 = arith.constant 0 : i32
        %dma_wait3A_79 = tpu.memref_slice %arg4[%add3A_43, %dma_wait3A_78] : memref<20480x64xf32, #tpu.memory_space<hbm>> -> memref<8x64xf32, #tpu.memory_space<hbm>>
        tpu.wait_dma2 semaphore(%run_scoped3A : memref<!tpu.dma_semaphore, #tpu.memory_space<semaphore_mem>>) src(%arg8 : memref<8x64xf32, #tpu.memory_space<vmem>>) dst(%dma_wait3A_79 : memref<8x64xf32, #tpu.memory_space<hbm>>)
        tpu.yield
      }) : () -> ()
      %add3A_44 = arith.constant 2 : i32
      %add3A_45 = arith.addi %mul3A_20, %add3A_44 : i32
      %min3A = arith.constant 79 : i32
      %min3A_46 = arith.minsi %add3A_45, %min3A : i32
      %mul3A_47 = arith.constant 400 : i32
      %mul3A_48 = arith.muli %min3A_46, %mul3A_47 : i32
      %dma_start3A_49 = tpu.memref_slice %arg5[%mul3A_48] : memref<32000xi32, #tpu.memory_space<vmem>> -> memref<400xi32, #tpu.memory_space<vmem>>
      %dma_start3A_50 = arith.constant 0 : i32
      %dma_start3A_51 = arith.constant 0 : i32
      %dma_start3A_52 = tpu.memref_slice %arg3[%dma_start3A_50, %dma_start3A_51] : memref<1007616x64xf32, #tpu.memory_space<hbm>> -> memref<1007616x64xf32, #tpu.memory_space<hbm>>
      tpu.enqueue_indirect_dma source(%dma_start3A_52 : memref<1007616x64xf32, #tpu.memory_space<hbm>>) target(%arg6 : memref<400x64xf32, #tpu.memory_space<vmem>>) offsets(%dma_start3A_49 : memref<400xi32, #tpu.memory_space<vmem>>) semaphore(%arg10 : memref<!tpu.dma_semaphore, #tpu.memory_space<semaphore_mem>>)
      %add3A_53 = arith.constant 1 : i32
      %add3A_54 = arith.addi %mul3A_20, %add3A_53 : i32
      %mul3A_55 = arith.constant 400 : i32
      %mul3A_56 = arith.muli %add3A_54, %mul3A_55 : i32
      %dma_wait3A_57 = tpu.memref_slice %arg5[%mul3A_56] : memref<32000xi32, #tpu.memory_space<vmem>> -> memref<400xi32, #tpu.memory_space<vmem>>
      %dma_wait3A_58 = arith.constant 0 : i32
      %dma_wait3A_59 = arith.constant 0 : i32
      %dma_wait3A_60 = tpu.memref_slice %arg3[%dma_wait3A_58, %dma_wait3A_59] : memref<1007616x64xf32, #tpu.memory_space<hbm>> -> memref<1007616x64xf32, #tpu.memory_space<hbm>>
      tpu.wait_indirect_dma semaphore(%arg11 : memref<!tpu.dma_semaphore, #tpu.memory_space<semaphore_mem>>) src(%dma_wait3A_60 : memref<1007616x64xf32, #tpu.memory_space<hbm>>) dst(%arg7 : memref<400x64xf32, #tpu.memory_space<vmem>>)
      %add3A_61 = arith.constant 1 : i32
      %add3A_62 = arith.addi %mul3A_20, %add3A_61 : i32
      %scan3A_63 = arith.constant 0 : i32
      %scan3A_64 = arith.constant 0 : i32
      %scan3A_65 = arith.constant 8 : i32
      %scan3A_66 = arith.addi %scan3A_64, %scan3A_65 : i32
      %scan3A_67 = arith.constant 1 : i32
      scf.for %scan3A_72 = %scan3A_64 to %scan3A_66 step %scan3A_67  : i32 {
        %mul3A_73 = arith.constant 50 : i32
        %mul3A_74 = arith.muli %scan3A_72, %mul3A_73 : i32
        %get3A = arith.index_cast %mul3A_74 : i32 to index
        %get3A_75 = arith.constant 0 : index
        %get3A_76 = tpu.vector_load %arg7[%get3A, %get3A_75] {strides = array<i32>} : memref<400x64xf32, #tpu.memory_space<vmem>>, vector<1x16xf32>,
        %get3A_77 = vector.shape_cast %get3A_76 : vector<1x16xf32> to vector<16xf32>
        %get3A_78 = arith.index_cast %mul3A_74 : i32 to index
        %get3A_79 = arith.constant 16 : index
        %get3A_80 = tpu.vector_load %arg7[%get3A_78, %get3A_79] {strides = array<i32>} : memref<400x64xf32, #tpu.memory_space<vmem>>, vector<1x16xf32>,
        %get3A_81 = vector.shape_cast %get3A_80 : vector<1x16xf32> to vector<16xf32>
        %get3A_82 = arith.index_cast %mul3A_74 : i32 to index
        %get3A_83 = arith.constant 32 : index
        %get3A_84 = tpu.vector_load %arg7[%get3A_82, %get3A_83] {strides = array<i32>} : memref<400x64xf32, #tpu.memory_space<vmem>>, vector<1x16xf32>,
        %get3A_85 = vector.shape_cast %get3A_84 : vector<1x16xf32> to vector<16xf32>
        %get3A_86 = arith.index_cast %mul3A_74 : i32 to index
        %get3A_87 = arith.constant 48 : index
        %get3A_88 = tpu.vector_load %arg7[%get3A_86, %get3A_87] {strides = array<i32>} : memref<400x64xf32, #tpu.memory_space<vmem>>, vector<1x16xf32>,
        %get3A_89 = vector.shape_cast %get3A_88 : vector<1x16xf32> to vector<16xf32>
        %add3A_90 = arith.constant 1 : i32
        %add3A_91 = arith.addi %mul3A_74, %add3A_90 : i32
        %get3A_92 = arith.index_cast %add3A_91 : i32 to index
        %get3A_93 = arith.constant 0 : index
        %get3A_94 = tpu.vector_load %arg7[%get3A_92, %get3A_93] {strides = array<i32>} : memref<400x64xf32, #tpu.memory_space<vmem>>, vector<1x16xf32>,
        %get3A_95 = vector.shape_cast %get3A_94 : vector<1x16xf32> to vector<16xf32>
        %add3A_96 = arith.addf %get3A_77, %get3A_95 : vector<16xf32>
        %add3A_97 = arith.constant 1 : i32
        %add3A_98 = arith.addi %mul3A_74, %add3A_97 : i32
        %get3A_99 = arith.index_cast %add3A_98 : i32 to index
        %get3A_100 = arith.constant 16 : index
        %get3A_101 = tpu.vector_load %arg7[%get3A_99, %get3A_100] {strides = array<i32>} : memref<400x64xf32, #tpu.memory_space<vmem>>, vector<1x16xf32>,
        %get3A_102 = vector.shape_cast %get3A_101 : vector<1x16xf32> to vector<16xf32>
        %add3A_103 = arith.addf %get3A_81, %get3A_102 : vector<16xf32>
        %add3A_104 = arith.constant 1 : i32
        %add3A_105 = arith.addi %mul3A_74, %add3A_104 : i32
        %get3A_106 = arith.index_cast %add3A_105 : i32 to index
        %get3A_107 = arith.constant 32 : index
        %get3A_108 = tpu.vector_load %arg7[%get3A_106, %get3A_107] {strides = array<i32>} : memref<400x64xf32, #tpu.memory_space<vmem>>, vector<1x16xf32>,
        %get3A_109 = vector.shape_cast %get3A_108 : vector<1x16xf32> to vector<16xf32>
        %add3A_110 = arith.addf %get3A_85, %get3A_109 : vector<16xf32>
        %add3A_111 = arith.constant 1 : i32
        %add3A_112 = arith.addi %mul3A_74, %add3A_111 : i32
        %get3A_113 = arith.index_cast %add3A_112 : i32 to index
        %get3A_114 = arith.constant 48 : index
        %get3A_115 = tpu.vector_load %arg7[%get3A_113, %get3A_114] {strides = array<i32>} : memref<400x64xf32, #tpu.memory_space<vmem>>, vector<1x16xf32>,
        %get3A_116 = vector.shape_cast %get3A_115 : vector<1x16xf32> to vector<16xf32>
        %add3A_117 = arith.addf %get3A_89, %get3A_116 : vector<16xf32>
        %add3A_118 = arith.constant 2 : i32
        %add3A_119 = arith.addi %mul3A_74, %add3A_118 : i32
        %get3A_120 = arith.index_cast %add3A_119 : i32 to index
        %get3A_121 = arith.constant 0 : index
        %get3A_122 = tpu.vector_load %arg7[%get3A_120, %get3A_121] {strides = array<i32>} : memref<400x64xf32, #tpu.memory_space<vmem>>, vector<1x16xf32>,
        %get3A_123 = vector.shape_cast %get3A_122 : vector<1x16xf32> to vector<16xf32>
        %add3A_124 = arith.addf %add3A_96, %get3A_123 : vector<16xf32>
        %add3A_125 = arith.constant 2 : i32
        %add3A_126 = arith.addi %mul3A_74, %add3A_125 : i32
        %get3A_127 = arith.index_cast %add3A_126 : i32 to index
        %get3A_128 = arith.constant 16 : index
        %get3A_129 = tpu.vector_load %arg7[%get3A_127, %get3A_128] {strides = array<i32>} : memref<400x64xf32, #tpu.memory_space<vmem>>, vector<1x16xf32>,
        %get3A_130 = vector.shape_cast %get3A_129 : vector<1x16xf32> to vector<16xf32>
        %add3A_131 = arith.addf %add3A_103, %get3A_130 : vector<16xf32>
        %add3A_132 = arith.constant 2 : i32
        %add3A_133 = arith.addi %mul3A_74, %add3A_132 : i32
        %get3A_134 = arith.index_cast %add3A_133 : i32 to index
        %get3A_135 = arith.constant 32 : index
        %get3A_136 = tpu.vector_load %arg7[%get3A_134, %get3A_135] {strides = array<i32>} : memref<400x64xf32, #tpu.memory_space<vmem>>, vector<1x16xf32>,
        %get3A_137 = vector.shape_cast %get3A_136 : vector<1x16xf32> to vector<16xf32>
        %add3A_138 = arith.addf %add3A_110, %get3A_137 : vector<16xf32>
        %add3A_139 = arith.constant 2 : i32
        %add3A_140 = arith.addi %mul3A_74, %add3A_139 : i32
        %get3A_141 = arith.index_cast %add3A_140 : i32 to index
        %get3A_142 = arith.constant 48 : index
        %get3A_143 = tpu.vector_load %arg7[%get3A_141, %get3A_142] {strides = array<i32>} : memref<400x64xf32, #tpu.memory_space<vmem>>, vector<1x16xf32>,
        %get3A_144 = vector.shape_cast %get3A_143 : vector<1x16xf32> to vector<16xf32>
        %add3A_145 = arith.addf %add3A_117, %get3A_144 : vector<16xf32>
        %add3A_146 = arith.constant 3 : i32
        %add3A_147 = arith.addi %mul3A_74, %add3A_146 : i32
        %get3A_148 = arith.index_cast %add3A_147 : i32 to index
        %get3A_149 = arith.constant 0 : index
        %get3A_150 = tpu.vector_load %arg7[%get3A_148, %get3A_149] {strides = array<i32>} : memref<400x64xf32, #tpu.memory_space<vmem>>, vector<1x16xf32>,
        %get3A_151 = vector.shape_cast %get3A_150 : vector<1x16xf32> to vector<16xf32>
        %add3A_152 = arith.addf %add3A_124, %get3A_151 : vector<16xf32>
        %add3A_153 = arith.constant 3 : i32
        %add3A_154 = arith.addi %mul3A_74, %add3A_153 : i32
        %get3A_155 = arith.index_cast %add3A_154 : i32 to index
        %get3A_156 = arith.constant 16 : index
        %get3A_157 = tpu.vector_load %arg7[%get3A_155, %get3A_156] {strides = array<i32>} : memref<400x64xf32, #tpu.memory_space<vmem>>, vector<1x16xf32>,
        %get3A_158 = vector.shape_cast %get3A_157 : vector<1x16xf32> to vector<16xf32>
        %add3A_159 = arith.addf %add3A_131, %get3A_158 : vector<16xf32>
        %add3A_160 = arith.constant 3 : i32
        %add3A_161 = arith.addi %mul3A_74, %add3A_160 : i32
        %get3A_162 = arith.index_cast %add3A_161 : i32 to index
        %get3A_163 = arith.constant 32 : index
        %get3A_164 = tpu.vector_load %arg7[%get3A_162, %get3A_163] {strides = array<i32>} : memref<400x64xf32, #tpu.memory_space<vmem>>, vector<1x16xf32>,
        %get3A_165 = vector.shape_cast %get3A_164 : vector<1x16xf32> to vector<16xf32>
        %add3A_166 = arith.addf %add3A_138, %get3A_165 : vector<16xf32>
        %add3A_167 = arith.constant 3 : i32
        %add3A_168 = arith.addi %mul3A_74, %add3A_167 : i32
        %get3A_169 = arith.index_cast %add3A_168 : i32 to index
        %get3A_170 = arith.constant 48 : index
        %get3A_171 = tpu.vector_load %arg7[%get3A_169, %get3A_170] {strides = array<i32>} : memref<400x64xf32, #tpu.memory_space<vmem>>, vector<1x16xf32>,
        %get3A_172 = vector.shape_cast %get3A_171 : vector<1x16xf32> to vector<16xf32>
        %add3A_173 = arith.addf %add3A_145, %get3A_172 : vector<16xf32>
        %add3A_174 = arith.constant 4 : i32
        %add3A_175 = arith.addi %mul3A_74, %add3A_174 : i32
        %get3A_176 = arith.index_cast %add3A_175 : i32 to index
        %get3A_177 = arith.constant 0 : index
        %get3A_178 = tpu.vector_load %arg7[%get3A_176, %get3A_177] {strides = array<i32>} : memref<400x64xf32, #tpu.memory_space<vmem>>, vector<1x16xf32>,
        %get3A_179 = vector.shape_cast %get3A_178 : vector<1x16xf32> to vector<16xf32>
        %add3A_180 = arith.addf %add3A_152, %get3A_179 : vector<16xf32>
        %add3A_181 = arith.constant 4 : i32
        %add3A_182 = arith.addi %mul3A_74, %add3A_181 : i32
        %get3A_183 = arith.index_cast %add3A_182 : i32 to index
        %get3A_184 = arith.constant 16 : index
        %get3A_185 = tpu.vector_load %arg7[%get3A_183, %get3A_184] {strides = array<i32>} : memref<400x64xf32, #tpu.memory_space<vmem>>, vector<1x16xf32>,
        %get3A_186 = vector.shape_cast %get3A_185 : vector<1x16xf32> to vector<16xf32>
        %add3A_187 = arith.addf %add3A_159, %get3A_186 : vector<16xf32>
        %add3A_188 = arith.constant 4 : i32
        %add3A_189 = arith.addi %mul3A_74, %add3A_188 : i32
        %get3A_190 = arith.index_cast %add3A_189 : i32 to index
        %get3A_191 = arith.constant 32 : index
        %get3A_192 = tpu.vector_load %arg7[%get3A_190, %get3A_191] {strides = array<i32>} : memref<400x64xf32, #tpu.memory_space<vmem>>, vector<1x16xf32>,
        %get3A_193 = vector.shape_cast %get3A_192 : vector<1x16xf32> to vector<16xf32>
        %add3A_194 = arith.addf %add3A_166, %get3A_193 : vector<16xf32>
        %add3A_195 = arith.constant 4 : i32
        %add3A_196 = arith.addi %mul3A_74, %add3A_195 : i32
        %get3A_197 = arith.index_cast %add3A_196 : i32 to index
        %get3A_198 = arith.constant 48 : index
        %get3A_199 = tpu.vector_load %arg7[%get3A_197, %get3A_198] {strides = array<i32>} : memref<400x64xf32, #tpu.memory_space<vmem>>, vector<1x16xf32>,
        %get3A_200 = vector.shape_cast %get3A_199 : vector<1x16xf32> to vector<16xf32>
        %add3A_201 = arith.addf %add3A_173, %get3A_200 : vector<16xf32>
        %add3A_202 = arith.constant 5 : i32
        %add3A_203 = arith.addi %mul3A_74, %add3A_202 : i32
        %get3A_204 = arith.index_cast %add3A_203 : i32 to index
        %get3A_205 = arith.constant 0 : index
        %get3A_206 = tpu.vector_load %arg7[%get3A_204, %get3A_205] {strides = array<i32>} : memref<400x64xf32, #tpu.memory_space<vmem>>, vector<1x16xf32>,
        %get3A_207 = vector.shape_cast %get3A_206 : vector<1x16xf32> to vector<16xf32>
        %add3A_208 = arith.addf %add3A_180, %get3A_207 : vector<16xf32>
        %add3A_209 = arith.constant 5 : i32
        %add3A_210 = arith.addi %mul3A_74, %add3A_209 : i32
        %get3A_211 = arith.index_cast %add3A_210 : i32 to index
        %get3A_212 = arith.constant 16 : index
        %get3A_213 = tpu.vector_load %arg7[%get3A_211, %get3A_212] {strides = array<i32>} : memref<400x64xf32, #tpu.memory_space<vmem>>, vector<1x16xf32>,
        %get3A_214 = vector.shape_cast %get3A_213 : vector<1x16xf32> to vector<16xf32>
        %add3A_215 = arith.addf %add3A_187, %get3A_214 : vector<16xf32>
        %add3A_216 = arith.constant 5 : i32
        %add3A_217 = arith.addi %mul3A_74, %add3A_216 : i32
        %get3A_218 = arith.index_cast %add3A_217 : i32 to index
        %get3A_219 = arith.constant 32 : index
        %get3A_220 = tpu.vector_load %arg7[%get3A_218, %get3A_219] {strides = array<i32>} : memref<400x64xf32, #tpu.memory_space<vmem>>, vector<1x16xf32>,
        %get3A_221 = vector.shape_cast %get3A_220 : vector<1x16xf32> to vector<16xf32>
        %add3A_222 = arith.addf %add3A_194, %get3A_221 : vector<16xf32>
        %add3A_223 = arith.constant 5 : i32
        %add3A_224 = arith.addi %mul3A_74, %add3A_223 : i32
        %get3A_225 = arith.index_cast %add3A_224 : i32 to index
        %get3A_226 = arith.constant 48 : index
        %get3A_227 = tpu.vector_load %arg7[%get3A_225, %get3A_226] {strides = array<i32>} : memref<400x64xf32, #tpu.memory_space<vmem>>, vector<1x16xf32>,
        %get3A_228 = vector.shape_cast %get3A_227 : vector<1x16xf32> to vector<16xf32>
        %add3A_229 = arith.addf %add3A_201, %get3A_228 : vector<16xf32>
        %add3A_230 = arith.constant 6 : i32
        %add3A_231 = arith.addi %mul3A_74, %add3A_230 : i32
        %get3A_232 = arith.index_cast %add3A_231 : i32 to index
        %get3A_233 = arith.constant 0 : index
        %get3A_234 = tpu.vector_load %arg7[%get3A_232, %get3A_233] {strides = array<i32>} : memref<400x64xf32, #tpu.memory_space<vmem>>, vector<1x16xf32>,
        %get3A_235 = vector.shape_cast %get3A_234 : vector<1x16xf32> to vector<16xf32>
        %add3A_236 = arith.addf %add3A_208, %get3A_235 : vector<16xf32>
        %add3A_237 = arith.constant 6 : i32
        %add3A_238 = arith.addi %mul3A_74, %add3A_237 : i32
        %get3A_239 = arith.index_cast %add3A_238 : i32 to index
        %get3A_240 = arith.constant 16 : index
        %get3A_241 = tpu.vector_load %arg7[%get3A_239, %get3A_240] {strides = array<i32>} : memref<400x64xf32, #tpu.memory_space<vmem>>, vector<1x16xf32>,
        %get3A_242 = vector.shape_cast %get3A_241 : vector<1x16xf32> to vector<16xf32>
        %add3A_243 = arith.addf %add3A_215, %get3A_242 : vector<16xf32>
        %add3A_244 = arith.constant 6 : i32
        %add3A_245 = arith.addi %mul3A_74, %add3A_244 : i32
        %get3A_246 = arith.index_cast %add3A_245 : i32 to index
        %get3A_247 = arith.constant 32 : index
        %get3A_248 = tpu.vector_load %arg7[%get3A_246, %get3A_247] {strides = array<i32>} : memref<400x64xf32, #tpu.memory_space<vmem>>, vector<1x16xf32>,
        %get3A_249 = vector.shape_cast %get3A_248 : vector<1x16xf32> to vector<16xf32>
        %add3A_250 = arith.addf %add3A_222, %get3A_249 : vector<16xf32>
        %add3A_251 = arith.constant 6 : i32
        %add3A_252 = arith.addi %mul3A_74, %add3A_251 : i32
        %get3A_253 = arith.index_cast %add3A_252 : i32 to index
        %get3A_254 = arith.constant 48 : index
        %get3A_255 = tpu.vector_load %arg7[%get3A_253, %get3A_254] {strides = array<i32>} : memref<400x64xf32, #tpu.memory_space<vmem>>, vector<1x16xf32>,
        %get3A_256 = vector.shape_cast %get3A_255 : vector<1x16xf32> to vector<16xf32>
        %add3A_257 = arith.addf %add3A_229, %get3A_256 : vector<16xf32>
        %add3A_258 = arith.constant 7 : i32
        %add3A_259 = arith.addi %mul3A_74, %add3A_258 : i32
        %get3A_260 = arith.index_cast %add3A_259 : i32 to index
        %get3A_261 = arith.constant 0 : index
        %get3A_262 = tpu.vector_load %arg7[%get3A_260, %get3A_261] {strides = array<i32>} : memref<400x64xf32, #tpu.memory_space<vmem>>, vector<1x16xf32>,
        %get3A_263 = vector.shape_cast %get3A_262 : vector<1x16xf32> to vector<16xf32>
        %add3A_264 = arith.addf %add3A_236, %get3A_263 : vector<16xf32>
        %add3A_265 = arith.constant 7 : i32
        %add3A_266 = arith.addi %mul3A_74, %add3A_265 : i32
        %get3A_267 = arith.index_cast %add3A_266 : i32 to index
        %get3A_268 = arith.constant 16 : index
        %get3A_269 = tpu.vector_load %arg7[%get3A_267, %get3A_268] {strides = array<i32>} : memref<400x64xf32, #tpu.memory_space<vmem>>, vector<1x16xf32>,
        %get3A_270 = vector.shape_cast %get3A_269 : vector<1x16xf32> to vector<16xf32>
        %add3A_271 = arith.addf %add3A_243, %get3A_270 : vector<16xf32>
        %add3A_272 = arith.constant 7 : i32
        %add3A_273 = arith.addi %mul3A_74, %add3A_272 : i32
        %get3A_274 = arith.index_cast %add3A_273 : i32 to index
        %get3A_275 = arith.constant 32 : index
        %get3A_276 = tpu.vector_load %arg7[%get3A_274, %get3A_275] {strides = array<i32>} : memref<400x64xf32, #tpu.memory_space<vmem>>, vector<1x16xf32>,
        %get3A_277 = vector.shape_cast %get3A_276 : vector<1x16xf32> to vector<16xf32>
        %add3A_278 = arith.addf %add3A_250, %get3A_277 : vector<16xf32>
        %add3A_279 = arith.constant 7 : i32
        %add3A_280 = arith.addi %mul3A_74, %add3A_279 : i32
        %get3A_281 = arith.index_cast %add3A_280 : i32 to index
        %get3A_282 = arith.constant 48 : index
        %get3A_283 = tpu.vector_load %arg7[%get3A_281, %get3A_282] {strides = array<i32>} : memref<400x64xf32, #tpu.memory_space<vmem>>, vector<1x16xf32>,
        %get3A_284 = vector.shape_cast %get3A_283 : vector<1x16xf32> to vector<16xf32>
        %add3A_285 = arith.addf %add3A_257, %get3A_284 : vector<16xf32>
        %add3A_286 = arith.constant 8 : i32
        %add3A_287 = arith.addi %mul3A_74, %add3A_286 : i32
        %get3A_288 = arith.index_cast %add3A_287 : i32 to index
        %get3A_289 = arith.constant 0 : index
        %get3A_290 = tpu.vector_load %arg7[%get3A_288, %get3A_289] {strides = array<i32>} : memref<400x64xf32, #tpu.memory_space<vmem>>, vector<1x16xf32>,
        %get3A_291 = vector.shape_cast %get3A_290 : vector<1x16xf32> to vector<16xf32>
        %add3A_292 = arith.addf %add3A_264, %get3A_291 : vector<16xf32>
        %add3A_293 = arith.constant 8 : i32
        %add3A_294 = arith.addi %mul3A_74, %add3A_293 : i32
        %get3A_295 = arith.index_cast %add3A_294 : i32 to index
        %get3A_296 = arith.constant 16 : index
        %get3A_297 = tpu.vector_load %arg7[%get3A_295, %get3A_296] {strides = array<i32>} : memref<400x64xf32, #tpu.memory_space<vmem>>, vector<1x16xf32>,
        %get3A_298 = vector.shape_cast %get3A_297 : vector<1x16xf32> to vector<16xf32>
        %add3A_299 = arith.addf %add3A_271, %get3A_298 : vector<16xf32>
        %add3A_300 = arith.constant 8 : i32
        %add3A_301 = arith.addi %mul3A_74, %add3A_300 : i32
        %get3A_302 = arith.index_cast %add3A_301 : i32 to index
        %get3A_303 = arith.constant 32 : index
        %get3A_304 = tpu.vector_load %arg7[%get3A_302, %get3A_303] {strides = array<i32>} : memref<400x64xf32, #tpu.memory_space<vmem>>, vector<1x16xf32>,
        %get3A_305 = vector.shape_cast %get3A_304 : vector<1x16xf32> to vector<16xf32>
        %add3A_306 = arith.addf %add3A_278, %get3A_305 : vector<16xf32>
        %add3A_307 = arith.constant 8 : i32
        %add3A_308 = arith.addi %mul3A_74, %add3A_307 : i32
        %get3A_309 = arith.index_cast %add3A_308 : i32 to index
        %get3A_310 = arith.constant 48 : index
        %get3A_311 = tpu.vector_load %arg7[%get3A_309, %get3A_310] {strides = array<i32>} : memref<400x64xf32, #tpu.memory_space<vmem>>, vector<1x16xf32>,
        %get3A_312 = vector.shape_cast %get3A_311 : vector<1x16xf32> to vector<16xf32>
        %add3A_313 = arith.addf %add3A_285, %get3A_312 : vector<16xf32>
        %add3A_314 = arith.constant 9 : i32
        %add3A_315 = arith.addi %mul3A_74, %add3A_314 : i32
        %get3A_316 = arith.index_cast %add3A_315 : i32 to index
        %get3A_317 = arith.constant 0 : index
        %get3A_318 = tpu.vector_load %arg7[%get3A_316, %get3A_317] {strides = array<i32>} : memref<400x64xf32, #tpu.memory_space<vmem>>, vector<1x16xf32>,
        %get3A_319 = vector.shape_cast %get3A_318 : vector<1x16xf32> to vector<16xf32>
        %add3A_320 = arith.addf %add3A_292, %get3A_319 : vector<16xf32>
        %add3A_321 = arith.constant 9 : i32
        %add3A_322 = arith.addi %mul3A_74, %add3A_321 : i32
        %get3A_323 = arith.index_cast %add3A_322 : i32 to index
        %get3A_324 = arith.constant 16 : index
        %get3A_325 = tpu.vector_load %arg7[%get3A_323, %get3A_324] {strides = array<i32>} : memref<400x64xf32, #tpu.memory_space<vmem>>, vector<1x16xf32>,
        %get3A_326 = vector.shape_cast %get3A_325 : vector<1x16xf32> to vector<16xf32>
        %add3A_327 = arith.addf %add3A_299, %get3A_326 : vector<16xf32>
        %add3A_328 = arith.constant 9 : i32
        %add3A_329 = arith.addi %mul3A_74, %add3A_328 : i32
        %get3A_330 = arith.index_cast %add3A_329 : i32 to index
        %get3A_331 = arith.constant 32 : index
        %get3A_332 = tpu.vector_load %arg7[%get3A_330, %get3A_331] {strides = array<i32>} : memref<400x64xf32, #tpu.memory_space<vmem>>, vector<1x16xf32>,
        %get3A_333 = vector.shape_cast %get3A_332 : vector<1x16xf32> to vector<16xf32>
        %add3A_334 = arith.addf %add3A_306, %get3A_333 : vector<16xf32>
        %add3A_335 = arith.constant 9 : i32
        %add3A_336 = arith.addi %mul3A_74, %add3A_335 : i32
        %get3A_337 = arith.index_cast %add3A_336 : i32 to index
        %get3A_338 = arith.constant 48 : index
        %get3A_339 = tpu.vector_load %arg7[%get3A_337, %get3A_338] {strides = array<i32>} : memref<400x64xf32, #tpu.memory_space<vmem>>, vector<1x16xf32>,
        %get3A_340 = vector.shape_cast %get3A_339 : vector<1x16xf32> to vector<16xf32>
        %add3A_341 = arith.addf %add3A_313, %get3A_340 : vector<16xf32>
        %add3A_342 = arith.constant 10 : i32
        %add3A_343 = arith.addi %mul3A_74, %add3A_342 : i32
        %get3A_344 = arith.index_cast %add3A_343 : i32 to index
        %get3A_345 = arith.constant 0 : index
        %get3A_346 = tpu.vector_load %arg7[%get3A_344, %get3A_345] {strides = array<i32>} : memref<400x64xf32, #tpu.memory_space<vmem>>, vector<1x16xf32>,
        %get3A_347 = vector.shape_cast %get3A_346 : vector<1x16xf32> to vector<16xf32>
        %add3A_348 = arith.addf %add3A_320, %get3A_347 : vector<16xf32>
        %add3A_349 = arith.constant 10 : i32
        %add3A_350 = arith.addi %mul3A_74, %add3A_349 : i32
        %get3A_351 = arith.index_cast %add3A_350 : i32 to index
        %get3A_352 = arith.constant 16 : index
        %get3A_353 = tpu.vector_load %arg7[%get3A_351, %get3A_352] {strides = array<i32>} : memref<400x64xf32, #tpu.memory_space<vmem>>, vector<1x16xf32>,
        %get3A_354 = vector.shape_cast %get3A_353 : vector<1x16xf32> to vector<16xf32>
        %add3A_355 = arith.addf %add3A_327, %get3A_354 : vector<16xf32>
        %add3A_356 = arith.constant 10 : i32
        %add3A_357 = arith.addi %mul3A_74, %add3A_356 : i32
        %get3A_358 = arith.index_cast %add3A_357 : i32 to index
        %get3A_359 = arith.constant 32 : index
        %get3A_360 = tpu.vector_load %arg7[%get3A_358, %get3A_359] {strides = array<i32>} : memref<400x64xf32, #tpu.memory_space<vmem>>, vector<1x16xf32>,
        %get3A_361 = vector.shape_cast %get3A_360 : vector<1x16xf32> to vector<16xf32>
        %add3A_362 = arith.addf %add3A_334, %get3A_361 : vector<16xf32>
        %add3A_363 = arith.constant 10 : i32
        %add3A_364 = arith.addi %mul3A_74, %add3A_363 : i32
        %get3A_365 = arith.index_cast %add3A_364 : i32 to index
        %get3A_366 = arith.constant 48 : index
        %get3A_367 = tpu.vector_load %arg7[%get3A_365, %get3A_366] {strides = array<i32>} : memref<400x64xf32, #tpu.memory_space<vmem>>, vector<1x16xf32>,
        %get3A_368 = vector.shape_cast %get3A_367 : vector<1x16xf32> to vector<16xf32>
        %add3A_369 = arith.addf %add3A_341, %get3A_368 : vector<16xf32>
        %add3A_370 = arith.constant 11 : i32
        %add3A_371 = arith.addi %mul3A_74, %add3A_370 : i32
        %get3A_372 = arith.index_cast %add3A_371 : i32 to index
        %get3A_373 = arith.constant 0 : index
        %get3A_374 = tpu.vector_load %arg7[%get3A_372, %get3A_373] {strides = array<i32>} : memref<400x64xf32, #tpu.memory_space<vmem>>, vector<1x16xf32>,
        %get3A_375 = vector.shape_cast %get3A_374 : vector<1x16xf32> to vector<16xf32>
        %add3A_376 = arith.addf %add3A_348, %get3A_375 : vector<16xf32>
        %add3A_377 = arith.constant 11 : i32
        %add3A_378 = arith.addi %mul3A_74, %add3A_377 : i32
        %get3A_379 = arith.index_cast %add3A_378 : i32 to index
        %get3A_380 = arith.constant 16 : index
        %get3A_381 = tpu.vector_load %arg7[%get3A_379, %get3A_380] {strides = array<i32>} : memref<400x64xf32, #tpu.memory_space<vmem>>, vector<1x16xf32>,
        %get3A_382 = vector.shape_cast %get3A_381 : vector<1x16xf32> to vector<16xf32>
        %add3A_383 = arith.addf %add3A_355, %get3A_382 : vector<16xf32>
        %add3A_384 = arith.constant 11 : i32
        %add3A_385 = arith.addi %mul3A_74, %add3A_384 : i32
        %get3A_386 = arith.index_cast %add3A_385 : i32 to index
        %get3A_387 = arith.constant 32 : index
        %get3A_388 = tpu.vector_load %arg7[%get3A_386, %get3A_387] {strides = array<i32>} : memref<400x64xf32, #tpu.memory_space<vmem>>, vector<1x16xf32>,
        %get3A_389 = vector.shape_cast %get3A_388 : vector<1x16xf32> to vector<16xf32>
        %add3A_390 = arith.addf %add3A_362, %get3A_389 : vector<16xf32>
        %add3A_391 = arith.constant 11 : i32
        %add3A_392 = arith.addi %mul3A_74, %add3A_391 : i32
        %get3A_393 = arith.index_cast %add3A_392 : i32 to index
        %get3A_394 = arith.constant 48 : index
        %get3A_395 = tpu.vector_load %arg7[%get3A_393, %get3A_394] {strides = array<i32>} : memref<400x64xf32, #tpu.memory_space<vmem>>, vector<1x16xf32>,
        %get3A_396 = vector.shape_cast %get3A_395 : vector<1x16xf32> to vector<16xf32>
        %add3A_397 = arith.addf %add3A_369, %get3A_396 : vector<16xf32>
        %add3A_398 = arith.constant 12 : i32
        %add3A_399 = arith.addi %mul3A_74, %add3A_398 : i32
        %get3A_400 = arith.index_cast %add3A_399 : i32 to index
        %get3A_401 = arith.constant 0 : index
        %get3A_402 = tpu.vector_load %arg7[%get3A_400, %get3A_401] {strides = array<i32>} : memref<400x64xf32, #tpu.memory_space<vmem>>, vector<1x16xf32>,
        %get3A_403 = vector.shape_cast %get3A_402 : vector<1x16xf32> to vector<16xf32>
        %add3A_404 = arith.addf %add3A_376, %get3A_403 : vector<16xf32>
        %add3A_405 = arith.constant 12 : i32
        %add3A_406 = arith.addi %mul3A_74, %add3A_405 : i32
        %get3A_407 = arith.index_cast %add3A_406 : i32 to index
        %get3A_408 = arith.constant 16 : index
        %get3A_409 = tpu.vector_load %arg7[%get3A_407, %get3A_408] {strides = array<i32>} : memref<400x64xf32, #tpu.memory_space<vmem>>, vector<1x16xf32>,
        %get3A_410 = vector.shape_cast %get3A_409 : vector<1x16xf32> to vector<16xf32>
        %add3A_411 = arith.addf %add3A_383, %get3A_410 : vector<16xf32>
        %add3A_412 = arith.constant 12 : i32
        %add3A_413 = arith.addi %mul3A_74, %add3A_412 : i32
        %get3A_414 = arith.index_cast %add3A_413 : i32 to index
        %get3A_415 = arith.constant 32 : index
        %get3A_416 = tpu.vector_load %arg7[%get3A_414, %get3A_415] {strides = array<i32>} : memref<400x64xf32, #tpu.memory_space<vmem>>, vector<1x16xf32>,
        %get3A_417 = vector.shape_cast %get3A_416 : vector<1x16xf32> to vector<16xf32>
        %add3A_418 = arith.addf %add3A_390, %get3A_417 : vector<16xf32>
        %add3A_419 = arith.constant 12 : i32
        %add3A_420 = arith.addi %mul3A_74, %add3A_419 : i32
        %get3A_421 = arith.index_cast %add3A_420 : i32 to index
        %get3A_422 = arith.constant 48 : index
        %get3A_423 = tpu.vector_load %arg7[%get3A_421, %get3A_422] {strides = array<i32>} : memref<400x64xf32, #tpu.memory_space<vmem>>, vector<1x16xf32>,
        %get3A_424 = vector.shape_cast %get3A_423 : vector<1x16xf32> to vector<16xf32>
        %add3A_425 = arith.addf %add3A_397, %get3A_424 : vector<16xf32>
        %add3A_426 = arith.constant 13 : i32
        %add3A_427 = arith.addi %mul3A_74, %add3A_426 : i32
        %get3A_428 = arith.index_cast %add3A_427 : i32 to index
        %get3A_429 = arith.constant 0 : index
        %get3A_430 = tpu.vector_load %arg7[%get3A_428, %get3A_429] {strides = array<i32>} : memref<400x64xf32, #tpu.memory_space<vmem>>, vector<1x16xf32>,
        %get3A_431 = vector.shape_cast %get3A_430 : vector<1x16xf32> to vector<16xf32>
        %add3A_432 = arith.addf %add3A_404, %get3A_431 : vector<16xf32>
        %add3A_433 = arith.constant 13 : i32
        %add3A_434 = arith.addi %mul3A_74, %add3A_433 : i32
        %get3A_435 = arith.index_cast %add3A_434 : i32 to index
        %get3A_436 = arith.constant 16 : index
        %get3A_437 = tpu.vector_load %arg7[%get3A_435, %get3A_436] {strides = array<i32>} : memref<400x64xf32, #tpu.memory_space<vmem>>, vector<1x16xf32>,
        %get3A_438 = vector.shape_cast %get3A_437 : vector<1x16xf32> to vector<16xf32>
        %add3A_439 = arith.addf %add3A_411, %get3A_438 : vector<16xf32>
        %add3A_440 = arith.constant 13 : i32
        %add3A_441 = arith.addi %mul3A_74, %add3A_440 : i32
        %get3A_442 = arith.index_cast %add3A_441 : i32 to index
        %get3A_443 = arith.constant 32 : index
        %get3A_444 = tpu.vector_load %arg7[%get3A_442, %get3A_443] {strides = array<i32>} : memref<400x64xf32, #tpu.memory_space<vmem>>, vector<1x16xf32>,
        %get3A_445 = vector.shape_cast %get3A_444 : vector<1x16xf32> to vector<16xf32>
        %add3A_446 = arith.addf %add3A_418, %get3A_445 : vector<16xf32>
        %add3A_447 = arith.constant 13 : i32
        %add3A_448 = arith.addi %mul3A_74, %add3A_447 : i32
        %get3A_449 = arith.index_cast %add3A_448 : i32 to index
        %get3A_450 = arith.constant 48 : index
        %get3A_451 = tpu.vector_load %arg7[%get3A_449, %get3A_450] {strides = array<i32>} : memref<400x64xf32, #tpu.memory_space<vmem>>, vector<1x16xf32>,
        %get3A_452 = vector.shape_cast %get3A_451 : vector<1x16xf32> to vector<16xf32>
        %add3A_453 = arith.addf %add3A_425, %get3A_452 : vector<16xf32>
        %add3A_454 = arith.constant 14 : i32
        %add3A_455 = arith.addi %mul3A_74, %add3A_454 : i32
        %get3A_456 = arith.index_cast %add3A_455 : i32 to index
        %get3A_457 = arith.constant 0 : index
        %get3A_458 = tpu.vector_load %arg7[%get3A_456, %get3A_457] {strides = array<i32>} : memref<400x64xf32, #tpu.memory_space<vmem>>, vector<1x16xf32>,
        %get3A_459 = vector.shape_cast %get3A_458 : vector<1x16xf32> to vector<16xf32>
        %add3A_460 = arith.addf %add3A_432, %get3A_459 : vector<16xf32>
        %add3A_461 = arith.constant 14 : i32
        %add3A_462 = arith.addi %mul3A_74, %add3A_461 : i32
        %get3A_463 = arith.index_cast %add3A_462 : i32 to index
        %get3A_464 = arith.constant 16 : index
        %get3A_465 = tpu.vector_load %arg7[%get3A_463, %get3A_464] {strides = array<i32>} : memref<400x64xf32, #tpu.memory_space<vmem>>, vector<1x16xf32>,
        %get3A_466 = vector.shape_cast %get3A_465 : vector<1x16xf32> to vector<16xf32>
        %add3A_467 = arith.addf %add3A_439, %get3A_466 : vector<16xf32>
        %add3A_468 = arith.constant 14 : i32
        %add3A_469 = arith.addi %mul3A_74, %add3A_468 : i32
        %get3A_470 = arith.index_cast %add3A_469 : i32 to index
        %get3A_471 = arith.constant 32 : index
        %get3A_472 = tpu.vector_load %arg7[%get3A_470, %get3A_471] {strides = array<i32>} : memref<400x64xf32, #tpu.memory_space<vmem>>, vector<1x16xf32>,
        %get3A_473 = vector.shape_cast %get3A_472 : vector<1x16xf32> to vector<16xf32>
        %add3A_474 = arith.addf %add3A_446, %get3A_473 : vector<16xf32>
        %add3A_475 = arith.constant 14 : i32
        %add3A_476 = arith.addi %mul3A_74, %add3A_475 : i32
        %get3A_477 = arith.index_cast %add3A_476 : i32 to index
        %get3A_478 = arith.constant 48 : index
        %get3A_479 = tpu.vector_load %arg7[%get3A_477, %get3A_478] {strides = array<i32>} : memref<400x64xf32, #tpu.memory_space<vmem>>, vector<1x16xf32>,
        %get3A_480 = vector.shape_cast %get3A_479 : vector<1x16xf32> to vector<16xf32>
        %add3A_481 = arith.addf %add3A_453, %get3A_480 : vector<16xf32>
        %add3A_482 = arith.constant 15 : i32
        %add3A_483 = arith.addi %mul3A_74, %add3A_482 : i32
        %get3A_484 = arith.index_cast %add3A_483 : i32 to index
        %get3A_485 = arith.constant 0 : index
        %get3A_486 = tpu.vector_load %arg7[%get3A_484, %get3A_485] {strides = array<i32>} : memref<400x64xf32, #tpu.memory_space<vmem>>, vector<1x16xf32>,
        %get3A_487 = vector.shape_cast %get3A_486 : vector<1x16xf32> to vector<16xf32>
        %add3A_488 = arith.addf %add3A_460, %get3A_487 : vector<16xf32>
        %add3A_489 = arith.constant 15 : i32
        %add3A_490 = arith.addi %mul3A_74, %add3A_489 : i32
        %get3A_491 = arith.index_cast %add3A_490 : i32 to index
        %get3A_492 = arith.constant 16 : index
        %get3A_493 = tpu.vector_load %arg7[%get3A_491, %get3A_492] {strides = array<i32>} : memref<400x64xf32, #tpu.memory_space<vmem>>, vector<1x16xf32>,
        %get3A_494 = vector.shape_cast %get3A_493 : vector<1x16xf32> to vector<16xf32>
        %add3A_495 = arith.addf %add3A_467, %get3A_494 : vector<16xf32>
        %add3A_496 = arith.constant 15 : i32
        %add3A_497 = arith.addi %mul3A_74, %add3A_496 : i32
        %get3A_498 = arith.index_cast %add3A_497 : i32 to index
        %get3A_499 = arith.constant 32 : index
        %get3A_500 = tpu.vector_load %arg7[%get3A_498, %get3A_499] {strides = array<i32>} : memref<400x64xf32, #tpu.memory_space<vmem>>, vector<1x16xf32>,
        %get3A_501 = vector.shape_cast %get3A_500 : vector<1x16xf32> to vector<16xf32>
        %add3A_502 = arith.addf %add3A_474, %get3A_501 : vector<16xf32>
        %add3A_503 = arith.constant 15 : i32
        %add3A_504 = arith.addi %mul3A_74, %add3A_503 : i32
        %get3A_505 = arith.index_cast %add3A_504 : i32 to index
        %get3A_506 = arith.constant 48 : index
        %get3A_507 = tpu.vector_load %arg7[%get3A_505, %get3A_506] {strides = array<i32>} : memref<400x64xf32, #tpu.memory_space<vmem>>, vector<1x16xf32>,
        %get3A_508 = vector.shape_cast %get3A_507 : vector<1x16xf32> to vector<16xf32>
        %add3A_509 = arith.addf %add3A_481, %get3A_508 : vector<16xf32>
        %add3A_510 = arith.constant 16 : i32
        %add3A_511 = arith.addi %mul3A_74, %add3A_510 : i32
        %get3A_512 = arith.index_cast %add3A_511 : i32 to index
        %get3A_513 = arith.constant 0 : index
        %get3A_514 = tpu.vector_load %arg7[%get3A_512, %get3A_513] {strides = array<i32>} : memref<400x64xf32, #tpu.memory_space<vmem>>, vector<1x16xf32>,
        %get3A_515 = vector.shape_cast %get3A_514 : vector<1x16xf32> to vector<16xf32>
        %add3A_516 = arith.addf %add3A_488, %get3A_515 : vector<16xf32>
        %add3A_517 = arith.constant 16 : i32
        %add3A_518 = arith.addi %mul3A_74, %add3A_517 : i32
        %get3A_519 = arith.index_cast %add3A_518 : i32 to index
        %get3A_520 = arith.constant 16 : index
        %get3A_521 = tpu.vector_load %arg7[%get3A_519, %get3A_520] {strides = array<i32>} : memref<400x64xf32, #tpu.memory_space<vmem>>, vector<1x16xf32>,
        %get3A_522 = vector.shape_cast %get3A_521 : vector<1x16xf32> to vector<16xf32>
        %add3A_523 = arith.addf %add3A_495, %get3A_522 : vector<16xf32>
        %add3A_524 = arith.constant 16 : i32
        %add3A_525 = arith.addi %mul3A_74, %add3A_524 : i32
        %get3A_526 = arith.index_cast %add3A_525 : i32 to index
        %get3A_527 = arith.constant 32 : index
        %get3A_528 = tpu.vector_load %arg7[%get3A_526, %get3A_527] {strides = array<i32>} : memref<400x64xf32, #tpu.memory_space<vmem>>, vector<1x16xf32>,
        %get3A_529 = vector.shape_cast %get3A_528 : vector<1x16xf32> to vector<16xf32>
        %add3A_530 = arith.addf %add3A_502, %get3A_529 : vector<16xf32>
        %add3A_531 = arith.constant 16 : i32
        %add3A_532 = arith.addi %mul3A_74, %add3A_531 : i32
        %get3A_533 = arith.index_cast %add3A_532 : i32 to index
        %get3A_534 = arith.constant 48 : index
        %get3A_535 = tpu.vector_load %arg7[%get3A_533, %get3A_534] {strides = array<i32>} : memref<400x64xf32, #tpu.memory_space<vmem>>, vector<1x16xf32>,
        %get3A_536 = vector.shape_cast %get3A_535 : vector<1x16xf32> to vector<16xf32>
        %add3A_537 = arith.addf %add3A_509, %get3A_536 : vector<16xf32>
        %add3A_538 = arith.constant 17 : i32
        %add3A_539 = arith.addi %mul3A_74, %add3A_538 : i32
        %get3A_540 = arith.index_cast %add3A_539 : i32 to index
        %get3A_541 = arith.constant 0 : index
        %get3A_542 = tpu.vector_load %arg7[%get3A_540, %get3A_541] {strides = array<i32>} : memref<400x64xf32, #tpu.memory_space<vmem>>, vector<1x16xf32>,
        %get3A_543 = vector.shape_cast %get3A_542 : vector<1x16xf32> to vector<16xf32>
        %add3A_544 = arith.addf %add3A_516, %get3A_543 : vector<16xf32>
        %add3A_545 = arith.constant 17 : i32
        %add3A_546 = arith.addi %mul3A_74, %add3A_545 : i32
        %get3A_547 = arith.index_cast %add3A_546 : i32 to index
        %get3A_548 = arith.constant 16 : index
        %get3A_549 = tpu.vector_load %arg7[%get3A_547, %get3A_548] {strides = array<i32>} : memref<400x64xf32, #tpu.memory_space<vmem>>, vector<1x16xf32>,
        %get3A_550 = vector.shape_cast %get3A_549 : vector<1x16xf32> to vector<16xf32>
        %add3A_551 = arith.addf %add3A_523, %get3A_550 : vector<16xf32>
        %add3A_552 = arith.constant 17 : i32
        %add3A_553 = arith.addi %mul3A_74, %add3A_552 : i32
        %get3A_554 = arith.index_cast %add3A_553 : i32 to index
        %get3A_555 = arith.constant 32 : index
        %get3A_556 = tpu.vector_load %arg7[%get3A_554, %get3A_555] {strides = array<i32>} : memref<400x64xf32, #tpu.memory_space<vmem>>, vector<1x16xf32>,
        %get3A_557 = vector.shape_cast %get3A_556 : vector<1x16xf32> to vector<16xf32>
        %add3A_558 = arith.addf %add3A_530, %get3A_557 : vector<16xf32>
        %add3A_559 = arith.constant 17 : i32
        %add3A_560 = arith.addi %mul3A_74, %add3A_559 : i32
        %get3A_561 = arith.index_cast %add3A_560 : i32 to index
        %get3A_562 = arith.constant 48 : index
        %get3A_563 = tpu.vector_load %arg7[%get3A_561, %get3A_562] {strides = array<i32>} : memref<400x64xf32, #tpu.memory_space<vmem>>, vector<1x16xf32>,
        %get3A_564 = vector.shape_cast %get3A_563 : vector<1x16xf32> to vector<16xf32>
        %add3A_565 = arith.addf %add3A_537, %get3A_564 : vector<16xf32>
        %add3A_566 = arith.constant 18 : i32
        %add3A_567 = arith.addi %mul3A_74, %add3A_566 : i32
        %get3A_568 = arith.index_cast %add3A_567 : i32 to index
        %get3A_569 = arith.constant 0 : index
        %get3A_570 = tpu.vector_load %arg7[%get3A_568, %get3A_569] {strides = array<i32>} : memref<400x64xf32, #tpu.memory_space<vmem>>, vector<1x16xf32>,
        %get3A_571 = vector.shape_cast %get3A_570 : vector<1x16xf32> to vector<16xf32>
        %add3A_572 = arith.addf %add3A_544, %get3A_571 : vector<16xf32>
        %add3A_573 = arith.constant 18 : i32
        %add3A_574 = arith.addi %mul3A_74, %add3A_573 : i32
        %get3A_575 = arith.index_cast %add3A_574 : i32 to index
        %get3A_576 = arith.constant 16 : index
        %get3A_577 = tpu.vector_load %arg7[%get3A_575, %get3A_576] {strides = array<i32>} : memref<400x64xf32, #tpu.memory_space<vmem>>, vector<1x16xf32>,
        %get3A_578 = vector.shape_cast %get3A_577 : vector<1x16xf32> to vector<16xf32>
        %add3A_579 = arith.addf %add3A_551, %get3A_578 : vector<16xf32>
        %add3A_580 = arith.constant 18 : i32
        %add3A_581 = arith.addi %mul3A_74, %add3A_580 : i32
        %get3A_582 = arith.index_cast %add3A_581 : i32 to index
        %get3A_583 = arith.constant 32 : index
        %get3A_584 = tpu.vector_load %arg7[%get3A_582, %get3A_583] {strides = array<i32>} : memref<400x64xf32, #tpu.memory_space<vmem>>, vector<1x16xf32>,
        %get3A_585 = vector.shape_cast %get3A_584 : vector<1x16xf32> to vector<16xf32>
        %add3A_586 = arith.addf %add3A_558, %get3A_585 : vector<16xf32>
        %add3A_587 = arith.constant 18 : i32
        %add3A_588 = arith.addi %mul3A_74, %add3A_587 : i32
        %get3A_589 = arith.index_cast %add3A_588 : i32 to index
        %get3A_590 = arith.constant 48 : index
        %get3A_591 = tpu.vector_load %arg7[%get3A_589, %get3A_590] {strides = array<i32>} : memref<400x64xf32, #tpu.memory_space<vmem>>, vector<1x16xf32>,
        %get3A_592 = vector.shape_cast %get3A_591 : vector<1x16xf32> to vector<16xf32>
        %add3A_593 = arith.addf %add3A_565, %get3A_592 : vector<16xf32>
        %add3A_594 = arith.constant 19 : i32
        %add3A_595 = arith.addi %mul3A_74, %add3A_594 : i32
        %get3A_596 = arith.index_cast %add3A_595 : i32 to index
        %get3A_597 = arith.constant 0 : index
        %get3A_598 = tpu.vector_load %arg7[%get3A_596, %get3A_597] {strides = array<i32>} : memref<400x64xf32, #tpu.memory_space<vmem>>, vector<1x16xf32>,
        %get3A_599 = vector.shape_cast %get3A_598 : vector<1x16xf32> to vector<16xf32>
        %add3A_600 = arith.addf %add3A_572, %get3A_599 : vector<16xf32>
        %add3A_601 = arith.constant 19 : i32
        %add3A_602 = arith.addi %mul3A_74, %add3A_601 : i32
        %get3A_603 = arith.index_cast %add3A_602 : i32 to index
        %get3A_604 = arith.constant 16 : index
        %get3A_605 = tpu.vector_load %arg7[%get3A_603, %get3A_604] {strides = array<i32>} : memref<400x64xf32, #tpu.memory_space<vmem>>, vector<1x16xf32>,
        %get3A_606 = vector.shape_cast %get3A_605 : vector<1x16xf32> to vector<16xf32>
        %add3A_607 = arith.addf %add3A_579, %get3A_606 : vector<16xf32>
        %add3A_608 = arith.constant 19 : i32
        %add3A_609 = arith.addi %mul3A_74, %add3A_608 : i32
        %get3A_610 = arith.index_cast %add3A_609 : i32 to index
        %get3A_611 = arith.constant 32 : index
        %get3A_612 = tpu.vector_load %arg7[%get3A_610, %get3A_611] {strides = array<i32>} : memref<400x64xf32, #tpu.memory_space<vmem>>, vector<1x16xf32>,
        %get3A_613 = vector.shape_cast %get3A_612 : vector<1x16xf32> to vector<16xf32>
        %add3A_614 = arith.addf %add3A_586, %get3A_613 : vector<16xf32>
        %add3A_615 = arith.constant 19 : i32
        %add3A_616 = arith.addi %mul3A_74, %add3A_615 : i32
        %get3A_617 = arith.index_cast %add3A_616 : i32 to index
        %get3A_618 = arith.constant 48 : index
        %get3A_619 = tpu.vector_load %arg7[%get3A_617, %get3A_618] {strides = array<i32>} : memref<400x64xf32, #tpu.memory_space<vmem>>, vector<1x16xf32>,
        %get3A_620 = vector.shape_cast %get3A_619 : vector<1x16xf32> to vector<16xf32>
        %add3A_621 = arith.addf %add3A_593, %get3A_620 : vector<16xf32>
        %add3A_622 = arith.constant 20 : i32
        %add3A_623 = arith.addi %mul3A_74, %add3A_622 : i32
        %get3A_624 = arith.index_cast %add3A_623 : i32 to index
        %get3A_625 = arith.constant 0 : index
        %get3A_626 = tpu.vector_load %arg7[%get3A_624, %get3A_625] {strides = array<i32>} : memref<400x64xf32, #tpu.memory_space<vmem>>, vector<1x16xf32>,
        %get3A_627 = vector.shape_cast %get3A_626 : vector<1x16xf32> to vector<16xf32>
        %add3A_628 = arith.addf %add3A_600, %get3A_627 : vector<16xf32>
        %add3A_629 = arith.constant 20 : i32
        %add3A_630 = arith.addi %mul3A_74, %add3A_629 : i32
        %get3A_631 = arith.index_cast %add3A_630 : i32 to index
        %get3A_632 = arith.constant 16 : index
        %get3A_633 = tpu.vector_load %arg7[%get3A_631, %get3A_632] {strides = array<i32>} : memref<400x64xf32, #tpu.memory_space<vmem>>, vector<1x16xf32>,
        %get3A_634 = vector.shape_cast %get3A_633 : vector<1x16xf32> to vector<16xf32>
        %add3A_635 = arith.addf %add3A_607, %get3A_634 : vector<16xf32>
        %add3A_636 = arith.constant 20 : i32
        %add3A_637 = arith.addi %mul3A_74, %add3A_636 : i32
        %get3A_638 = arith.index_cast %add3A_637 : i32 to index
        %get3A_639 = arith.constant 32 : index
        %get3A_640 = tpu.vector_load %arg7[%get3A_638, %get3A_639] {strides = array<i32>} : memref<400x64xf32, #tpu.memory_space<vmem>>, vector<1x16xf32>,
        %get3A_641 = vector.shape_cast %get3A_640 : vector<1x16xf32> to vector<16xf32>
        %add3A_642 = arith.addf %add3A_614, %get3A_641 : vector<16xf32>
        %add3A_643 = arith.constant 20 : i32
        %add3A_644 = arith.addi %mul3A_74, %add3A_643 : i32
        %get3A_645 = arith.index_cast %add3A_644 : i32 to index
        %get3A_646 = arith.constant 48 : index
        %get3A_647 = tpu.vector_load %arg7[%get3A_645, %get3A_646] {strides = array<i32>} : memref<400x64xf32, #tpu.memory_space<vmem>>, vector<1x16xf32>,
        %get3A_648 = vector.shape_cast %get3A_647 : vector<1x16xf32> to vector<16xf32>
        %add3A_649 = arith.addf %add3A_621, %get3A_648 : vector<16xf32>
        %add3A_650 = arith.constant 21 : i32
        %add3A_651 = arith.addi %mul3A_74, %add3A_650 : i32
        %get3A_652 = arith.index_cast %add3A_651 : i32 to index
        %get3A_653 = arith.constant 0 : index
        %get3A_654 = tpu.vector_load %arg7[%get3A_652, %get3A_653] {strides = array<i32>} : memref<400x64xf32, #tpu.memory_space<vmem>>, vector<1x16xf32>,
        %get3A_655 = vector.shape_cast %get3A_654 : vector<1x16xf32> to vector<16xf32>
        %add3A_656 = arith.addf %add3A_628, %get3A_655 : vector<16xf32>
        %add3A_657 = arith.constant 21 : i32
        %add3A_658 = arith.addi %mul3A_74, %add3A_657 : i32
        %get3A_659 = arith.index_cast %add3A_658 : i32 to index
        %get3A_660 = arith.constant 16 : index
        %get3A_661 = tpu.vector_load %arg7[%get3A_659, %get3A_660] {strides = array<i32>} : memref<400x64xf32, #tpu.memory_space<vmem>>, vector<1x16xf32>,
        %get3A_662 = vector.shape_cast %get3A_661 : vector<1x16xf32> to vector<16xf32>
        %add3A_663 = arith.addf %add3A_635, %get3A_662 : vector<16xf32>
        %add3A_664 = arith.constant 21 : i32
        %add3A_665 = arith.addi %mul3A_74, %add3A_664 : i32
        %get3A_666 = arith.index_cast %add3A_665 : i32 to index
        %get3A_667 = arith.constant 32 : index
        %get3A_668 = tpu.vector_load %arg7[%get3A_666, %get3A_667] {strides = array<i32>} : memref<400x64xf32, #tpu.memory_space<vmem>>, vector<1x16xf32>,
        %get3A_669 = vector.shape_cast %get3A_668 : vector<1x16xf32> to vector<16xf32>
        %add3A_670 = arith.addf %add3A_642, %get3A_669 : vector<16xf32>
        %add3A_671 = arith.constant 21 : i32
        %add3A_672 = arith.addi %mul3A_74, %add3A_671 : i32
        %get3A_673 = arith.index_cast %add3A_672 : i32 to index
        %get3A_674 = arith.constant 48 : index
        %get3A_675 = tpu.vector_load %arg7[%get3A_673, %get3A_674] {strides = array<i32>} : memref<400x64xf32, #tpu.memory_space<vmem>>, vector<1x16xf32>,
        %get3A_676 = vector.shape_cast %get3A_675 : vector<1x16xf32> to vector<16xf32>
        %add3A_677 = arith.addf %add3A_649, %get3A_676 : vector<16xf32>
        %add3A_678 = arith.constant 22 : i32
        %add3A_679 = arith.addi %mul3A_74, %add3A_678 : i32
        %get3A_680 = arith.index_cast %add3A_679 : i32 to index
        %get3A_681 = arith.constant 0 : index
        %get3A_682 = tpu.vector_load %arg7[%get3A_680, %get3A_681] {strides = array<i32>} : memref<400x64xf32, #tpu.memory_space<vmem>>, vector<1x16xf32>,
        %get3A_683 = vector.shape_cast %get3A_682 : vector<1x16xf32> to vector<16xf32>
        %add3A_684 = arith.addf %add3A_656, %get3A_683 : vector<16xf32>
        %add3A_685 = arith.constant 22 : i32
        %add3A_686 = arith.addi %mul3A_74, %add3A_685 : i32
        %get3A_687 = arith.index_cast %add3A_686 : i32 to index
        %get3A_688 = arith.constant 16 : index
        %get3A_689 = tpu.vector_load %arg7[%get3A_687, %get3A_688] {strides = array<i32>} : memref<400x64xf32, #tpu.memory_space<vmem>>, vector<1x16xf32>,
        %get3A_690 = vector.shape_cast %get3A_689 : vector<1x16xf32> to vector<16xf32>
        %add3A_691 = arith.addf %add3A_663, %get3A_690 : vector<16xf32>
        %add3A_692 = arith.constant 22 : i32
        %add3A_693 = arith.addi %mul3A_74, %add3A_692 : i32
        %get3A_694 = arith.index_cast %add3A_693 : i32 to index
        %get3A_695 = arith.constant 32 : index
        %get3A_696 = tpu.vector_load %arg7[%get3A_694, %get3A_695] {strides = array<i32>} : memref<400x64xf32, #tpu.memory_space<vmem>>, vector<1x16xf32>,
        %get3A_697 = vector.shape_cast %get3A_696 : vector<1x16xf32> to vector<16xf32>
        %add3A_698 = arith.addf %add3A_670, %get3A_697 : vector<16xf32>
        %add3A_699 = arith.constant 22 : i32
        %add3A_700 = arith.addi %mul3A_74, %add3A_699 : i32
        %get3A_701 = arith.index_cast %add3A_700 : i32 to index
        %get3A_702 = arith.constant 48 : index
        %get3A_703 = tpu.vector_load %arg7[%get3A_701, %get3A_702] {strides = array<i32>} : memref<400x64xf32, #tpu.memory_space<vmem>>, vector<1x16xf32>,
        %get3A_704 = vector.shape_cast %get3A_703 : vector<1x16xf32> to vector<16xf32>
        %add3A_705 = arith.addf %add3A_677, %get3A_704 : vector<16xf32>
        %add3A_706 = arith.constant 23 : i32
        %add3A_707 = arith.addi %mul3A_74, %add3A_706 : i32
        %get3A_708 = arith.index_cast %add3A_707 : i32 to index
        %get3A_709 = arith.constant 0 : index
        %get3A_710 = tpu.vector_load %arg7[%get3A_708, %get3A_709] {strides = array<i32>} : memref<400x64xf32, #tpu.memory_space<vmem>>, vector<1x16xf32>,
        %get3A_711 = vector.shape_cast %get3A_710 : vector<1x16xf32> to vector<16xf32>
        %add3A_712 = arith.addf %add3A_684, %get3A_711 : vector<16xf32>
        %add3A_713 = arith.constant 23 : i32
        %add3A_714 = arith.addi %mul3A_74, %add3A_713 : i32
        %get3A_715 = arith.index_cast %add3A_714 : i32 to index
        %get3A_716 = arith.constant 16 : index
        %get3A_717 = tpu.vector_load %arg7[%get3A_715, %get3A_716] {strides = array<i32>} : memref<400x64xf32, #tpu.memory_space<vmem>>, vector<1x16xf32>,
        %get3A_718 = vector.shape_cast %get3A_717 : vector<1x16xf32> to vector<16xf32>
        %add3A_719 = arith.addf %add3A_691, %get3A_718 : vector<16xf32>
        %add3A_720 = arith.constant 23 : i32
        %add3A_721 = arith.addi %mul3A_74, %add3A_720 : i32
        %get3A_722 = arith.index_cast %add3A_721 : i32 to index
        %get3A_723 = arith.constant 32 : index
        %get3A_724 = tpu.vector_load %arg7[%get3A_722, %get3A_723] {strides = array<i32>} : memref<400x64xf32, #tpu.memory_space<vmem>>, vector<1x16xf32>,
        %get3A_725 = vector.shape_cast %get3A_724 : vector<1x16xf32> to vector<16xf32>
        %add3A_726 = arith.addf %add3A_698, %get3A_725 : vector<16xf32>
        %add3A_727 = arith.constant 23 : i32
        %add3A_728 = arith.addi %mul3A_74, %add3A_727 : i32
        %get3A_729 = arith.index_cast %add3A_728 : i32 to index
        %get3A_730 = arith.constant 48 : index
        %get3A_731 = tpu.vector_load %arg7[%get3A_729, %get3A_730] {strides = array<i32>} : memref<400x64xf32, #tpu.memory_space<vmem>>, vector<1x16xf32>,
        %get3A_732 = vector.shape_cast %get3A_731 : vector<1x16xf32> to vector<16xf32>
        %add3A_733 = arith.addf %add3A_705, %get3A_732 : vector<16xf32>
        %add3A_734 = arith.constant 24 : i32
        %add3A_735 = arith.addi %mul3A_74, %add3A_734 : i32
        %get3A_736 = arith.index_cast %add3A_735 : i32 to index
        %get3A_737 = arith.constant 0 : index
        %get3A_738 = tpu.vector_load %arg7[%get3A_736, %get3A_737] {strides = array<i32>} : memref<400x64xf32, #tpu.memory_space<vmem>>, vector<1x16xf32>,
        %get3A_739 = vector.shape_cast %get3A_738 : vector<1x16xf32> to vector<16xf32>
        %add3A_740 = arith.addf %add3A_712, %get3A_739 : vector<16xf32>
        %add3A_741 = arith.constant 24 : i32
        %add3A_742 = arith.addi %mul3A_74, %add3A_741 : i32
        %get3A_743 = arith.index_cast %add3A_742 : i32 to index
        %get3A_744 = arith.constant 16 : index
        %get3A_745 = tpu.vector_load %arg7[%get3A_743, %get3A_744] {strides = array<i32>} : memref<400x64xf32, #tpu.memory_space<vmem>>, vector<1x16xf32>,
        %get3A_746 = vector.shape_cast %get3A_745 : vector<1x16xf32> to vector<16xf32>
        %add3A_747 = arith.addf %add3A_719, %get3A_746 : vector<16xf32>
        %add3A_748 = arith.constant 24 : i32
        %add3A_749 = arith.addi %mul3A_74, %add3A_748 : i32
        %get3A_750 = arith.index_cast %add3A_749 : i32 to index
        %get3A_751 = arith.constant 32 : index
        %get3A_752 = tpu.vector_load %arg7[%get3A_750, %get3A_751] {strides = array<i32>} : memref<400x64xf32, #tpu.memory_space<vmem>>, vector<1x16xf32>,
        %get3A_753 = vector.shape_cast %get3A_752 : vector<1x16xf32> to vector<16xf32>
        %add3A_754 = arith.addf %add3A_726, %get3A_753 : vector<16xf32>
        %add3A_755 = arith.constant 24 : i32
        %add3A_756 = arith.addi %mul3A_74, %add3A_755 : i32
        %get3A_757 = arith.index_cast %add3A_756 : i32 to index
        %get3A_758 = arith.constant 48 : index
        %get3A_759 = tpu.vector_load %arg7[%get3A_757, %get3A_758] {strides = array<i32>} : memref<400x64xf32, #tpu.memory_space<vmem>>, vector<1x16xf32>,
        %get3A_760 = vector.shape_cast %get3A_759 : vector<1x16xf32> to vector<16xf32>
        %add3A_761 = arith.addf %add3A_733, %get3A_760 : vector<16xf32>
        %add3A_762 = arith.constant 25 : i32
        %add3A_763 = arith.addi %mul3A_74, %add3A_762 : i32
        %get3A_764 = arith.index_cast %add3A_763 : i32 to index
        %get3A_765 = arith.constant 0 : index
        %get3A_766 = tpu.vector_load %arg7[%get3A_764, %get3A_765] {strides = array<i32>} : memref<400x64xf32, #tpu.memory_space<vmem>>, vector<1x16xf32>,
        %get3A_767 = vector.shape_cast %get3A_766 : vector<1x16xf32> to vector<16xf32>
        %add3A_768 = arith.addf %add3A_740, %get3A_767 : vector<16xf32>
        %add3A_769 = arith.constant 25 : i32
        %add3A_770 = arith.addi %mul3A_74, %add3A_769 : i32
        %get3A_771 = arith.index_cast %add3A_770 : i32 to index
        %get3A_772 = arith.constant 16 : index
        %get3A_773 = tpu.vector_load %arg7[%get3A_771, %get3A_772] {strides = array<i32>} : memref<400x64xf32, #tpu.memory_space<vmem>>, vector<1x16xf32>,
        %get3A_774 = vector.shape_cast %get3A_773 : vector<1x16xf32> to vector<16xf32>
        %add3A_775 = arith.addf %add3A_747, %get3A_774 : vector<16xf32>
        %add3A_776 = arith.constant 25 : i32
        %add3A_777 = arith.addi %mul3A_74, %add3A_776 : i32
        %get3A_778 = arith.index_cast %add3A_777 : i32 to index
        %get3A_779 = arith.constant 32 : index
        %get3A_780 = tpu.vector_load %arg7[%get3A_778, %get3A_779] {strides = array<i32>} : memref<400x64xf32, #tpu.memory_space<vmem>>, vector<1x16xf32>,
        %get3A_781 = vector.shape_cast %get3A_780 : vector<1x16xf32> to vector<16xf32>
        %add3A_782 = arith.addf %add3A_754, %get3A_781 : vector<16xf32>
        %add3A_783 = arith.constant 25 : i32
        %add3A_784 = arith.addi %mul3A_74, %add3A_783 : i32
        %get3A_785 = arith.index_cast %add3A_784 : i32 to index
        %get3A_786 = arith.constant 48 : index
        %get3A_787 = tpu.vector_load %arg7[%get3A_785, %get3A_786] {strides = array<i32>} : memref<400x64xf32, #tpu.memory_space<vmem>>, vector<1x16xf32>,
        %get3A_788 = vector.shape_cast %get3A_787 : vector<1x16xf32> to vector<16xf32>
        %add3A_789 = arith.addf %add3A_761, %get3A_788 : vector<16xf32>
        %add3A_790 = arith.constant 26 : i32
        %add3A_791 = arith.addi %mul3A_74, %add3A_790 : i32
        %get3A_792 = arith.index_cast %add3A_791 : i32 to index
        %get3A_793 = arith.constant 0 : index
        %get3A_794 = tpu.vector_load %arg7[%get3A_792, %get3A_793] {strides = array<i32>} : memref<400x64xf32, #tpu.memory_space<vmem>>, vector<1x16xf32>,
        %get3A_795 = vector.shape_cast %get3A_794 : vector<1x16xf32> to vector<16xf32>
        %add3A_796 = arith.addf %add3A_768, %get3A_795 : vector<16xf32>
        %add3A_797 = arith.constant 26 : i32
        %add3A_798 = arith.addi %mul3A_74, %add3A_797 : i32
        %get3A_799 = arith.index_cast %add3A_798 : i32 to index
        %get3A_800 = arith.constant 16 : index
        %get3A_801 = tpu.vector_load %arg7[%get3A_799, %get3A_800] {strides = array<i32>} : memref<400x64xf32, #tpu.memory_space<vmem>>, vector<1x16xf32>,
        %get3A_802 = vector.shape_cast %get3A_801 : vector<1x16xf32> to vector<16xf32>
        %add3A_803 = arith.addf %add3A_775, %get3A_802 : vector<16xf32>
        %add3A_804 = arith.constant 26 : i32
        %add3A_805 = arith.addi %mul3A_74, %add3A_804 : i32
        %get3A_806 = arith.index_cast %add3A_805 : i32 to index
        %get3A_807 = arith.constant 32 : index
        %get3A_808 = tpu.vector_load %arg7[%get3A_806, %get3A_807] {strides = array<i32>} : memref<400x64xf32, #tpu.memory_space<vmem>>, vector<1x16xf32>,
        %get3A_809 = vector.shape_cast %get3A_808 : vector<1x16xf32> to vector<16xf32>
        %add3A_810 = arith.addf %add3A_782, %get3A_809 : vector<16xf32>
        %add3A_811 = arith.constant 26 : i32
        %add3A_812 = arith.addi %mul3A_74, %add3A_811 : i32
        %get3A_813 = arith.index_cast %add3A_812 : i32 to index
        %get3A_814 = arith.constant 48 : index
        %get3A_815 = tpu.vector_load %arg7[%get3A_813, %get3A_814] {strides = array<i32>} : memref<400x64xf32, #tpu.memory_space<vmem>>, vector<1x16xf32>,
        %get3A_816 = vector.shape_cast %get3A_815 : vector<1x16xf32> to vector<16xf32>
        %add3A_817 = arith.addf %add3A_789, %get3A_816 : vector<16xf32>
        %add3A_818 = arith.constant 27 : i32
        %add3A_819 = arith.addi %mul3A_74, %add3A_818 : i32
        %get3A_820 = arith.index_cast %add3A_819 : i32 to index
        %get3A_821 = arith.constant 0 : index
        %get3A_822 = tpu.vector_load %arg7[%get3A_820, %get3A_821] {strides = array<i32>} : memref<400x64xf32, #tpu.memory_space<vmem>>, vector<1x16xf32>,
        %get3A_823 = vector.shape_cast %get3A_822 : vector<1x16xf32> to vector<16xf32>
        %add3A_824 = arith.addf %add3A_796, %get3A_823 : vector<16xf32>
        %add3A_825 = arith.constant 27 : i32
        %add3A_826 = arith.addi %mul3A_74, %add3A_825 : i32
        %get3A_827 = arith.index_cast %add3A_826 : i32 to index
        %get3A_828 = arith.constant 16 : index
        %get3A_829 = tpu.vector_load %arg7[%get3A_827, %get3A_828] {strides = array<i32>} : memref<400x64xf32, #tpu.memory_space<vmem>>, vector<1x16xf32>,
        %get3A_830 = vector.shape_cast %get3A_829 : vector<1x16xf32> to vector<16xf32>
        %add3A_831 = arith.addf %add3A_803, %get3A_830 : vector<16xf32>
        %add3A_832 = arith.constant 27 : i32
        %add3A_833 = arith.addi %mul3A_74, %add3A_832 : i32
        %get3A_834 = arith.index_cast %add3A_833 : i32 to index
        %get3A_835 = arith.constant 32 : index
        %get3A_836 = tpu.vector_load %arg7[%get3A_834, %get3A_835] {strides = array<i32>} : memref<400x64xf32, #tpu.memory_space<vmem>>, vector<1x16xf32>,
        %get3A_837 = vector.shape_cast %get3A_836 : vector<1x16xf32> to vector<16xf32>
        %add3A_838 = arith.addf %add3A_810, %get3A_837 : vector<16xf32>
        %add3A_839 = arith.constant 27 : i32
        %add3A_840 = arith.addi %mul3A_74, %add3A_839 : i32
        %get3A_841 = arith.index_cast %add3A_840 : i32 to index
        %get3A_842 = arith.constant 48 : index
        %get3A_843 = tpu.vector_load %arg7[%get3A_841, %get3A_842] {strides = array<i32>} : memref<400x64xf32, #tpu.memory_space<vmem>>, vector<1x16xf32>,
        %get3A_844 = vector.shape_cast %get3A_843 : vector<1x16xf32> to vector<16xf32>
        %add3A_845 = arith.addf %add3A_817, %get3A_844 : vector<16xf32>
        %add3A_846 = arith.constant 28 : i32
        %add3A_847 = arith.addi %mul3A_74, %add3A_846 : i32
        %get3A_848 = arith.index_cast %add3A_847 : i32 to index
        %get3A_849 = arith.constant 0 : index
        %get3A_850 = tpu.vector_load %arg7[%get3A_848, %get3A_849] {strides = array<i32>} : memref<400x64xf32, #tpu.memory_space<vmem>>, vector<1x16xf32>,
        %get3A_851 = vector.shape_cast %get3A_850 : vector<1x16xf32> to vector<16xf32>
        %add3A_852 = arith.addf %add3A_824, %get3A_851 : vector<16xf32>
        %add3A_853 = arith.constant 28 : i32
        %add3A_854 = arith.addi %mul3A_74, %add3A_853 : i32
        %get3A_855 = arith.index_cast %add3A_854 : i32 to index
        %get3A_856 = arith.constant 16 : index
        %get3A_857 = tpu.vector_load %arg7[%get3A_855, %get3A_856] {strides = array<i32>} : memref<400x64xf32, #tpu.memory_space<vmem>>, vector<1x16xf32>,
        %get3A_858 = vector.shape_cast %get3A_857 : vector<1x16xf32> to vector<16xf32>
        %add3A_859 = arith.addf %add3A_831, %get3A_858 : vector<16xf32>
        %add3A_860 = arith.constant 28 : i32
        %add3A_861 = arith.addi %mul3A_74, %add3A_860 : i32
        %get3A_862 = arith.index_cast %add3A_861 : i32 to index
        %get3A_863 = arith.constant 32 : index
        %get3A_864 = tpu.vector_load %arg7[%get3A_862, %get3A_863] {strides = array<i32>} : memref<400x64xf32, #tpu.memory_space<vmem>>, vector<1x16xf32>,
        %get3A_865 = vector.shape_cast %get3A_864 : vector<1x16xf32> to vector<16xf32>
        %add3A_866 = arith.addf %add3A_838, %get3A_865 : vector<16xf32>
        %add3A_867 = arith.constant 28 : i32
        %add3A_868 = arith.addi %mul3A_74, %add3A_867 : i32
        %get3A_869 = arith.index_cast %add3A_868 : i32 to index
        %get3A_870 = arith.constant 48 : index
        %get3A_871 = tpu.vector_load %arg7[%get3A_869, %get3A_870] {strides = array<i32>} : memref<400x64xf32, #tpu.memory_space<vmem>>, vector<1x16xf32>,
        %get3A_872 = vector.shape_cast %get3A_871 : vector<1x16xf32> to vector<16xf32>
        %add3A_873 = arith.addf %add3A_845, %get3A_872 : vector<16xf32>
        %add3A_874 = arith.constant 29 : i32
        %add3A_875 = arith.addi %mul3A_74, %add3A_874 : i32
        %get3A_876 = arith.index_cast %add3A_875 : i32 to index
        %get3A_877 = arith.constant 0 : index
        %get3A_878 = tpu.vector_load %arg7[%get3A_876, %get3A_877] {strides = array<i32>} : memref<400x64xf32, #tpu.memory_space<vmem>>, vector<1x16xf32>,
        %get3A_879 = vector.shape_cast %get3A_878 : vector<1x16xf32> to vector<16xf32>
        %add3A_880 = arith.addf %add3A_852, %get3A_879 : vector<16xf32>
        %add3A_881 = arith.constant 29 : i32
        %add3A_882 = arith.addi %mul3A_74, %add3A_881 : i32
        %get3A_883 = arith.index_cast %add3A_882 : i32 to index
        %get3A_884 = arith.constant 16 : index
        %get3A_885 = tpu.vector_load %arg7[%get3A_883, %get3A_884] {strides = array<i32>} : memref<400x64xf32, #tpu.memory_space<vmem>>, vector<1x16xf32>,
        %get3A_886 = vector.shape_cast %get3A_885 : vector<1x16xf32> to vector<16xf32>
        %add3A_887 = arith.addf %add3A_859, %get3A_886 : vector<16xf32>
        %add3A_888 = arith.constant 29 : i32
        %add3A_889 = arith.addi %mul3A_74, %add3A_888 : i32
        %get3A_890 = arith.index_cast %add3A_889 : i32 to index
        %get3A_891 = arith.constant 32 : index
        %get3A_892 = tpu.vector_load %arg7[%get3A_890, %get3A_891] {strides = array<i32>} : memref<400x64xf32, #tpu.memory_space<vmem>>, vector<1x16xf32>,
        %get3A_893 = vector.shape_cast %get3A_892 : vector<1x16xf32> to vector<16xf32>
        %add3A_894 = arith.addf %add3A_866, %get3A_893 : vector<16xf32>
        %add3A_895 = arith.constant 29 : i32
        %add3A_896 = arith.addi %mul3A_74, %add3A_895 : i32
        %get3A_897 = arith.index_cast %add3A_896 : i32 to index
        %get3A_898 = arith.constant 48 : index
        %get3A_899 = tpu.vector_load %arg7[%get3A_897, %get3A_898] {strides = array<i32>} : memref<400x64xf32, #tpu.memory_space<vmem>>, vector<1x16xf32>,
        %get3A_900 = vector.shape_cast %get3A_899 : vector<1x16xf32> to vector<16xf32>
        %add3A_901 = arith.addf %add3A_873, %get3A_900 : vector<16xf32>
        %add3A_902 = arith.constant 30 : i32
        %add3A_903 = arith.addi %mul3A_74, %add3A_902 : i32
        %get3A_904 = arith.index_cast %add3A_903 : i32 to index
        %get3A_905 = arith.constant 0 : index
        %get3A_906 = tpu.vector_load %arg7[%get3A_904, %get3A_905] {strides = array<i32>} : memref<400x64xf32, #tpu.memory_space<vmem>>, vector<1x16xf32>,
        %get3A_907 = vector.shape_cast %get3A_906 : vector<1x16xf32> to vector<16xf32>
        %add3A_908 = arith.addf %add3A_880, %get3A_907 : vector<16xf32>
        %add3A_909 = arith.constant 30 : i32
        %add3A_910 = arith.addi %mul3A_74, %add3A_909 : i32
        %get3A_911 = arith.index_cast %add3A_910 : i32 to index
        %get3A_912 = arith.constant 16 : index
        %get3A_913 = tpu.vector_load %arg7[%get3A_911, %get3A_912] {strides = array<i32>} : memref<400x64xf32, #tpu.memory_space<vmem>>, vector<1x16xf32>,
        %get3A_914 = vector.shape_cast %get3A_913 : vector<1x16xf32> to vector<16xf32>
        %add3A_915 = arith.addf %add3A_887, %get3A_914 : vector<16xf32>
        %add3A_916 = arith.constant 30 : i32
        %add3A_917 = arith.addi %mul3A_74, %add3A_916 : i32
        %get3A_918 = arith.index_cast %add3A_917 : i32 to index
        %get3A_919 = arith.constant 32 : index
        %get3A_920 = tpu.vector_load %arg7[%get3A_918, %get3A_919] {strides = array<i32>} : memref<400x64xf32, #tpu.memory_space<vmem>>, vector<1x16xf32>,
        %get3A_921 = vector.shape_cast %get3A_920 : vector<1x16xf32> to vector<16xf32>
        %add3A_922 = arith.addf %add3A_894, %get3A_921 : vector<16xf32>
        %add3A_923 = arith.constant 30 : i32
        %add3A_924 = arith.addi %mul3A_74, %add3A_923 : i32
        %get3A_925 = arith.index_cast %add3A_924 : i32 to index
        %get3A_926 = arith.constant 48 : index
        %get3A_927 = tpu.vector_load %arg7[%get3A_925, %get3A_926] {strides = array<i32>} : memref<400x64xf32, #tpu.memory_space<vmem>>, vector<1x16xf32>,
        %get3A_928 = vector.shape_cast %get3A_927 : vector<1x16xf32> to vector<16xf32>
        %add3A_929 = arith.addf %add3A_901, %get3A_928 : vector<16xf32>
        %add3A_930 = arith.constant 31 : i32
        %add3A_931 = arith.addi %mul3A_74, %add3A_930 : i32
        %get3A_932 = arith.index_cast %add3A_931 : i32 to index
        %get3A_933 = arith.constant 0 : index
        %get3A_934 = tpu.vector_load %arg7[%get3A_932, %get3A_933] {strides = array<i32>} : memref<400x64xf32, #tpu.memory_space<vmem>>, vector<1x16xf32>,
        %get3A_935 = vector.shape_cast %get3A_934 : vector<1x16xf32> to vector<16xf32>
        %add3A_936 = arith.addf %add3A_908, %get3A_935 : vector<16xf32>
        %add3A_937 = arith.constant 31 : i32
        %add3A_938 = arith.addi %mul3A_74, %add3A_937 : i32
        %get3A_939 = arith.index_cast %add3A_938 : i32 to index
        %get3A_940 = arith.constant 16 : index
        %get3A_941 = tpu.vector_load %arg7[%get3A_939, %get3A_940] {strides = array<i32>} : memref<400x64xf32, #tpu.memory_space<vmem>>, vector<1x16xf32>,
        %get3A_942 = vector.shape_cast %get3A_941 : vector<1x16xf32> to vector<16xf32>
        %add3A_943 = arith.addf %add3A_915, %get3A_942 : vector<16xf32>
        %add3A_944 = arith.constant 31 : i32
        %add3A_945 = arith.addi %mul3A_74, %add3A_944 : i32
        %get3A_946 = arith.index_cast %add3A_945 : i32 to index
        %get3A_947 = arith.constant 32 : index
        %get3A_948 = tpu.vector_load %arg7[%get3A_946, %get3A_947] {strides = array<i32>} : memref<400x64xf32, #tpu.memory_space<vmem>>, vector<1x16xf32>,
        %get3A_949 = vector.shape_cast %get3A_948 : vector<1x16xf32> to vector<16xf32>
        %add3A_950 = arith.addf %add3A_922, %get3A_949 : vector<16xf32>
        %add3A_951 = arith.constant 31 : i32
        %add3A_952 = arith.addi %mul3A_74, %add3A_951 : i32
        %get3A_953 = arith.index_cast %add3A_952 : i32 to index
        %get3A_954 = arith.constant 48 : index
        %get3A_955 = tpu.vector_load %arg7[%get3A_953, %get3A_954] {strides = array<i32>} : memref<400x64xf32, #tpu.memory_space<vmem>>, vector<1x16xf32>,
        %get3A_956 = vector.shape_cast %get3A_955 : vector<1x16xf32> to vector<16xf32>
        %add3A_957 = arith.addf %add3A_929, %get3A_956 : vector<16xf32>
        %add3A_958 = arith.constant 32 : i32
        %add3A_959 = arith.addi %mul3A_74, %add3A_958 : i32
        %get3A_960 = arith.index_cast %add3A_959 : i32 to index
        %get3A_961 = arith.constant 0 : index
        %get3A_962 = tpu.vector_load %arg7[%get3A_960, %get3A_961] {strides = array<i32>} : memref<400x64xf32, #tpu.memory_space<vmem>>, vector<1x16xf32>,
        %get3A_963 = vector.shape_cast %get3A_962 : vector<1x16xf32> to vector<16xf32>
        %add3A_964 = arith.addf %add3A_936, %get3A_963 : vector<16xf32>
        %add3A_965 = arith.constant 32 : i32
        %add3A_966 = arith.addi %mul3A_74, %add3A_965 : i32
        %get3A_967 = arith.index_cast %add3A_966 : i32 to index
        %get3A_968 = arith.constant 16 : index
        %get3A_969 = tpu.vector_load %arg7[%get3A_967, %get3A_968] {strides = array<i32>} : memref<400x64xf32, #tpu.memory_space<vmem>>, vector<1x16xf32>,
        %get3A_970 = vector.shape_cast %get3A_969 : vector<1x16xf32> to vector<16xf32>
        %add3A_971 = arith.addf %add3A_943, %get3A_970 : vector<16xf32>
        %add3A_972 = arith.constant 32 : i32
        %add3A_973 = arith.addi %mul3A_74, %add3A_972 : i32
        %get3A_974 = arith.index_cast %add3A_973 : i32 to index
        %get3A_975 = arith.constant 32 : index
        %get3A_976 = tpu.vector_load %arg7[%get3A_974, %get3A_975] {strides = array<i32>} : memref<400x64xf32, #tpu.memory_space<vmem>>, vector<1x16xf32>,
        %get3A_977 = vector.shape_cast %get3A_976 : vector<1x16xf32> to vector<16xf32>
        %add3A_978 = arith.addf %add3A_950, %get3A_977 : vector<16xf32>
        %add3A_979 = arith.constant 32 : i32
        %add3A_980 = arith.addi %mul3A_74, %add3A_979 : i32
        %get3A_981 = arith.index_cast %add3A_980 : i32 to index
        %get3A_982 = arith.constant 48 : index
        %get3A_983 = tpu.vector_load %arg7[%get3A_981, %get3A_982] {strides = array<i32>} : memref<400x64xf32, #tpu.memory_space<vmem>>, vector<1x16xf32>,
        %get3A_984 = vector.shape_cast %get3A_983 : vector<1x16xf32> to vector<16xf32>
        %add3A_985 = arith.addf %add3A_957, %get3A_984 : vector<16xf32>
        %add3A_986 = arith.constant 33 : i32
        %add3A_987 = arith.addi %mul3A_74, %add3A_986 : i32
        %get3A_988 = arith.index_cast %add3A_987 : i32 to index
        %get3A_989 = arith.constant 0 : index
        %get3A_990 = tpu.vector_load %arg7[%get3A_988, %get3A_989] {strides = array<i32>} : memref<400x64xf32, #tpu.memory_space<vmem>>, vector<1x16xf32>,
        %get3A_991 = vector.shape_cast %get3A_990 : vector<1x16xf32> to vector<16xf32>
        %add3A_992 = arith.addf %add3A_964, %get3A_991 : vector<16xf32>
        %add3A_993 = arith.constant 33 : i32
        %add3A_994 = arith.addi %mul3A_74, %add3A_993 : i32
        %get3A_995 = arith.index_cast %add3A_994 : i32 to index
        %get3A_996 = arith.constant 16 : index
        %get3A_997 = tpu.vector_load %arg7[%get3A_995, %get3A_996] {strides = array<i32>} : memref<400x64xf32, #tpu.memory_space<vmem>>, vector<1x16xf32>,
        %get3A_998 = vector.shape_cast %get3A_997 : vector<1x16xf32> to vector<16xf32>
        %add3A_999 = arith.addf %add3A_971, %get3A_998 : vector<16xf32>
        %add3A_1000 = arith.constant 33 : i32
        %add3A_1001 = arith.addi %mul3A_74, %add3A_1000 : i32
        %get3A_1002 = arith.index_cast %add3A_1001 : i32 to index
        %get3A_1003 = arith.constant 32 : index
        %get3A_1004 = tpu.vector_load %arg7[%get3A_1002, %get3A_1003] {strides = array<i32>} : memref<400x64xf32, #tpu.memory_space<vmem>>, vector<1x16xf32>,
        %get3A_1005 = vector.shape_cast %get3A_1004 : vector<1x16xf32> to vector<16xf32>
        %add3A_1006 = arith.addf %add3A_978, %get3A_1005 : vector<16xf32>
        %add3A_1007 = arith.constant 33 : i32
        %add3A_1008 = arith.addi %mul3A_74, %add3A_1007 : i32
        %get3A_1009 = arith.index_cast %add3A_1008 : i32 to index
        %get3A_1010 = arith.constant 48 : index
        %get3A_1011 = tpu.vector_load %arg7[%get3A_1009, %get3A_1010] {strides = array<i32>} : memref<400x64xf32, #tpu.memory_space<vmem>>, vector<1x16xf32>,
        %get3A_1012 = vector.shape_cast %get3A_1011 : vector<1x16xf32> to vector<16xf32>
        %add3A_1013 = arith.addf %add3A_985, %get3A_1012 : vector<16xf32>
        %add3A_1014 = arith.constant 34 : i32
        %add3A_1015 = arith.addi %mul3A_74, %add3A_1014 : i32
        %get3A_1016 = arith.index_cast %add3A_1015 : i32 to index
        %get3A_1017 = arith.constant 0 : index
        %get3A_1018 = tpu.vector_load %arg7[%get3A_1016, %get3A_1017] {strides = array<i32>} : memref<400x64xf32, #tpu.memory_space<vmem>>, vector<1x16xf32>,
        %get3A_1019 = vector.shape_cast %get3A_1018 : vector<1x16xf32> to vector<16xf32>
        %add3A_1020 = arith.addf %add3A_992, %get3A_1019 : vector<16xf32>
        %add3A_1021 = arith.constant 34 : i32
        %add3A_1022 = arith.addi %mul3A_74, %add3A_1021 : i32
        %get3A_1023 = arith.index_cast %add3A_1022 : i32 to index
        %get3A_1024 = arith.constant 16 : index
        %get3A_1025 = tpu.vector_load %arg7[%get3A_1023, %get3A_1024] {strides = array<i32>} : memref<400x64xf32, #tpu.memory_space<vmem>>, vector<1x16xf32>,
        %get3A_1026 = vector.shape_cast %get3A_1025 : vector<1x16xf32> to vector<16xf32>
        %add3A_1027 = arith.addf %add3A_999, %get3A_1026 : vector<16xf32>
        %add3A_1028 = arith.constant 34 : i32
        %add3A_1029 = arith.addi %mul3A_74, %add3A_1028 : i32
        %get3A_1030 = arith.index_cast %add3A_1029 : i32 to index
        %get3A_1031 = arith.constant 32 : index
        %get3A_1032 = tpu.vector_load %arg7[%get3A_1030, %get3A_1031] {strides = array<i32>} : memref<400x64xf32, #tpu.memory_space<vmem>>, vector<1x16xf32>,
        %get3A_1033 = vector.shape_cast %get3A_1032 : vector<1x16xf32> to vector<16xf32>
        %add3A_1034 = arith.addf %add3A_1006, %get3A_1033 : vector<16xf32>
        %add3A_1035 = arith.constant 34 : i32
        %add3A_1036 = arith.addi %mul3A_74, %add3A_1035 : i32
        %get3A_1037 = arith.index_cast %add3A_1036 : i32 to index
        %get3A_1038 = arith.constant 48 : index
        %get3A_1039 = tpu.vector_load %arg7[%get3A_1037, %get3A_1038] {strides = array<i32>} : memref<400x64xf32, #tpu.memory_space<vmem>>, vector<1x16xf32>,
        %get3A_1040 = vector.shape_cast %get3A_1039 : vector<1x16xf32> to vector<16xf32>
        %add3A_1041 = arith.addf %add3A_1013, %get3A_1040 : vector<16xf32>
        %add3A_1042 = arith.constant 35 : i32
        %add3A_1043 = arith.addi %mul3A_74, %add3A_1042 : i32
        %get3A_1044 = arith.index_cast %add3A_1043 : i32 to index
        %get3A_1045 = arith.constant 0 : index
        %get3A_1046 = tpu.vector_load %arg7[%get3A_1044, %get3A_1045] {strides = array<i32>} : memref<400x64xf32, #tpu.memory_space<vmem>>, vector<1x16xf32>,
        %get3A_1047 = vector.shape_cast %get3A_1046 : vector<1x16xf32> to vector<16xf32>
        %add3A_1048 = arith.addf %add3A_1020, %get3A_1047 : vector<16xf32>
        %add3A_1049 = arith.constant 35 : i32
        %add3A_1050 = arith.addi %mul3A_74, %add3A_1049 : i32
        %get3A_1051 = arith.index_cast %add3A_1050 : i32 to index
        %get3A_1052 = arith.constant 16 : index
        %get3A_1053 = tpu.vector_load %arg7[%get3A_1051, %get3A_1052] {strides = array<i32>} : memref<400x64xf32, #tpu.memory_space<vmem>>, vector<1x16xf32>,
        %get3A_1054 = vector.shape_cast %get3A_1053 : vector<1x16xf32> to vector<16xf32>
        %add3A_1055 = arith.addf %add3A_1027, %get3A_1054 : vector<16xf32>
        %add3A_1056 = arith.constant 35 : i32
        %add3A_1057 = arith.addi %mul3A_74, %add3A_1056 : i32
        %get3A_1058 = arith.index_cast %add3A_1057 : i32 to index
        %get3A_1059 = arith.constant 32 : index
        %get3A_1060 = tpu.vector_load %arg7[%get3A_1058, %get3A_1059] {strides = array<i32>} : memref<400x64xf32, #tpu.memory_space<vmem>>, vector<1x16xf32>,
        %get3A_1061 = vector.shape_cast %get3A_1060 : vector<1x16xf32> to vector<16xf32>
        %add3A_1062 = arith.addf %add3A_1034, %get3A_1061 : vector<16xf32>
        %add3A_1063 = arith.constant 35 : i32
        %add3A_1064 = arith.addi %mul3A_74, %add3A_1063 : i32
        %get3A_1065 = arith.index_cast %add3A_1064 : i32 to index
        %get3A_1066 = arith.constant 48 : index
        %get3A_1067 = tpu.vector_load %arg7[%get3A_1065, %get3A_1066] {strides = array<i32>} : memref<400x64xf32, #tpu.memory_space<vmem>>, vector<1x16xf32>,
        %get3A_1068 = vector.shape_cast %get3A_1067 : vector<1x16xf32> to vector<16xf32>
        %add3A_1069 = arith.addf %add3A_1041, %get3A_1068 : vector<16xf32>
        %add3A_1070 = arith.constant 36 : i32
        %add3A_1071 = arith.addi %mul3A_74, %add3A_1070 : i32
        %get3A_1072 = arith.index_cast %add3A_1071 : i32 to index
        %get3A_1073 = arith.constant 0 : index
        %get3A_1074 = tpu.vector_load %arg7[%get3A_1072, %get3A_1073] {strides = array<i32>} : memref<400x64xf32, #tpu.memory_space<vmem>>, vector<1x16xf32>,
        %get3A_1075 = vector.shape_cast %get3A_1074 : vector<1x16xf32> to vector<16xf32>
        %add3A_1076 = arith.addf %add3A_1048, %get3A_1075 : vector<16xf32>
        %add3A_1077 = arith.constant 36 : i32
        %add3A_1078 = arith.addi %mul3A_74, %add3A_1077 : i32
        %get3A_1079 = arith.index_cast %add3A_1078 : i32 to index
        %get3A_1080 = arith.constant 16 : index
        %get3A_1081 = tpu.vector_load %arg7[%get3A_1079, %get3A_1080] {strides = array<i32>} : memref<400x64xf32, #tpu.memory_space<vmem>>, vector<1x16xf32>,
        %get3A_1082 = vector.shape_cast %get3A_1081 : vector<1x16xf32> to vector<16xf32>
        %add3A_1083 = arith.addf %add3A_1055, %get3A_1082 : vector<16xf32>
        %add3A_1084 = arith.constant 36 : i32
        %add3A_1085 = arith.addi %mul3A_74, %add3A_1084 : i32
        %get3A_1086 = arith.index_cast %add3A_1085 : i32 to index
        %get3A_1087 = arith.constant 32 : index
        %get3A_1088 = tpu.vector_load %arg7[%get3A_1086, %get3A_1087] {strides = array<i32>} : memref<400x64xf32, #tpu.memory_space<vmem>>, vector<1x16xf32>,
        %get3A_1089 = vector.shape_cast %get3A_1088 : vector<1x16xf32> to vector<16xf32>
        %add3A_1090 = arith.addf %add3A_1062, %get3A_1089 : vector<16xf32>
        %add3A_1091 = arith.constant 36 : i32
        %add3A_1092 = arith.addi %mul3A_74, %add3A_1091 : i32
        %get3A_1093 = arith.index_cast %add3A_1092 : i32 to index
        %get3A_1094 = arith.constant 48 : index
        %get3A_1095 = tpu.vector_load %arg7[%get3A_1093, %get3A_1094] {strides = array<i32>} : memref<400x64xf32, #tpu.memory_space<vmem>>, vector<1x16xf32>,
        %get3A_1096 = vector.shape_cast %get3A_1095 : vector<1x16xf32> to vector<16xf32>
        %add3A_1097 = arith.addf %add3A_1069, %get3A_1096 : vector<16xf32>
        %add3A_1098 = arith.constant 37 : i32
        %add3A_1099 = arith.addi %mul3A_74, %add3A_1098 : i32
        %get3A_1100 = arith.index_cast %add3A_1099 : i32 to index
        %get3A_1101 = arith.constant 0 : index
        %get3A_1102 = tpu.vector_load %arg7[%get3A_1100, %get3A_1101] {strides = array<i32>} : memref<400x64xf32, #tpu.memory_space<vmem>>, vector<1x16xf32>,
        %get3A_1103 = vector.shape_cast %get3A_1102 : vector<1x16xf32> to vector<16xf32>
        %add3A_1104 = arith.addf %add3A_1076, %get3A_1103 : vector<16xf32>
        %add3A_1105 = arith.constant 37 : i32
        %add3A_1106 = arith.addi %mul3A_74, %add3A_1105 : i32
        %get3A_1107 = arith.index_cast %add3A_1106 : i32 to index
        %get3A_1108 = arith.constant 16 : index
        %get3A_1109 = tpu.vector_load %arg7[%get3A_1107, %get3A_1108] {strides = array<i32>} : memref<400x64xf32, #tpu.memory_space<vmem>>, vector<1x16xf32>,
        %get3A_1110 = vector.shape_cast %get3A_1109 : vector<1x16xf32> to vector<16xf32>
        %add3A_1111 = arith.addf %add3A_1083, %get3A_1110 : vector<16xf32>
        %add3A_1112 = arith.constant 37 : i32
        %add3A_1113 = arith.addi %mul3A_74, %add3A_1112 : i32
        %get3A_1114 = arith.index_cast %add3A_1113 : i32 to index
        %get3A_1115 = arith.constant 32 : index
        %get3A_1116 = tpu.vector_load %arg7[%get3A_1114, %get3A_1115] {strides = array<i32>} : memref<400x64xf32, #tpu.memory_space<vmem>>, vector<1x16xf32>,
        %get3A_1117 = vector.shape_cast %get3A_1116 : vector<1x16xf32> to vector<16xf32>
        %add3A_1118 = arith.addf %add3A_1090, %get3A_1117 : vector<16xf32>
        %add3A_1119 = arith.constant 37 : i32
        %add3A_1120 = arith.addi %mul3A_74, %add3A_1119 : i32
        %get3A_1121 = arith.index_cast %add3A_1120 : i32 to index
        %get3A_1122 = arith.constant 48 : index
        %get3A_1123 = tpu.vector_load %arg7[%get3A_1121, %get3A_1122] {strides = array<i32>} : memref<400x64xf32, #tpu.memory_space<vmem>>, vector<1x16xf32>,
        %get3A_1124 = vector.shape_cast %get3A_1123 : vector<1x16xf32> to vector<16xf32>
        %add3A_1125 = arith.addf %add3A_1097, %get3A_1124 : vector<16xf32>
        %add3A_1126 = arith.constant 38 : i32
        %add3A_1127 = arith.addi %mul3A_74, %add3A_1126 : i32
        %get3A_1128 = arith.index_cast %add3A_1127 : i32 to index
        %get3A_1129 = arith.constant 0 : index
        %get3A_1130 = tpu.vector_load %arg7[%get3A_1128, %get3A_1129] {strides = array<i32>} : memref<400x64xf32, #tpu.memory_space<vmem>>, vector<1x16xf32>,
        %get3A_1131 = vector.shape_cast %get3A_1130 : vector<1x16xf32> to vector<16xf32>
        %add3A_1132 = arith.addf %add3A_1104, %get3A_1131 : vector<16xf32>
        %add3A_1133 = arith.constant 38 : i32
        %add3A_1134 = arith.addi %mul3A_74, %add3A_1133 : i32
        %get3A_1135 = arith.index_cast %add3A_1134 : i32 to index
        %get3A_1136 = arith.constant 16 : index
        %get3A_1137 = tpu.vector_load %arg7[%get3A_1135, %get3A_1136] {strides = array<i32>} : memref<400x64xf32, #tpu.memory_space<vmem>>, vector<1x16xf32>,
        %get3A_1138 = vector.shape_cast %get3A_1137 : vector<1x16xf32> to vector<16xf32>
        %add3A_1139 = arith.addf %add3A_1111, %get3A_1138 : vector<16xf32>
        %add3A_1140 = arith.constant 38 : i32
        %add3A_1141 = arith.addi %mul3A_74, %add3A_1140 : i32
        %get3A_1142 = arith.index_cast %add3A_1141 : i32 to index
        %get3A_1143 = arith.constant 32 : index
        %get3A_1144 = tpu.vector_load %arg7[%get3A_1142, %get3A_1143] {strides = array<i32>} : memref<400x64xf32, #tpu.memory_space<vmem>>, vector<1x16xf32>,
        %get3A_1145 = vector.shape_cast %get3A_1144 : vector<1x16xf32> to vector<16xf32>
        %add3A_1146 = arith.addf %add3A_1118, %get3A_1145 : vector<16xf32>
        %add3A_1147 = arith.constant 38 : i32
        %add3A_1148 = arith.addi %mul3A_74, %add3A_1147 : i32
        %get3A_1149 = arith.index_cast %add3A_1148 : i32 to index
        %get3A_1150 = arith.constant 48 : index
        %get3A_1151 = tpu.vector_load %arg7[%get3A_1149, %get3A_1150] {strides = array<i32>} : memref<400x64xf32, #tpu.memory_space<vmem>>, vector<1x16xf32>,
        %get3A_1152 = vector.shape_cast %get3A_1151 : vector<1x16xf32> to vector<16xf32>
        %add3A_1153 = arith.addf %add3A_1125, %get3A_1152 : vector<16xf32>
        %add3A_1154 = arith.constant 39 : i32
        %add3A_1155 = arith.addi %mul3A_74, %add3A_1154 : i32
        %get3A_1156 = arith.index_cast %add3A_1155 : i32 to index
        %get3A_1157 = arith.constant 0 : index
        %get3A_1158 = tpu.vector_load %arg7[%get3A_1156, %get3A_1157] {strides = array<i32>} : memref<400x64xf32, #tpu.memory_space<vmem>>, vector<1x16xf32>,
        %get3A_1159 = vector.shape_cast %get3A_1158 : vector<1x16xf32> to vector<16xf32>
        %add3A_1160 = arith.addf %add3A_1132, %get3A_1159 : vector<16xf32>
        %add3A_1161 = arith.constant 39 : i32
        %add3A_1162 = arith.addi %mul3A_74, %add3A_1161 : i32
        %get3A_1163 = arith.index_cast %add3A_1162 : i32 to index
        %get3A_1164 = arith.constant 16 : index
        %get3A_1165 = tpu.vector_load %arg7[%get3A_1163, %get3A_1164] {strides = array<i32>} : memref<400x64xf32, #tpu.memory_space<vmem>>, vector<1x16xf32>,
        %get3A_1166 = vector.shape_cast %get3A_1165 : vector<1x16xf32> to vector<16xf32>
        %add3A_1167 = arith.addf %add3A_1139, %get3A_1166 : vector<16xf32>
        %add3A_1168 = arith.constant 39 : i32
        %add3A_1169 = arith.addi %mul3A_74, %add3A_1168 : i32
        %get3A_1170 = arith.index_cast %add3A_1169 : i32 to index
        %get3A_1171 = arith.constant 32 : index
        %get3A_1172 = tpu.vector_load %arg7[%get3A_1170, %get3A_1171] {strides = array<i32>} : memref<400x64xf32, #tpu.memory_space<vmem>>, vector<1x16xf32>,
        %get3A_1173 = vector.shape_cast %get3A_1172 : vector<1x16xf32> to vector<16xf32>
        %add3A_1174 = arith.addf %add3A_1146, %get3A_1173 : vector<16xf32>
        %add3A_1175 = arith.constant 39 : i32
        %add3A_1176 = arith.addi %mul3A_74, %add3A_1175 : i32
        %get3A_1177 = arith.index_cast %add3A_1176 : i32 to index
        %get3A_1178 = arith.constant 48 : index
        %get3A_1179 = tpu.vector_load %arg7[%get3A_1177, %get3A_1178] {strides = array<i32>} : memref<400x64xf32, #tpu.memory_space<vmem>>, vector<1x16xf32>,
        %get3A_1180 = vector.shape_cast %get3A_1179 : vector<1x16xf32> to vector<16xf32>
        %add3A_1181 = arith.addf %add3A_1153, %get3A_1180 : vector<16xf32>
        %add3A_1182 = arith.constant 40 : i32
        %add3A_1183 = arith.addi %mul3A_74, %add3A_1182 : i32
        %get3A_1184 = arith.index_cast %add3A_1183 : i32 to index
        %get3A_1185 = arith.constant 0 : index
        %get3A_1186 = tpu.vector_load %arg7[%get3A_1184, %get3A_1185] {strides = array<i32>} : memref<400x64xf32, #tpu.memory_space<vmem>>, vector<1x16xf32>,
        %get3A_1187 = vector.shape_cast %get3A_1186 : vector<1x16xf32> to vector<16xf32>
        %add3A_1188 = arith.addf %add3A_1160, %get3A_1187 : vector<16xf32>
        %add3A_1189 = arith.constant 40 : i32
        %add3A_1190 = arith.addi %mul3A_74, %add3A_1189 : i32
        %get3A_1191 = arith.index_cast %add3A_1190 : i32 to index
        %get3A_1192 = arith.constant 16 : index
        %get3A_1193 = tpu.vector_load %arg7[%get3A_1191, %get3A_1192] {strides = array<i32>} : memref<400x64xf32, #tpu.memory_space<vmem>>, vector<1x16xf32>,
        %get3A_1194 = vector.shape_cast %get3A_1193 : vector<1x16xf32> to vector<16xf32>
        %add3A_1195 = arith.addf %add3A_1167, %get3A_1194 : vector<16xf32>
        %add3A_1196 = arith.constant 40 : i32
        %add3A_1197 = arith.addi %mul3A_74, %add3A_1196 : i32
        %get3A_1198 = arith.index_cast %add3A_1197 : i32 to index
        %get3A_1199 = arith.constant 32 : index
        %get3A_1200 = tpu.vector_load %arg7[%get3A_1198, %get3A_1199] {strides = array<i32>} : memref<400x64xf32, #tpu.memory_space<vmem>>, vector<1x16xf32>,
        %get3A_1201 = vector.shape_cast %get3A_1200 : vector<1x16xf32> to vector<16xf32>
        %add3A_1202 = arith.addf %add3A_1174, %get3A_1201 : vector<16xf32>
        %add3A_1203 = arith.constant 40 : i32
        %add3A_1204 = arith.addi %mul3A_74, %add3A_1203 : i32
        %get3A_1205 = arith.index_cast %add3A_1204 : i32 to index
        %get3A_1206 = arith.constant 48 : index
        %get3A_1207 = tpu.vector_load %arg7[%get3A_1205, %get3A_1206] {strides = array<i32>} : memref<400x64xf32, #tpu.memory_space<vmem>>, vector<1x16xf32>,
        %get3A_1208 = vector.shape_cast %get3A_1207 : vector<1x16xf32> to vector<16xf32>
        %add3A_1209 = arith.addf %add3A_1181, %get3A_1208 : vector<16xf32>
        %add3A_1210 = arith.constant 41 : i32
        %add3A_1211 = arith.addi %mul3A_74, %add3A_1210 : i32
        %get3A_1212 = arith.index_cast %add3A_1211 : i32 to index
        %get3A_1213 = arith.constant 0 : index
        %get3A_1214 = tpu.vector_load %arg7[%get3A_1212, %get3A_1213] {strides = array<i32>} : memref<400x64xf32, #tpu.memory_space<vmem>>, vector<1x16xf32>,
        %get3A_1215 = vector.shape_cast %get3A_1214 : vector<1x16xf32> to vector<16xf32>
        %add3A_1216 = arith.addf %add3A_1188, %get3A_1215 : vector<16xf32>
        %add3A_1217 = arith.constant 41 : i32
        %add3A_1218 = arith.addi %mul3A_74, %add3A_1217 : i32
        %get3A_1219 = arith.index_cast %add3A_1218 : i32 to index
        %get3A_1220 = arith.constant 16 : index
        %get3A_1221 = tpu.vector_load %arg7[%get3A_1219, %get3A_1220] {strides = array<i32>} : memref<400x64xf32, #tpu.memory_space<vmem>>, vector<1x16xf32>,
        %get3A_1222 = vector.shape_cast %get3A_1221 : vector<1x16xf32> to vector<16xf32>
        %add3A_1223 = arith.addf %add3A_1195, %get3A_1222 : vector<16xf32>
        %add3A_1224 = arith.constant 41 : i32
        %add3A_1225 = arith.addi %mul3A_74, %add3A_1224 : i32
        %get3A_1226 = arith.index_cast %add3A_1225 : i32 to index
        %get3A_1227 = arith.constant 32 : index
        %get3A_1228 = tpu.vector_load %arg7[%get3A_1226, %get3A_1227] {strides = array<i32>} : memref<400x64xf32, #tpu.memory_space<vmem>>, vector<1x16xf32>,
        %get3A_1229 = vector.shape_cast %get3A_1228 : vector<1x16xf32> to vector<16xf32>
        %add3A_1230 = arith.addf %add3A_1202, %get3A_1229 : vector<16xf32>
        %add3A_1231 = arith.constant 41 : i32
        %add3A_1232 = arith.addi %mul3A_74, %add3A_1231 : i32
        %get3A_1233 = arith.index_cast %add3A_1232 : i32 to index
        %get3A_1234 = arith.constant 48 : index
        %get3A_1235 = tpu.vector_load %arg7[%get3A_1233, %get3A_1234] {strides = array<i32>} : memref<400x64xf32, #tpu.memory_space<vmem>>, vector<1x16xf32>,
        %get3A_1236 = vector.shape_cast %get3A_1235 : vector<1x16xf32> to vector<16xf32>
        %add3A_1237 = arith.addf %add3A_1209, %get3A_1236 : vector<16xf32>
        %add3A_1238 = arith.constant 42 : i32
        %add3A_1239 = arith.addi %mul3A_74, %add3A_1238 : i32
        %get3A_1240 = arith.index_cast %add3A_1239 : i32 to index
        %get3A_1241 = arith.constant 0 : index
        %get3A_1242 = tpu.vector_load %arg7[%get3A_1240, %get3A_1241] {strides = array<i32>} : memref<400x64xf32, #tpu.memory_space<vmem>>, vector<1x16xf32>,
        %get3A_1243 = vector.shape_cast %get3A_1242 : vector<1x16xf32> to vector<16xf32>
        %add3A_1244 = arith.addf %add3A_1216, %get3A_1243 : vector<16xf32>
        %add3A_1245 = arith.constant 42 : i32
        %add3A_1246 = arith.addi %mul3A_74, %add3A_1245 : i32
        %get3A_1247 = arith.index_cast %add3A_1246 : i32 to index
        %get3A_1248 = arith.constant 16 : index
        %get3A_1249 = tpu.vector_load %arg7[%get3A_1247, %get3A_1248] {strides = array<i32>} : memref<400x64xf32, #tpu.memory_space<vmem>>, vector<1x16xf32>,
        %get3A_1250 = vector.shape_cast %get3A_1249 : vector<1x16xf32> to vector<16xf32>
        %add3A_1251 = arith.addf %add3A_1223, %get3A_1250 : vector<16xf32>
        %add3A_1252 = arith.constant 42 : i32
        %add3A_1253 = arith.addi %mul3A_74, %add3A_1252 : i32
        %get3A_1254 = arith.index_cast %add3A_1253 : i32 to index
        %get3A_1255 = arith.constant 32 : index
        %get3A_1256 = tpu.vector_load %arg7[%get3A_1254, %get3A_1255] {strides = array<i32>} : memref<400x64xf32, #tpu.memory_space<vmem>>, vector<1x16xf32>,
        %get3A_1257 = vector.shape_cast %get3A_1256 : vector<1x16xf32> to vector<16xf32>
        %add3A_1258 = arith.addf %add3A_1230, %get3A_1257 : vector<16xf32>
        %add3A_1259 = arith.constant 42 : i32
        %add3A_1260 = arith.addi %mul3A_74, %add3A_1259 : i32
        %get3A_1261 = arith.index_cast %add3A_1260 : i32 to index
        %get3A_1262 = arith.constant 48 : index
        %get3A_1263 = tpu.vector_load %arg7[%get3A_1261, %get3A_1262] {strides = array<i32>} : memref<400x64xf32, #tpu.memory_space<vmem>>, vector<1x16xf32>,
        %get3A_1264 = vector.shape_cast %get3A_1263 : vector<1x16xf32> to vector<16xf32>
        %add3A_1265 = arith.addf %add3A_1237, %get3A_1264 : vector<16xf32>
        %add3A_1266 = arith.constant 43 : i32
        %add3A_1267 = arith.addi %mul3A_74, %add3A_1266 : i32
        %get3A_1268 = arith.index_cast %add3A_1267 : i32 to index
        %get3A_1269 = arith.constant 0 : index
        %get3A_1270 = tpu.vector_load %arg7[%get3A_1268, %get3A_1269] {strides = array<i32>} : memref<400x64xf32, #tpu.memory_space<vmem>>, vector<1x16xf32>,
        %get3A_1271 = vector.shape_cast %get3A_1270 : vector<1x16xf32> to vector<16xf32>
        %add3A_1272 = arith.addf %add3A_1244, %get3A_1271 : vector<16xf32>
        %add3A_1273 = arith.constant 43 : i32
        %add3A_1274 = arith.addi %mul3A_74, %add3A_1273 : i32
        %get3A_1275 = arith.index_cast %add3A_1274 : i32 to index
        %get3A_1276 = arith.constant 16 : index
        %get3A_1277 = tpu.vector_load %arg7[%get3A_1275, %get3A_1276] {strides = array<i32>} : memref<400x64xf32, #tpu.memory_space<vmem>>, vector<1x16xf32>,
        %get3A_1278 = vector.shape_cast %get3A_1277 : vector<1x16xf32> to vector<16xf32>
        %add3A_1279 = arith.addf %add3A_1251, %get3A_1278 : vector<16xf32>
        %add3A_1280 = arith.constant 43 : i32
        %add3A_1281 = arith.addi %mul3A_74, %add3A_1280 : i32
        %get3A_1282 = arith.index_cast %add3A_1281 : i32 to index
        %get3A_1283 = arith.constant 32 : index
        %get3A_1284 = tpu.vector_load %arg7[%get3A_1282, %get3A_1283] {strides = array<i32>} : memref<400x64xf32, #tpu.memory_space<vmem>>, vector<1x16xf32>,
        %get3A_1285 = vector.shape_cast %get3A_1284 : vector<1x16xf32> to vector<16xf32>
        %add3A_1286 = arith.addf %add3A_1258, %get3A_1285 : vector<16xf32>
        %add3A_1287 = arith.constant 43 : i32
        %add3A_1288 = arith.addi %mul3A_74, %add3A_1287 : i32
        %get3A_1289 = arith.index_cast %add3A_1288 : i32 to index
        %get3A_1290 = arith.constant 48 : index
        %get3A_1291 = tpu.vector_load %arg7[%get3A_1289, %get3A_1290] {strides = array<i32>} : memref<400x64xf32, #tpu.memory_space<vmem>>, vector<1x16xf32>,
        %get3A_1292 = vector.shape_cast %get3A_1291 : vector<1x16xf32> to vector<16xf32>
        %add3A_1293 = arith.addf %add3A_1265, %get3A_1292 : vector<16xf32>
        %add3A_1294 = arith.constant 44 : i32
        %add3A_1295 = arith.addi %mul3A_74, %add3A_1294 : i32
        %get3A_1296 = arith.index_cast %add3A_1295 : i32 to index
        %get3A_1297 = arith.constant 0 : index
        %get3A_1298 = tpu.vector_load %arg7[%get3A_1296, %get3A_1297] {strides = array<i32>} : memref<400x64xf32, #tpu.memory_space<vmem>>, vector<1x16xf32>,
        %get3A_1299 = vector.shape_cast %get3A_1298 : vector<1x16xf32> to vector<16xf32>
        %add3A_1300 = arith.addf %add3A_1272, %get3A_1299 : vector<16xf32>
        %add3A_1301 = arith.constant 44 : i32
        %add3A_1302 = arith.addi %mul3A_74, %add3A_1301 : i32
        %get3A_1303 = arith.index_cast %add3A_1302 : i32 to index
        %get3A_1304 = arith.constant 16 : index
        %get3A_1305 = tpu.vector_load %arg7[%get3A_1303, %get3A_1304] {strides = array<i32>} : memref<400x64xf32, #tpu.memory_space<vmem>>, vector<1x16xf32>,
        %get3A_1306 = vector.shape_cast %get3A_1305 : vector<1x16xf32> to vector<16xf32>
        %add3A_1307 = arith.addf %add3A_1279, %get3A_1306 : vector<16xf32>
        %add3A_1308 = arith.constant 44 : i32
        %add3A_1309 = arith.addi %mul3A_74, %add3A_1308 : i32
        %get3A_1310 = arith.index_cast %add3A_1309 : i32 to index
        %get3A_1311 = arith.constant 32 : index
        %get3A_1312 = tpu.vector_load %arg7[%get3A_1310, %get3A_1311] {strides = array<i32>} : memref<400x64xf32, #tpu.memory_space<vmem>>, vector<1x16xf32>,
        %get3A_1313 = vector.shape_cast %get3A_1312 : vector<1x16xf32> to vector<16xf32>
        %add3A_1314 = arith.addf %add3A_1286, %get3A_1313 : vector<16xf32>
        %add3A_1315 = arith.constant 44 : i32
        %add3A_1316 = arith.addi %mul3A_74, %add3A_1315 : i32
        %get3A_1317 = arith.index_cast %add3A_1316 : i32 to index
        %get3A_1318 = arith.constant 48 : index
        %get3A_1319 = tpu.vector_load %arg7[%get3A_1317, %get3A_1318] {strides = array<i32>} : memref<400x64xf32, #tpu.memory_space<vmem>>, vector<1x16xf32>,
        %get3A_1320 = vector.shape_cast %get3A_1319 : vector<1x16xf32> to vector<16xf32>
        %add3A_1321 = arith.addf %add3A_1293, %get3A_1320 : vector<16xf32>
        %add3A_1322 = arith.constant 45 : i32
        %add3A_1323 = arith.addi %mul3A_74, %add3A_1322 : i32
        %get3A_1324 = arith.index_cast %add3A_1323 : i32 to index
        %get3A_1325 = arith.constant 0 : index
        %get3A_1326 = tpu.vector_load %arg7[%get3A_1324, %get3A_1325] {strides = array<i32>} : memref<400x64xf32, #tpu.memory_space<vmem>>, vector<1x16xf32>,
        %get3A_1327 = vector.shape_cast %get3A_1326 : vector<1x16xf32> to vector<16xf32>
        %add3A_1328 = arith.addf %add3A_1300, %get3A_1327 : vector<16xf32>
        %add3A_1329 = arith.constant 45 : i32
        %add3A_1330 = arith.addi %mul3A_74, %add3A_1329 : i32
        %get3A_1331 = arith.index_cast %add3A_1330 : i32 to index
        %get3A_1332 = arith.constant 16 : index
        %get3A_1333 = tpu.vector_load %arg7[%get3A_1331, %get3A_1332] {strides = array<i32>} : memref<400x64xf32, #tpu.memory_space<vmem>>, vector<1x16xf32>,
        %get3A_1334 = vector.shape_cast %get3A_1333 : vector<1x16xf32> to vector<16xf32>
        %add3A_1335 = arith.addf %add3A_1307, %get3A_1334 : vector<16xf32>
        %add3A_1336 = arith.constant 45 : i32
        %add3A_1337 = arith.addi %mul3A_74, %add3A_1336 : i32
        %get3A_1338 = arith.index_cast %add3A_1337 : i32 to index
        %get3A_1339 = arith.constant 32 : index
        %get3A_1340 = tpu.vector_load %arg7[%get3A_1338, %get3A_1339] {strides = array<i32>} : memref<400x64xf32, #tpu.memory_space<vmem>>, vector<1x16xf32>,
        %get3A_1341 = vector.shape_cast %get3A_1340 : vector<1x16xf32> to vector<16xf32>
        %add3A_1342 = arith.addf %add3A_1314, %get3A_1341 : vector<16xf32>
        %add3A_1343 = arith.constant 45 : i32
        %add3A_1344 = arith.addi %mul3A_74, %add3A_1343 : i32
        %get3A_1345 = arith.index_cast %add3A_1344 : i32 to index
        %get3A_1346 = arith.constant 48 : index
        %get3A_1347 = tpu.vector_load %arg7[%get3A_1345, %get3A_1346] {strides = array<i32>} : memref<400x64xf32, #tpu.memory_space<vmem>>, vector<1x16xf32>,
        %get3A_1348 = vector.shape_cast %get3A_1347 : vector<1x16xf32> to vector<16xf32>
        %add3A_1349 = arith.addf %add3A_1321, %get3A_1348 : vector<16xf32>
        %add3A_1350 = arith.constant 46 : i32
        %add3A_1351 = arith.addi %mul3A_74, %add3A_1350 : i32
        %get3A_1352 = arith.index_cast %add3A_1351 : i32 to index
        %get3A_1353 = arith.constant 0 : index
        %get3A_1354 = tpu.vector_load %arg7[%get3A_1352, %get3A_1353] {strides = array<i32>} : memref<400x64xf32, #tpu.memory_space<vmem>>, vector<1x16xf32>,
        %get3A_1355 = vector.shape_cast %get3A_1354 : vector<1x16xf32> to vector<16xf32>
        %add3A_1356 = arith.addf %add3A_1328, %get3A_1355 : vector<16xf32>
        %add3A_1357 = arith.constant 46 : i32
        %add3A_1358 = arith.addi %mul3A_74, %add3A_1357 : i32
        %get3A_1359 = arith.index_cast %add3A_1358 : i32 to index
        %get3A_1360 = arith.constant 16 : index
        %get3A_1361 = tpu.vector_load %arg7[%get3A_1359, %get3A_1360] {strides = array<i32>} : memref<400x64xf32, #tpu.memory_space<vmem>>, vector<1x16xf32>,
        %get3A_1362 = vector.shape_cast %get3A_1361 : vector<1x16xf32> to vector<16xf32>
        %add3A_1363 = arith.addf %add3A_1335, %get3A_1362 : vector<16xf32>
        %add3A_1364 = arith.constant 46 : i32
        %add3A_1365 = arith.addi %mul3A_74, %add3A_1364 : i32
        %get3A_1366 = arith.index_cast %add3A_1365 : i32 to index
        %get3A_1367 = arith.constant 32 : index
        %get3A_1368 = tpu.vector_load %arg7[%get3A_1366, %get3A_1367] {strides = array<i32>} : memref<400x64xf32, #tpu.memory_space<vmem>>, vector<1x16xf32>,
        %get3A_1369 = vector.shape_cast %get3A_1368 : vector<1x16xf32> to vector<16xf32>
        %add3A_1370 = arith.addf %add3A_1342, %get3A_1369 : vector<16xf32>
        %add3A_1371 = arith.constant 46 : i32
        %add3A_1372 = arith.addi %mul3A_74, %add3A_1371 : i32
        %get3A_1373 = arith.index_cast %add3A_1372 : i32 to index
        %get3A_1374 = arith.constant 48 : index
        %get3A_1375 = tpu.vector_load %arg7[%get3A_1373, %get3A_1374] {strides = array<i32>} : memref<400x64xf32, #tpu.memory_space<vmem>>, vector<1x16xf32>,
        %get3A_1376 = vector.shape_cast %get3A_1375 : vector<1x16xf32> to vector<16xf32>
        %add3A_1377 = arith.addf %add3A_1349, %get3A_1376 : vector<16xf32>
        %add3A_1378 = arith.constant 47 : i32
        %add3A_1379 = arith.addi %mul3A_74, %add3A_1378 : i32
        %get3A_1380 = arith.index_cast %add3A_1379 : i32 to index
        %get3A_1381 = arith.constant 0 : index
        %get3A_1382 = tpu.vector_load %arg7[%get3A_1380, %get3A_1381] {strides = array<i32>} : memref<400x64xf32, #tpu.memory_space<vmem>>, vector<1x16xf32>,
        %get3A_1383 = vector.shape_cast %get3A_1382 : vector<1x16xf32> to vector<16xf32>
        %add3A_1384 = arith.addf %add3A_1356, %get3A_1383 : vector<16xf32>
        %add3A_1385 = arith.constant 47 : i32
        %add3A_1386 = arith.addi %mul3A_74, %add3A_1385 : i32
        %get3A_1387 = arith.index_cast %add3A_1386 : i32 to index
        %get3A_1388 = arith.constant 16 : index
        %get3A_1389 = tpu.vector_load %arg7[%get3A_1387, %get3A_1388] {strides = array<i32>} : memref<400x64xf32, #tpu.memory_space<vmem>>, vector<1x16xf32>,
        %get3A_1390 = vector.shape_cast %get3A_1389 : vector<1x16xf32> to vector<16xf32>
        %add3A_1391 = arith.addf %add3A_1363, %get3A_1390 : vector<16xf32>
        %add3A_1392 = arith.constant 47 : i32
        %add3A_1393 = arith.addi %mul3A_74, %add3A_1392 : i32
        %get3A_1394 = arith.index_cast %add3A_1393 : i32 to index
        %get3A_1395 = arith.constant 32 : index
        %get3A_1396 = tpu.vector_load %arg7[%get3A_1394, %get3A_1395] {strides = array<i32>} : memref<400x64xf32, #tpu.memory_space<vmem>>, vector<1x16xf32>,
        %get3A_1397 = vector.shape_cast %get3A_1396 : vector<1x16xf32> to vector<16xf32>
        %add3A_1398 = arith.addf %add3A_1370, %get3A_1397 : vector<16xf32>
        %add3A_1399 = arith.constant 47 : i32
        %add3A_1400 = arith.addi %mul3A_74, %add3A_1399 : i32
        %get3A_1401 = arith.index_cast %add3A_1400 : i32 to index
        %get3A_1402 = arith.constant 48 : index
        %get3A_1403 = tpu.vector_load %arg7[%get3A_1401, %get3A_1402] {strides = array<i32>} : memref<400x64xf32, #tpu.memory_space<vmem>>, vector<1x16xf32>,
        %get3A_1404 = vector.shape_cast %get3A_1403 : vector<1x16xf32> to vector<16xf32>
        %add3A_1405 = arith.addf %add3A_1377, %get3A_1404 : vector<16xf32>
        %add3A_1406 = arith.constant 48 : i32
        %add3A_1407 = arith.addi %mul3A_74, %add3A_1406 : i32
        %get3A_1408 = arith.index_cast %add3A_1407 : i32 to index
        %get3A_1409 = arith.constant 0 : index
        %get3A_1410 = tpu.vector_load %arg7[%get3A_1408, %get3A_1409] {strides = array<i32>} : memref<400x64xf32, #tpu.memory_space<vmem>>, vector<1x16xf32>,
        %get3A_1411 = vector.shape_cast %get3A_1410 : vector<1x16xf32> to vector<16xf32>
        %add3A_1412 = arith.addf %add3A_1384, %get3A_1411 : vector<16xf32>
        %add3A_1413 = arith.constant 48 : i32
        %add3A_1414 = arith.addi %mul3A_74, %add3A_1413 : i32
        %get3A_1415 = arith.index_cast %add3A_1414 : i32 to index
        %get3A_1416 = arith.constant 16 : index
        %get3A_1417 = tpu.vector_load %arg7[%get3A_1415, %get3A_1416] {strides = array<i32>} : memref<400x64xf32, #tpu.memory_space<vmem>>, vector<1x16xf32>,
        %get3A_1418 = vector.shape_cast %get3A_1417 : vector<1x16xf32> to vector<16xf32>
        %add3A_1419 = arith.addf %add3A_1391, %get3A_1418 : vector<16xf32>
        %add3A_1420 = arith.constant 48 : i32
        %add3A_1421 = arith.addi %mul3A_74, %add3A_1420 : i32
        %get3A_1422 = arith.index_cast %add3A_1421 : i32 to index
        %get3A_1423 = arith.constant 32 : index
        %get3A_1424 = tpu.vector_load %arg7[%get3A_1422, %get3A_1423] {strides = array<i32>} : memref<400x64xf32, #tpu.memory_space<vmem>>, vector<1x16xf32>,
        %get3A_1425 = vector.shape_cast %get3A_1424 : vector<1x16xf32> to vector<16xf32>
        %add3A_1426 = arith.addf %add3A_1398, %get3A_1425 : vector<16xf32>
        %add3A_1427 = arith.constant 48 : i32
        %add3A_1428 = arith.addi %mul3A_74, %add3A_1427 : i32
        %get3A_1429 = arith.index_cast %add3A_1428 : i32 to index
        %get3A_1430 = arith.constant 48 : index
        %get3A_1431 = tpu.vector_load %arg7[%get3A_1429, %get3A_1430] {strides = array<i32>} : memref<400x64xf32, #tpu.memory_space<vmem>>, vector<1x16xf32>,
        %get3A_1432 = vector.shape_cast %get3A_1431 : vector<1x16xf32> to vector<16xf32>
        %add3A_1433 = arith.addf %add3A_1405, %get3A_1432 : vector<16xf32>
        %add3A_1434 = arith.constant 49 : i32
        %add3A_1435 = arith.addi %mul3A_74, %add3A_1434 : i32
        %get3A_1436 = arith.index_cast %add3A_1435 : i32 to index
        %get3A_1437 = arith.constant 0 : index
        %get3A_1438 = tpu.vector_load %arg7[%get3A_1436, %get3A_1437] {strides = array<i32>} : memref<400x64xf32, #tpu.memory_space<vmem>>, vector<1x16xf32>,
        %get3A_1439 = vector.shape_cast %get3A_1438 : vector<1x16xf32> to vector<16xf32>
        %add3A_1440 = arith.addf %add3A_1412, %get3A_1439 : vector<16xf32>
        %add3A_1441 = arith.constant 49 : i32
        %add3A_1442 = arith.addi %mul3A_74, %add3A_1441 : i32
        %get3A_1443 = arith.index_cast %add3A_1442 : i32 to index
        %get3A_1444 = arith.constant 16 : index
        %get3A_1445 = tpu.vector_load %arg7[%get3A_1443, %get3A_1444] {strides = array<i32>} : memref<400x64xf32, #tpu.memory_space<vmem>>, vector<1x16xf32>,
        %get3A_1446 = vector.shape_cast %get3A_1445 : vector<1x16xf32> to vector<16xf32>
        %add3A_1447 = arith.addf %add3A_1419, %get3A_1446 : vector<16xf32>
        %add3A_1448 = arith.constant 49 : i32
        %add3A_1449 = arith.addi %mul3A_74, %add3A_1448 : i32
        %get3A_1450 = arith.index_cast %add3A_1449 : i32 to index
        %get3A_1451 = arith.constant 32 : index
        %get3A_1452 = tpu.vector_load %arg7[%get3A_1450, %get3A_1451] {strides = array<i32>} : memref<400x64xf32, #tpu.memory_space<vmem>>, vector<1x16xf32>,
        %get3A_1453 = vector.shape_cast %get3A_1452 : vector<1x16xf32> to vector<16xf32>
        %add3A_1454 = arith.addf %add3A_1426, %get3A_1453 : vector<16xf32>
        %add3A_1455 = arith.constant 49 : i32
        %add3A_1456 = arith.addi %mul3A_74, %add3A_1455 : i32
        %get3A_1457 = arith.index_cast %add3A_1456 : i32 to index
        %get3A_1458 = arith.constant 48 : index
        %get3A_1459 = tpu.vector_load %arg7[%get3A_1457, %get3A_1458] {strides = array<i32>} : memref<400x64xf32, #tpu.memory_space<vmem>>, vector<1x16xf32>,
        %get3A_1460 = vector.shape_cast %get3A_1459 : vector<1x16xf32> to vector<16xf32>
        %add3A_1461 = arith.addf %add3A_1433, %get3A_1460 : vector<16xf32>
        %swap3A = arith.index_cast %scan3A_72 : i32 to index
        %swap3A_1462 = arith.constant 0 : index
        %swap3A_1463 = tpu.vector_load %arg9[%swap3A, %swap3A_1462] {strides = array<i32>} : memref<8x64xf32, #tpu.memory_space<vmem>>, vector<1x16xf32>,
        %swap3A_1464 = vector.shape_cast %swap3A_1463 : vector<1x16xf32> to vector<16xf32>
        %swap3A_1465 = vector.shape_cast %add3A_1440 : vector<16xf32> to vector<1x16xf32>
        tpu.vector_store %arg9[%swap3A, %swap3A_1462], %swap3A_1465 {strides = array<i32>} : memref<8x64xf32, #tpu.memory_space<vmem>>, vector<1x16xf32>,
        %swap3A_1466 = arith.index_cast %scan3A_72 : i32 to index
        %swap3A_1467 = arith.constant 16 : index
        %swap3A_1468 = tpu.vector_load %arg9[%swap3A_1466, %swap3A_1467] {strides = array<i32>} : memref<8x64xf32, #tpu.memory_space<vmem>>, vector<1x16xf32>,
        %swap3A_1469 = vector.shape_cast %swap3A_1468 : vector<1x16xf32> to vector<16xf32>
        %swap3A_1470 = vector.shape_cast %add3A_1447 : vector<16xf32> to vector<1x16xf32>
        tpu.vector_store %arg9[%swap3A_1466, %swap3A_1467], %swap3A_1470 {strides = array<i32>} : memref<8x64xf32, #tpu.memory_space<vmem>>, vector<1x16xf32>,
        %swap3A_1471 = arith.index_cast %scan3A_72 : i32 to index
        %swap3A_1472 = arith.constant 32 : index
        %swap3A_1473 = tpu.vector_load %arg9[%swap3A_1471, %swap3A_1472] {strides = array<i32>} : memref<8x64xf32, #tpu.memory_space<vmem>>, vector<1x16xf32>,
        %swap3A_1474 = vector.shape_cast %swap3A_1473 : vector<1x16xf32> to vector<16xf32>
        %swap3A_1475 = vector.shape_cast %add3A_1454 : vector<16xf32> to vector<1x16xf32>
        tpu.vector_store %arg9[%swap3A_1471, %swap3A_1472], %swap3A_1475 {strides = array<i32>} : memref<8x64xf32, #tpu.memory_space<vmem>>, vector<1x16xf32>,
        %swap3A_1476 = arith.index_cast %scan3A_72 : i32 to index
        %swap3A_1477 = arith.constant 48 : index
        %swap3A_1478 = tpu.vector_load %arg9[%swap3A_1476, %swap3A_1477] {strides = array<i32>} : memref<8x64xf32, #tpu.memory_space<vmem>>, vector<1x16xf32>,
        %swap3A_1479 = vector.shape_cast %swap3A_1478 : vector<1x16xf32> to vector<16xf32>
        %swap3A_1480 = vector.shape_cast %add3A_1461 : vector<16xf32> to vector<1x16xf32>
        tpu.vector_store %arg9[%swap3A_1476, %swap3A_1477], %swap3A_1480 {strides = array<i32>} : memref<8x64xf32, #tpu.memory_space<vmem>>, vector<1x16xf32>,
      }
      %scan3A_68 = arith.constant 8 : i32
      %mul3A_69 = arith.constant 8 : i32
      %mul3A_70 = arith.muli %add3A_62, %mul3A_69 : i32
      %add3A_71 = arith.addi %mul3A_2, %mul3A_70 : i32
      "tpu.region"() ({
        %run_scoped3A = tpu.sem_alloc : memref<!tpu.dma_semaphore, #tpu.memory_space<semaphore_mem>>
        %dma_start3A_72 = arith.constant 0 : i32
        %dma_start3A_73 = tpu.memref_slice %arg4[%add3A_71, %dma_start3A_72] : memref<20480x64xf32, #tpu.memory_space<hbm>> -> memref<8x64xf32, #tpu.memory_space<hbm>>
        %dma_start3A_74 = arith.constant 0 : i32
        %dma_start3A_75 = tpu.memref_slice %arg4[%add3A_71, %dma_start3A_74] : memref<20480x64xf32, #tpu.memory_space<hbm>> -> memref<8x64xf32, #tpu.memory_space<hbm>>
        tpu.enqueue_dma source(%arg9 : memref<8x64xf32, #tpu.memory_space<vmem>>) target(%dma_start3A_75 : memref<8x64xf32, #tpu.memory_space<hbm>>) target_semaphore(%run_scoped3A : memref<!tpu.dma_semaphore, #tpu.memory_space<semaphore_mem>>)
        %dma_wait3A_76 = arith.constant 0 : i32
        %dma_wait3A_77 = tpu.memref_slice %arg4[%add3A_71, %dma_wait3A_76] : memref<20480x64xf32, #tpu.memory_space<hbm>> -> memref<8x64xf32, #tpu.memory_space<hbm>>
        %dma_wait3A_78 = arith.constant 0 : i32
        %dma_wait3A_79 = tpu.memref_slice %arg4[%add3A_71, %dma_wait3A_78] : memref<20480x64xf32, #tpu.memory_space<hbm>> -> memref<8x64xf32, #tpu.memory_space<hbm>>
        tpu.wait_dma2 semaphore(%run_scoped3A : memref<!tpu.dma_semaphore, #tpu.memory_space<semaphore_mem>>) src(%arg9 : memref<8x64xf32, #tpu.memory_space<vmem>>) dst(%dma_wait3A_79 : memref<8x64xf32, #tpu.memory_space<hbm>>)
        tpu.yield
      }) : () -> ()
    }
    %scan3A_13 = arith.constant 40 : i32
    %dma_wait3A = arith.constant 31600 : i32
    %dma_wait3A_14 = tpu.memref_slice %arg5[%dma_wait3A] : memref<32000xi32, #tpu.memory_space<vmem>> -> memref<400xi32, #tpu.memory_space<vmem>>
    %dma_wait3A_15 = arith.constant 0 : i32
    %dma_wait3A_16 = arith.constant 0 : i32
    %dma_wait3A_17 = tpu.memref_slice %arg3[%dma_wait3A_15, %dma_wait3A_16] : memref<1007616x64xf32, #tpu.memory_space<hbm>> -> memref<1007616x64xf32, #tpu.memory_space<hbm>>
    tpu.wait_indirect_dma semaphore(%arg10 : memref<!tpu.dma_semaphore, #tpu.memory_space<semaphore_mem>>) src(%dma_wait3A_17 : memref<1007616x64xf32, #tpu.memory_space<hbm>>) dst(%arg6 : memref<400x64xf32, #tpu.memory_space<vmem>>)
    return
  }
}

module attributes {stable_mosaic.version = 14 : i64} {
  func.func @_relayout_body(%arg0: i32, %arg1: memref<64x4096xf32, #tpu.memory_space<vmem>>, %arg2: memref<64x4096xf32, #tpu.memory_space<vmem>>, %arg3: memref<4096x128xf32, #tpu.memory_space<vmem>>) attributes {dimension_semantics = [#tpu.dimension_semantics<arbitrary>], iteration_bounds = array<i64: 123>, scalar_prefetch = 0 : i64, scratch_operands = 0 : i64, tpu.core_type = #tpu.core_type<tc>, window_params = [{transform_indices = @transform_0, window_bounds = array<i64: 64, 4096>}, {transform_indices = @transform_1, window_bounds = array<i64: 64, 4096>}, {transform_indices = @transform_2, window_bounds = array<i64: 4096, 128>}]} {
    %get3A = arith.constant 0 : index
    %get3A_0 = arith.constant 0 : index
    %get3A_1 = vector.load %arg1[%get3A, %get3A_0] : memref<64x4096xf32, #tpu.memory_space<vmem>>, vector<64x4096xf32>
    %transpose3A = tpu.transpose %get3A_1, [1, 0] : vector<64x4096xf32> -> vector<4096x64xf32>
    %swap3A = arith.constant 0 : index
    %swap3A_2 = arith.constant 0 : index
    %swap3A_3 = vector.load %arg3[%swap3A, %swap3A_2] : memref<4096x128xf32, #tpu.memory_space<vmem>>, vector<4096x64xf32>
    tpu.vector_store %arg3[%swap3A, %swap3A_2], %transpose3A {strides = array<i32>} : memref<4096x128xf32, #tpu.memory_space<vmem>>, vector<4096x64xf32>,
    %get3A_4 = arith.constant 0 : index
    %get3A_5 = arith.constant 0 : index
    %get3A_6 = vector.load %arg2[%get3A_4, %get3A_5] : memref<64x4096xf32, #tpu.memory_space<vmem>>, vector<64x4096xf32>
    %transpose3A_7 = tpu.transpose %get3A_6, [1, 0] : vector<64x4096xf32> -> vector<4096x64xf32>
    %swap3A_8 = arith.constant 0 : index
    %swap3A_9 = arith.constant 64 : index
    %swap3A_10 = vector.load %arg3[%swap3A_8, %swap3A_9] : memref<4096x128xf32, #tpu.memory_space<vmem>>, vector<4096x64xf32>
    tpu.vector_store %arg3[%swap3A_8, %swap3A_9], %transpose3A_7 {strides = array<i32>} : memref<4096x128xf32, #tpu.memory_space<vmem>>, vector<4096x64xf32>,
    return
  }
  func.func @transform_0(%arg0: i32) -> (i32, i32) {
    %c0_i32 = arith.constant 0 : i32
    %c0_i32_0 = arith.constant 0 : i32
    return %c0_i32, %arg0 : i32, i32
  }
  func.func @transform_1(%arg0: i32) -> (i32, i32) {
    %add3A = arith.constant 123 : i32
    %add3A_0 = arith.addi %arg0, %add3A : i32
    %min3A = arith.constant 244 : i32
    %min3A_1 = arith.minsi %add3A_0, %min3A : i32
    %c0_i32 = arith.constant 0 : i32
    %c0_i32_2 = arith.constant 0 : i32
    return %c0_i32, %min3A_1 : i32, i32
  }
  func.func @transform_2(%arg0: i32) -> (i32, i32) {
    %c0_i32 = arith.constant 0 : i32
    %c0_i32_0 = arith.constant 0 : i32
    return %arg0, %c0_i32 : i32, i32
  }
}

module attributes {stable_mosaic.version = 14 : i64} {
  func.func @_finish_body(%arg0: i32, %arg1: memref<2048x50xi32, #tpu.memory_space<vmem>>, %arg2: memref<2048x64xf32, #tpu.memory_space<vmem>>, %arg3: memref<64x64xf32, #tpu.memory_space<vmem>>, %arg4: memref<1x64xf32, #tpu.memory_space<vmem>>, %arg5: memref<2048x64xf32, #tpu.memory_space<vmem>>) attributes {dimension_semantics = [#tpu.dimension_semantics<arbitrary>], iteration_bounds = array<i64: 10>, scalar_prefetch = 0 : i64, scratch_operands = 0 : i64, tpu.core_type = #tpu.core_type<tc>, window_params = [{transform_indices = @transform_0, window_bounds = array<i64: 2048, 50>}, {transform_indices = @transform_1, window_bounds = array<i64: 2048, 64>}, {pipeline_mode = #tpu.pipeline_mode<synchronous>, transform_indices = @transform_2, window_bounds = array<i64: 64, 64>}, {pipeline_mode = #tpu.pipeline_mode<synchronous>, transform_indices = @transform_3, window_bounds = array<i64: 1, 64>}, {transform_indices = @transform_4, window_bounds = array<i64: 2048, 64>}]} {
    %get3A = arith.constant 0 : index
    %get3A_0 = arith.constant 0 : index
    %get3A_1 = vector.load %arg1[%get3A, %get3A_0] : memref<2048x50xi32, #tpu.memory_space<vmem>>, vector<2048x50xi32>
    %ne3A = arith.constant 0 : i32
    %ne3A_2 = vector.broadcast %ne3A : i32 to vector<2048x50xi32>
    %ne3A_3 = arith.cmpi ne, %get3A_1, %ne3A_2 : vector<2048x50xi32>
    %convert_element_type3A = arith.extui %ne3A_3 : vector<2048x50xi1> to vector<2048x50xi32>
    %convert_element_type3A_4 = arith.sitofp %convert_element_type3A : vector<2048x50xi32> to vector<2048x50xf32>
    %reduce_sum3A = arith.constant dense<0.000000e+00> : vector<2048xf32>
    %reduce_sum3A_5 = vector.multi_reduction <add>, %convert_element_type3A_4, %reduce_sum3A [1] : vector<2048x50xf32> to vector<2048xf32>
    %broadcast_in_dim3A = vector.shape_cast %reduce_sum3A_5 : vector<2048xf32> to vector<2048x1xf32>
    %max3A = arith.constant 1.000000e+00 : f32
    %max3A_6 = vector.broadcast %max3A : f32 to vector<2048x1xf32>
    %max3A_7 = arith.maximumf %broadcast_in_dim3A, %max3A_6 : vector<2048x1xf32>
    %div3A = arith.constant 1.000000e+00 : f32
    %div3A_8 = vector.broadcast %div3A : f32 to vector<2048x1xf32>
    %div3A_9 = arith.divf %div3A_8, %max3A_7 : vector<2048x1xf32>
    %get3A_10 = arith.constant 0 : index
    %get3A_11 = arith.constant 0 : index
    %get3A_12 = vector.load %arg2[%get3A_10, %get3A_11] : memref<2048x64xf32, #tpu.memory_space<vmem>>, vector<2048x64xf32>
    %mul3A = vector.broadcast %div3A_9 : vector<2048x1xf32> to vector<2048x64xf32>
    %mul3A_13 = arith.mulf %get3A_12, %mul3A : vector<2048x64xf32>
    %get3A_14 = arith.constant 0 : index
    %get3A_15 = arith.constant 0 : index
    %get3A_16 = vector.load %arg3[%get3A_14, %get3A_15] : memref<64x64xf32, #tpu.memory_space<vmem>>, vector<64x64xf32>
    %dot_general3A = arith.constant dense<0.000000e+00> : vector<2048x64xf32>
    %dot_general3A_17 = tpu.matmul %mul3A_13, %get3A_16, %dot_general3A {dimension_numbers = #tpu.dot_dimension_numbers<[1], [1], [0], [0], [0, 0, 1, 0], [], []>, transpose_lhs_hint = false} : vector<2048x64xf32>, vector<64x64xf32>, vector<2048x64xf32> -> vector<2048x64xf32>
    %get3A_18 = arith.constant 0 : index
    %get3A_19 = arith.constant 0 : index
    %get3A_20 = vector.load %arg4[%get3A_18, %get3A_19] : memref<1x64xf32, #tpu.memory_space<vmem>>, vector<1x64xf32>
    %add3A = vector.broadcast %get3A_20 : vector<1x64xf32> to vector<2048x64xf32>
    %add3A_21 = arith.addf %dot_general3A_17, %add3A : vector<2048x64xf32>
    %max3A_22 = arith.constant 0.000000e+00 : f32
    %max3A_23 = vector.broadcast %max3A_22 : f32 to vector<2048x64xf32>
    %max3A_24 = arith.maximumf %add3A_21, %max3A_23 : vector<2048x64xf32>
    %swap3A = arith.constant 0 : index
    %swap3A_25 = arith.constant 0 : index
    %swap3A_26 = vector.load %arg5[%swap3A, %swap3A_25] : memref<2048x64xf32, #tpu.memory_space<vmem>>, vector<2048x64xf32>
    tpu.vector_store %arg5[%swap3A, %swap3A_25], %max3A_24 {strides = array<i32>} : memref<2048x64xf32, #tpu.memory_space<vmem>>, vector<2048x64xf32>,
    return
  }
  func.func @transform_0(%arg0: i32) -> (i32, i32) {
    %c0_i32 = arith.constant 0 : i32
    %c0_i32_0 = arith.constant 0 : i32
    return %arg0, %c0_i32 : i32, i32
  }
  func.func @transform_1(%arg0: i32) -> (i32, i32) {
    %c0_i32 = arith.constant 0 : i32
    %c0_i32_0 = arith.constant 0 : i32
    return %arg0, %c0_i32 : i32, i32
  }
  func.func @transform_2(%arg0: i32) -> (i32, i32) {
    %c0_i32 = arith.constant 0 : i32
    %c0_i32_0 = arith.constant 0 : i32
    %c0_i32_1 = arith.constant 0 : i32
    return %c0_i32, %c0_i32_0 : i32, i32
  }
  func.func @transform_3(%arg0: i32) -> (i32, i32) {
    %c0_i32 = arith.constant 0 : i32
    %c0_i32_0 = arith.constant 0 : i32
    %c0_i32_1 = arith.constant 0 : i32
    return %c0_i32, %c0_i32_0 : i32, i32
  }
  func.func @transform_4(%arg0: i32) -> (i32, i32) {
    %c0_i32 = arith.constant 0 : i32
    %c0_i32_0 = arith.constant 0 : i32
    return %arg0, %c0_i32 : i32, i32
  }
}

</mosaic_0001>

<sc_bundles>
// kernel: kernel.5.cloned.1.call-start
scs
__scs_entry_jumppad:
0x0: {  	(pc) =	sbr.rel $0x88, $3  }
0x1: {  	(tag) =	ssettag $0x0;
	lr =	simm.s32 $0x1  }
0x2: {  	[smem:$0x3F9D] =	sst lr;
	_ =	strace $0xD0000000  }
0x3: {  	_ = 	snop  }
0x4: {  	_ = 	snop  }
0x5: {  	_ = 	snop  }
0x6: {  	_ = 	snop  }
0x7: {  	_ = 	snop  }
__scs_overlays_trampoline_lowered:
0x8: {  	[smem:$0x3FAC] =	sst s0  }
0x9: {  	[smem:$0x3FAD] =	sst s1  }
0xa: {  	[smem:$0x3FAE] =	sst s2  }
0xb: {  	[smem:$0x3FAF] =	sst s3  }
0xc: {  	[smem:$0x3FB0] =	sst s4  }
0xd: {  	[smem:$0x3FB1] =	sst s5  }
0xe: {  	[smem:$0x3FB2] =	sst s6  }
0xf: {  	[smem:$0x3FB3] =	sst s7  }
0x10: {  	[smem:$0x3FB4] =	sst s8  }
0x11: {  	[smem:$0x3FB5] =	sst s9;
	s0 =	simm.s32 @!p0 $0x0  }
0x12: {  	s1 =	sld [smem:$0x3F9B];
	s0 =	simm.s32 @p0 $0x1  }
0x13: {  	[smem:$0x3FB6] =	sst s0;
	s0 =	simm.s32 @!p1 $0x0  }
0x14: {  	s2 =	sld [smem:$0x3F9A];
	s0 =	simm.s32 @p1 $0x1  }
0x15: {  	[smem:$0x3FB7] =	sst s0;
	s0 =	simm.s32 @!p2 $0x0  }
0x16: {  	s3 =	sld [smem:$0x3FDB];
	s0 =	simm.s32 @p2 $0x1  }
0x17: {  	s4 =	simm.s32 $0x1BF5;
	[smem:$0x3FB9] =	sst s0  }
0x18: {  	s0 =	sld [smem:$0x3F9C];
	_ =	swait.ge [sflag:s4], $0x0  }
0x19: {  	s7 =	sld [smem:$0x3F9D]  }
0x1a: {  	s8 =	sadd.s32 $0xFFFFE003, lr  }
0x1b: {  	s9 =	sadd.s32 $0xFFFFFEF7, lr;
	s5 =	simm.s32 $0xFFFFFFFF;
	p2 =	slt.u32 s8, $0xFFFFF086  }
0x1c: {  	p1 =	slt.u32 s9, $0xF7A;
	s5 =	simm.s32 @!p2 $0x0  }
0x1d: {  	s5 =	simm.s32 @p1 $0x1;
	p0 =	seq.s32 s7, s2  }
0x1e: {  	s7 =	smul.u32 @!p0 $0xF7A, s2;
	p2 =	seq.s32 @!p0 s5, $0x0  }
0x1f: {  	s9 =	smul.u32 $0xF7A, s1;
	s8 =	simm.s32 @!p0 $0x1BF5;
	p2 =	por !p2, p0  }
0x20: {  	[sflag:s8] =	ssyncset.s32 @!p0 $0xFFFFF086;
	s6 =	sadd.s32 @!p0 s3, s7;
	s7 =	simm.s32 @!p0 $0x108  }
0x21: {  	s3 =	sadd.s32 s3, s9;
	s6 =	sadd.s32 @!p0 $0x88, s6;
	s7 =	simm.s32 @p2 $0x1082  }
0x22: {  	[simem:s7], [sflag:s8] =	dma.local @!p0 [hbm:s6], $0xF7A  }
0x23: {  	s9 =	sor.u32 $0xD0000000, s2;
	s6 =	simm.s32 $0x108;
	_ =	swait.ge @!p0 [sflag:s8], $0x0  }
0x24: {  	s3 =	sadd.s32 $0x88, s3;
	s6 =	simm.s32 @!p1 $0x1082;
	[sflag:s4] =	ssyncset.s32 $0xFFFFF086  }
0x25: {  	[simem:s6], [sflag:s4] =	dma.local [hbm:s3], $0xF7A  }
0x26: {  	[smem:$0x3F9D] =	sst s1;
	(tag) =	ssettag s2;
	_ =	strace s9  }
0x27: {  	s1 =	sld [smem:$0x3FAD]  }
0x28: {  	s2 =	sld [smem:$0x3FAE]  }
0x29: {  	s4 =	sld [smem:$0x3FB0]  }
0x2a: {  	p0 =	seq.s32 s5, $0x0;
	s5 =	sld [smem:$0x3FB1]  }
0x2b: {  	s6 =	sld [smem:$0x3FB2]  }
0x2c: {  	s7 =	sld [smem:$0x3FB3]  }
0x2d: {  	s3 =	simm.s32 $0x108;
	s8 =	sld [smem:$0x3FB4]  }
0x2e: {  	s3 =	simm.s32 @!p0 $0x1082;
	s9 =	sld [smem:$0x3FB5]  }
0x2f: {  	lr =	sadd.s32 s0, s3;
	s0 =	sld [smem:$0x3FAC]  }
0x30: {  	s3 =	sld [smem:$0x3FAF]  }
0x31: {  	[smem:$0x3FB8] =	sst s10  }
0x32: {  	s10 =	sld [smem:$0x3FB6];
	_ =	sdelay $0x3  }
0x33: {  	p0 =	seq.s32 s10, $0x1;
	s10 =	sld [smem:$0x3FB8];
	_ =	sdelay $0x3  }
0x34: {  	[smem:$0x3FB8] =	sst s10  }
0x35: {  	s10 =	sld [smem:$0x3FB7];
	_ =	sdelay $0x3  }
0x36: {  	p1 =	seq.s32 s10, $0x1;
	s10 =	sld [smem:$0x3FB8];
	_ =	sdelay $0x3  }
0x37: {  	[smem:$0x3FB8] =	sst s10  }
0x38: {  	s10 =	sld [smem:$0x3FB9]  }
0x39: {  	_ = 	snop;
	(pc) =	sbr.ind lr, $3  }
0x3a: {  	_ = 	snop  }
0x3b: {  	_ = 	snop  }
0x3c: {  	p2 =	seq.s32 s10, $0x1;
	s10 =	sld [smem:$0x3FB8]  }
0x3d: {  	_ =	shalt  }
0x3e: {  	_ =	shalt  }
0x3f: {  	_ =	shalt  }
0x40: {  	_ =	shalt  }
0x41: {  	_ =	shalt  }
0x42: {  	_ =	shalt  }
0x43: {  	_ =	shalt  }
0x44: {  	_ =	shalt  }
0x45: {  	_ =	shalt  }
0x46: {  	_ =	shalt  }
0x47: {  	_ =	shalt  }
0x48: {  	_ =	shalt  }
0x49: {  	_ =	shalt  }
0x4a: {  	_ =	shalt  }
0x4b: {  	_ =	shalt  }
0x4c: {  	_ =	shalt  }
0x4d: {  	_ =	shalt  }
0x4e: {  	_ =	shalt  }
0x4f: {  	_ =	shalt  }
0x50: {  	_ =	shalt  }
0x51: {  	_ =	shalt  }
0x52: {  	_ =	shalt  }
0x53: {  	_ =	shalt  }
0x54: {  	_ =	shalt  }
0x55: {  	_ =	shalt  }
0x56: {  	_ =	shalt  }
0x57: {  	_ =	shalt  }
0x58: {  	_ =	shalt  }
0x59: {  	_ =	shalt  }
0x5a: {  	_ =	shalt  }
0x5b: {  	_ =	shalt  }
0x5c: {  	_ =	shalt  }
0x5d: {  	_ =	shalt  }
0x5e: {  	_ =	shalt  }
0x5f: {  	_ =	shalt  }
0x60: {  	_ =	shalt  }
0x61: {  	_ =	shalt  }
0x62: {  	_ =	shalt  }
0x63: {  	_ =	shalt  }
0x64: {  	_ =	shalt  }
0x65: {  	_ =	shalt  }
0x66: {  	_ =	shalt  }
0x67: {  	_ =	shalt  }
0x68: {  	_ =	shalt  }
0x69: {  	_ =	shalt  }
0x6a: {  	_ =	shalt  }
0x6b: {  	_ =	shalt  }
0x6c: {  	_ =	shalt  }
0x6d: {  	_ =	shalt  }
0x6e: {  	_ =	shalt  }
0x6f: {  	_ =	shalt  }
0x70: {  	_ =	shalt  }
0x71: {  	_ =	shalt  }
0x72: {  	_ =	shalt  }
0x73: {  	_ =	shalt  }
0x74: {  	_ =	shalt  }
0x75: {  	_ =	shalt  }
0x76: {  	_ =	shalt  }
0x77: {  	_ =	shalt  }
0x78: {  	_ =	shalt  }
0x79: {  	_ =	shalt  }
0x7a: {  	_ =	shalt  }
0x7b: {  	_ =	shalt  }
0x7c: {  	_ =	shalt  }
0x7d: {  	_ =	shalt  }
0x7e: {  	_ =	shalt  }
0x7f: {  	_ =	shalt  }
0x80: {  	_ =	shalt  }
0x81: {  	_ =	shalt  }
0x82: {  	_ =	shalt  }
0x83: {  	_ =	shalt  }
0x84: {  	_ =	shalt  }
0x85: {  	_ =	shalt  }
0x86: {  	_ =	shalt  }
0x87: {  	_ =	shalt  }
.Lfunc_end0:
.L_simem_size_0:
called_computation_lowered:
.L_overlay_start_0:
0x88: {  	s2 =	sld [smem:$0x3FD9]  }
0x89: {  	s3 =	sld [smem:$0x3FFE];
	_ =	sdelay $0x1  }
0x8a: {  	s1 =	srdreg.scid  }
0x8b: {  	s0 =	sand.u32 $0x1, s1  }
0x8c: {  	s17 =	sshll.u32 s0, $0xA;
	s2 =	sadd.s32 s3, s2  }
0x8d: {  	s2 =	sadd.s32 s2, s17  }
0x8e: {  	[smem:$0x3FC4] =	sst s2  }
0x8f: {  	_ = 	snop  }
0x90: {  	s2 =	sld [smem:$0x3FD0];
	(tm) =	ssettm $0x1  }
0x91: {  	s18 =	sld [smem:$0x3FFB];
	_ =	sdelay $0x3  }
0x92: {  	_ =	strace s18  }
0x93: {  	s3 =	sld [smem:$0x3FFC];
	_ =	sdelay $0x3  }
0x94: {  	_ =	strace s3  }
0x95: {  	s3 =	sld [smem:$0x3FFD];
	_ =	sdelay $0x3  }
0x96: {  	_ =	strace s3  }
0x97: {  	_ =	strace $0x8FFFFFFF  }
0x98: {  	s19 =	sld [smem:$0x3FDB];
	_ =	sdelay $0x1  }
0x99: {  	s4 =	simm.s32 $_scs_section_size  }
0x9a: {  	s5 =	simm.s32 $_size__tile_overlayer_lowered;
	s6 =	simm.s32 $_tile_overlayer_lowered  }
0x9b: {  	s22 =	simm.s32 $0x1BFF;
	s21 =	sshll.u32 s6, $0x1;
	s3 =	sadd.s32 s4, s19  }
0x9c: {  	s7 =	simm.s32 $0x0;
	s20 =	sshll.u32 s5, $0x1;
	s5 =	sadd.s32 s21, s3  }
0x9d: {  	[timem:s7], [sflag:s22] =	dma.local [hbm:s5], s20  }
0x9e: {  	_ =	swait.ge [sflag:s22], s20  }
0x9f: {  	s4 =	ssub.s32 $0x0, s20;
	[sflag:s22] =	ssyncset.done $0x0  }
0xa0: {  	[sflag:s22] =	ssyncadd.s32 s4;
	_ =	sdelay $0x1  }
0xa1: {  	s23 =	simm.s32 $0x1B8B  }
0xa2: {  	_ =	swait.ge [sflag:s23], $0x1  }
0xa3: {  	[sflag:s23] =	ssyncset.done $0x0  }
0xa4: {  	s25 =	simm.s32 $0x1B8E;
	s24 =	sld [smem:$0x3FFE];
	[sflag:s23] =	ssyncadd.s32 $0xFFFFFFFF  }
0xa5: {  	s26 =	simm.s32 $execute0_lowered;
	[smem:$0x3FD2] =	sst s25  }
0xa6: {  	s5 =	sshll.u32 s26, $0x1;
	_ =	strace $0x80000046;
	[dreg:$0x1] =	wrdreg $0xFFFFFFFF  }
0xa7: {  	s28 =	simm.s32 $_size_execute0_lowered;
	s3 =	sadd.s32 s3, s5;
	[dreg:$0x0] =	wrdreg $0x0  }
0xa8: {  	s5 =	sshll.u32 s28, $0x1;
	[dreg:$0x2] =	wrdreg s3  }
0xa9: {  	[dreg:$0x3] =	wrdreg s5  }
0xaa: {  	[dreg:$0x4] =	wrdreg $0xC0  }
0xab: {  	_ =	task [dreg:s7], $0x5FFFF  }
0xac: {  	[dreg:$0x1] =	wrdreg $0xFFFFFFFF  }
0xad: {  	[dreg:$0x0] =	wrdreg $0x60  }
0xae: {  	[dreg:$0x2] =	wrdreg s24  }
0xaf: {  	[dreg:$0x3] =	wrdreg s2  }
0xb0: {  	[dreg:$0x4] =	wrdreg $0x9  }
0xb1: {  	_ =	task.clear_ibuf [dreg:s7], $0x5FFFF;
	_ =	strace $0x90000046  }
0xb2: {  	s29 =	simm.s32 $0x9;
	_ =	strace $0x80000048  }
0xb3: {  	_ =	swait.ge [sflag:s29], $0x1  }
0xb4: {  	[sflag:s29] =	ssyncadd.s32 $0xFFFFFFFF  }
0xb5: {  	_ =	strace $0x90000048  }
0xb6: {  	_ =	sfence  }
0xb7: {  	s30 =	sld [smem:$0x0];
	_ =	sdelay $0x2  }
0xb8: {  	s31 =	sshll.u32 s1, $0xD;
	s1 =	sshrl.u32 s1, $0x2  }
0xb9: {  	s3 =	sand.u32 $0x4000, s31;
	s1 =	sadd.s32 s1, s30  }
0xba: {  	s0 =	sor.u32 s3, s0;
	s1 =	sshll.u32 s1, $0x11  }
0xbb: {  	s0 =	sor.u32 s1, s0  }
0xbc: {  	s0 =	sadd.s32 $0x8F2B, s0  }
0xbd: {  	[sflag:s0] =	ssyncadd.remote.s32 $0x1  }
0xbe: {  	_ =	sfence.sel $0xFFFF  }
0xbf: {  	[dreg:$0x0] =	wrdreg $0xFFFFFFFF;
	(pc) =	sbr.abs _section_cstart, $3  }
0xc0: {  	[dreg:$0x1] =	wrdreg $0xFFFFFFFF  }
0xc1: {  	_ =	task.clear_ibuf [dreg:s7], $0x2FFFF;
	_ =	strace $0x9FFFFFFF  }
0xc2: {  	(tm) =	ssettm $0x7FFFFFFF  }
0xc3: {  	_ =	shalt  }
tec
execute0_lowered:
.L_overlay_start_1:
0x0: {  	(tag) =	ssettag $0x1  }
0x1: {  	s4 =	rddreg [dreg:$0x0];
	s1 =	srdreg.scid  }
0x2: {  	s0 =	stileid.u32;
	s2 =	rddreg [dreg:$0x1];
	s3 =	simm.s32 $0x0  }
0x3: {  	s9 =	simm.s32 $0x190;
	s10 =	simm.s32 $0x7D00;
	s11 =	simm.s32 $0xE100  }
0x4: {  	s12 =	simm.s32 $0x1;
	s13 =	simm.s32 $0x14500;
	s14 =	simm.s32 $0x2  }
0x5: {  	s15 =	simm.s32 $0x14700;
	s5 =	sand.u32 $0x1, s1;
	s6 =	sshll.u32 s0, $0x1  }
0x6: {  	s16 =	simm.s32 $0x0;
	s1 =	rddreg [dreg:$0x2];
	s6 =	sor.u32 s5, s6  }
0x7: {  	[smem:$0x7FF] =	sst s3;
	s5 =	ssub.s32 $0x2, s5;
	s7 =	smul.u32 $0xFA0, s6  }
0x8: {  	_ =	strace $0x80000047;
	s8 =	sshrl.u32 s5, $0x1;
	s6 =	smul.u32 $0xA000, s6  }
0x9: {  	s8 =	ssub.s32 s5, s8;
	s7 =	sadd.s32 s7, s4;
	s4 =	sadd.s32 $0x7FE00, s4  }
0xa: {  	s5 =	sadd.s32 $0x60A00, s7;
	s7 =	smax.u32 s8, $0x1;
	s8 =	simm.s32 $0x3  }
.LBB2_1:
0xb: {  	[tilespmem:s3], [sflag:$0x3] =	stream.linear.gather [hbm4b:s5+s3], $0x7D00, $0x38;
	[tilespmem:$0x14900] =	vst v63  }
0xc: {  	_ =	swait.ge [sflag:s8], $0x7D00  }
0xd: {  	[sflag:s8] =	ssyncset.done $0x0  }
0xe: {  	s17 =	simm.s32 $0x0;
	[sflag:s8] =	ssyncadd.s32 $0xFFFF8300  }
0xf: {  	[tilespmem:s10], [sflag:$0x1] =	stream.indirect.gather [hbm4b:s4+s9], $0x40, s3, s9, $0xb8;
	[tilespmem:$0x14900] =	vst v63  }
.LBB2_2:
0x10: {  	s18 =	sshllo.u32 s17, $0x1  }
0x11: {  	s19 =	smul.u32 $0x640, s18;
	_ =	sdelay $0x1  }
0x12: {  	s19 =	sshra.s32 s19, $0x2  }
0x13: {  	[tilespmem:s11], [sflag:$0x2] =	stream.indirect.gather [hbm4b:s4+s9], $0x40, s19, s9, $0xb8;
	[tilespmem:$0x14900] =	vst v63  }
0x14: {  	_ =	swait.ge [sflag:s12], $0x6400  }
0x15: {  	[sflag:s12] =	ssyncset.done $0x0  }
0x16: {  	s20 =	sshll.u32 s17, $0x1;
	s19 =	simm.s32 $0x0;
	[sflag:s12] =	ssyncadd.s32 $0xFFFF9C00  }
.LBB2_3:
0x17: {  	s21 =	smul.u32 $0x3200, s19;
	_ =	sdelay $0x1  }
0x18: {  	s21 =	sshra.s32 s21, $0x2  }
0x19: {  	v56 =	vld [tilespmem:s21+$0x80F0];
	_ =	sdelay $0x4  }
0x1a: {  	[tilespmem:$0x1FD80] =	vst v56;
	v56 =	vld [tilespmem:s21+$0x8110];
	_ =	sdelay $0x4  }
0x1b: {  	[tilespmem:$0x1FD90] =	vst v56;
	v56 =	vld [tilespmem:s21+$0x8120];
	_ =	sdelay $0x1  }
0x1c: {  	v3 =	vld [tilespmem:s21+$0x7D00]  }
0x1d: {  	v4 =	vld [tilespmem:s21+$0x7D10]  }
0x1e: {  	v5 =	vld [tilespmem:s21+$0x7D20]  }
0x1f: {  	[tilespmem:$0x1FDA0] =	vst v56;
	v56 =	vld [tilespmem:s21+$0x8130]  }
0x20: {  	v16 =	vld [tilespmem:s21+$0x7D30]  }
0x21: {  	v17 =	vld [tilespmem:s21+$0x7D40]  }
0x22: {  	v20 =	vld [tilespmem:s21+$0x7D50]  }
0x23: {  	v21 =	vld [tilespmem:s21+$0x7D60]  }
0x24: {  	[tilespmem:$0x1FDC0] =	vst v56;
	v56 =	vld [tilespmem:s21+$0x8140]  }
0x25: {  	v32 =	vld [tilespmem:s21+$0x7D70]  }
0x26: {  	v33 =	vld [tilespmem:s21+$0x7D80]  }
0x27: {  	v36 =	vld [tilespmem:s21+$0x7D90]  }
0x28: {  	v37 =	vld [tilespmem:s21+$0x7DA0]  }
0x29: {  	[tilespmem:$0x1FDB0] =	vst v56;
	v56 =	vld [tilespmem:s21+$0x8150]  }
0x2a: {  	v48 =	vld [tilespmem:s21+$0x7DB0]  }
0x2b: {  	v49 =	vld [tilespmem:s21+$0x7DC0]  }
0x2c: {  	v52 =	vld [tilespmem:s21+$0x7DD0]  }
0x2d: {  	v53 =	vld [tilespmem:s21+$0x7DE0]  }
0x2e: {  	[tilespmem:$0x1FDD0] =	vst v56;
	v56 =	vld [tilespmem:s21+$0x8160]  }
0x2f: {  	v62 =	vld [tilespmem:s21+$0x7DF0]  }
0x30: {  	v63 =	vld [tilespmem:s21+$0x7E00]  }
0x31: {  	v0 =	vld [tilespmem:s21+$0x7E10]  }
0x32: {  	v2 =	vld [tilespmem:s21+$0x7E20]  }
0x33: {  	[tilespmem:$0x1FDE0] =	vst v56;
	v56 =	vld [tilespmem:s21+$0x8170]  }
0x34: {  	v9 =	vld [tilespmem:s21+$0x7E30]  }
0x35: {  	v1 =	vld [tilespmem:s21+$0x7E40]  }
0x36: {  	v6 =	vld [tilespmem:s21+$0x7E50]  }
0x37: {  	v8 =	vld [tilespmem:s21+$0x7E60]  }
0x38: {  	[tilespmem:$0x1FE00] =	vst v56;
	v56 =	vld [tilespmem:s21+$0x8180]  }
0x39: {  	v13 =	vld [tilespmem:s21+$0x7E70]  }
0x3a: {  	v7 =	vld [tilespmem:s21+$0x7E80]  }
0x3b: {  	v10 =	vld [tilespmem:s21+$0x7E90]  }
0x3c: {  	v12 =	vld [tilespmem:s21+$0x7EA0]  }
0x3d: {  	[tilespmem:$0x1FDF0] =	vst v56;
	v56 =	vld [tilespmem:s21+$0x8190]  }
0x3e: {  	v19 =	vld [tilespmem:s21+$0x7EB0]  }
0x3f: {  	v11 =	vld [tilespmem:s21+$0x7EC0]  }
0x40: {  	v14 =	vld [tilespmem:s21+$0x7ED0]  }
0x41: {  	v18 =	vld [tilespmem:s21+$0x7EE0]  }
0x42: {  	[tilespmem:$0x1FE10] =	vst v56;
	v56 =	vld [tilespmem:s21+$0x81A0]  }
0x43: {  	v25 =	vld [tilespmem:s21+$0x7EF0]  }
0x44: {  	v15 =	vld [tilespmem:s21+$0x7F00]  }
0x45: {  	v22 =	vld [tilespmem:s21+$0x7F10]  }
0x46: {  	v24 =	vld [tilespmem:s21+$0x7F20]  }
0x47: {  	[tilespmem:$0x1FE20] =	vst v56;
	v56 =	vld [tilespmem:s21+$0x81B0]  }
0x48: {  	v29 =	vld [tilespmem:s21+$0x7F30]  }
0x49: {  	v23 =	vld [tilespmem:s21+$0x7F40]  }
0x4a: {  	v26 =	vld [tilespmem:s21+$0x7F50]  }
0x4b: {  	v28 =	vld [tilespmem:s21+$0x7F60]  }
0x4c: {  	[tilespmem:$0x1FE40] =	vst v56;
	v56 =	vld [tilespmem:s21+$0x81C0]  }
0x4d: {  	v35 =	vld [tilespmem:s21+$0x7F70]  }
0x4e: {  	v27 =	vld [tilespmem:s21+$0x7F80]  }
0x4f: {  	v30 =	vld [tilespmem:s21+$0x7F90]  }
0x50: {  	v34 =	vld [tilespmem:s21+$0x7FA0]  }
0x51: {  	[tilespmem:$0x1FE30] =	vst v56;
	v56 =	vld [tilespmem:s21+$0x81D0]  }
0x52: {  	v41 =	vld [tilespmem:s21+$0x7FB0]  }
0x53: {  	v31 =	vld [tilespmem:s21+$0x7FC0]  }
0x54: {  	v38 =	vld [tilespmem:s21+$0x7FD0]  }
0x55: {  	v40 =	vld [tilespmem:s21+$0x7FE0]  }
0x56: {  	[tilespmem:$0x1FE50] =	vst v56;
	v56 =	vld [tilespmem:s21+$0x81E0]  }
0x57: {  	v45 =	vld [tilespmem:s21+$0x7FF0]  }
0x58: {  	v39 =	vld [tilespmem:s21+$0x8000]  }
0x59: {  	v42 =	vld [tilespmem:s21+$0x8010]  }
0x5a: {  	v44 =	vld [tilespmem:s21+$0x8020]  }
0x5b: {  	[tilespmem:$0x1FE60] =	vst v56;
	v56 =	vld [tilespmem:s21+$0x81F0]  }
0x5c: {  	v51 =	vld [tilespmem:s21+$0x8030]  }
0x5d: {  	v43 =	vld [tilespmem:s21+$0x8040]  }
0x5e: {  	v46 =	vld [tilespmem:s21+$0x8050]  }
0x5f: {  	v50 =	vld [tilespmem:s21+$0x8060]  }
0x60: {  	[tilespmem:$0x1FE80] =	vst v56;
	v56 =	vld [tilespmem:s21+$0x8200]  }
0x61: {  	v60 =	vld [tilespmem:s21+$0x8070]  }
0x62: {  	v47 =	vld [tilespmem:s21+$0x8080]  }
0x63: {  	v54 =	vld [tilespmem:s21+$0x8090]  }
0x64: {  	v61 =	vld [tilespmem:s21+$0x80A0]  }
0x65: {  	[tilespmem:$0x1FE70] =	vst v56;
	v56 =	vld [tilespmem:s21+$0x8210]  }
0x66: {  	v55 =	vld [tilespmem:s21+$0x80B0]  }
0x67: {  	v58 =	vld [tilespmem:s21+$0x80D0]  }
0x68: {  	v57 =	vld [tilespmem:s21+$0x80E0]  }
0x69: {  	v59 =	vld [tilespmem:s21+$0x8100]  }
0x6a: {  	[tilespmem:$0x1FE90] =	vst v56;
	v56 =	vld [tilespmem:s21+$0x8220]  }
0x6b: {  	[tilespmem:$0x1FD70] =	vst v55;
	v55 =	vld [tilespmem:s21+$0x80C0]  }
0x6c: {  	v17 =	vadd.f32 v17, v3;
	v3 =	vld [tilespmem:s21+$0x8390]  }
0x6d: {  	v20 =	vadd.f32 v20, v4;
	v4 =	vld [tilespmem:s21+$0x83A0]  }
0x6e: {  	v21 =	vadd.f32 v21, v5;
	v5 =	vld [tilespmem:s21+$0x83B0]  }
0x6f: {  	v17 =	vadd.f32 v33, v17;
	[tilespmem:$0x1FEA0] =	vst v56;
	v56 =	vld [tilespmem:s21+$0x8230]  }
0x70: {  	v32 =	vadd.f32 v32, v16;
	v16 =	vld [tilespmem:s21+$0x83C0];
	v20 =	vadd.f32 v36, v20  }
0x71: {  	v21 =	vadd.f32 v37, v21;
	v33 =	vadd.f32 v49, v17;
	v17 =	vld [tilespmem:s21+$0x83D0]  }
0x72: {  	v36 =	vadd.f32 v52, v20;
	v20 =	vld [tilespmem:s21+$0x83E0]  }
0x73: {  	v32 =	vadd.f32 v48, v32;
	v37 =	vadd.f32 v53, v21;
	v21 =	vld [tilespmem:s21+$0x83F0]  }
0x74: {  	[tilespmem:$0x1FEC0] =	vst v56;
	v56 =	vld [tilespmem:s21+$0x8240]  }
0x75: {  	v48 =	vadd.f32 v62, v32;
	v32 =	vld [tilespmem:s21+$0x8400]  }
0x76: {  	v49 =	vld [tilespmem:s21+$0x8450]  }
0x77: {  	v52 =	vld [tilespmem:s21+$0x8460]  }
0x78: {  	v0 =	vadd.f32 v0, v36;
	v36 =	vld [tilespmem:s21+$0x8420]  }
0x79: {  	[tilespmem:$0x1FEB0] =	vst v56;
	v56 =	vld [tilespmem:s21+$0x8250]  }
0x7a: {  	v33 =	vadd.f32 v63, v33;
	v2 =	vadd.f32 v2, v37;
	v37 =	vld [tilespmem:s21+$0x8430]  }
0x7b: {  	v9 =	vadd.f32 v9, v48;
	v48 =	vld [tilespmem:s21+$0x8440]  }
0x7c: {  	v1 =	vadd.f32 v1, v33;
	v33 =	vld [tilespmem:s21+$0x8410]  }
0x7d: {  	v2 =	vadd.f32 v8, v2;
	v8 =	vld [tilespmem:s21+$0x8490]  }
0x7e: {  	[tilespmem:$0x1FED0] =	vst v56;
	v56 =	vld [tilespmem:s21+$0x8260]  }
0x7f: {  	v53 =	vadd.f32 v13, v9;
	v9 =	vld [tilespmem:s21+$0x84A0]  }
0x80: {  	v13 =	vld [tilespmem:s21+$0x84E0]  }
0x81: {  	v0 =	vadd.f32 v6, v0;
	v6 =	vadd.f32 v19, v53;
	v53 =	vld [tilespmem:s21+$0x8470]  }
0x82: {  	v1 =	vadd.f32 v7, v1;
	v7 =	vld [tilespmem:s21+$0x8480]  }
0x83: {  	[tilespmem:$0x1FEE0] =	vst v56;
	v56 =	vld [tilespmem:s21+$0x8270]  }
0x84: {  	v0 =	vadd.f32 v10, v0;
	v10 =	vld [tilespmem:s21+$0x84B0]  }
0x85: {  	v2 =	vadd.f32 v12, v2;
	v12 =	vld [tilespmem:s21+$0x84D0]  }
0x86: {  	v19 =	vld [tilespmem:s21+$0x8520]  }
0x87: {  	v1 =	vadd.f32 v11, v1;
	v11 =	vld [tilespmem:s21+$0x84C0]  }
0x88: {  	[tilespmem:$0x1FF00] =	vst v56;
	v56 =	vld [tilespmem:s21+$0x8280]  }
0x89: {  	v0 =	vadd.f32 v14, v0;
	v14 =	vld [tilespmem:s21+$0x84F0]  }
0x8a: {  	v2 =	vadd.f32 v18, v2;
	v18 =	vld [tilespmem:s21+$0x8510]  }
0x8b: {  	v6 =	vadd.f32 v25, v6;
	v25 =	vld [tilespmem:s21+$0x8560]  }
0x8c: {  	v1 =	vadd.f32 v15, v1;
	v15 =	vld [tilespmem:s21+$0x8500]  }
0x8d: {  	[tilespmem:$0x1FEF0] =	vst v56;
	v56 =	vld [tilespmem:s21+$0x8290]  }
0x8e: {  	v0 =	vadd.f32 v22, v0;
	v22 =	vld [tilespmem:s21+$0x8530]  }
0x8f: {  	v2 =	vadd.f32 v24, v2;
	v24 =	vld [tilespmem:s21+$0x8550]  }
0x90: {  	v6 =	vadd.f32 v29, v6;
	v29 =	vld [tilespmem:s21+$0x85A0]  }
0x91: {  	v1 =	vadd.f32 v23, v1;
	v2 =	vadd.f32 v28, v2;
	v23 =	vld [tilespmem:s21+$0x8540]  }
0x92: {  	v0 =	vadd.f32 v26, v0;
	v6 =	vadd.f32 v35, v6;
	[tilespmem:$0x1FF10] =	vst v56;
	v56 =	vld [tilespmem:s21+$0x82A0]  }
0x93: {  	v26 =	vld [tilespmem:s21+$0x8570];
	v1 =	vadd.f32 v27, v1;
	v2 =	vadd.f32 v34, v2  }
0x94: {  	v28 =	vld [tilespmem:s21+$0x8590];
	v0 =	vadd.f32 v30, v0;
	v6 =	vadd.f32 v41, v6  }
0x95: {  	v62 =	vld [tilespmem:$0x1FDC0];
	v1 =	vadd.f32 v31, v1;
	v2 =	vadd.f32 v40, v2  }
0x96: {  	v27 =	vld [tilespmem:s21+$0x8580];
	v0 =	vadd.f32 v38, v0;
	v6 =	vadd.f32 v45, v6  }
0x97: {  	v1 =	vadd.f32 v39, v1;
	v2 =	vadd.f32 v44, v2;
	[tilespmem:$0x1FF20] =	vst v56;
	v56 =	vld [tilespmem:s21+$0x82B0]  }
0x98: {  	v30 =	vld [tilespmem:s21+$0x85B0];
	v0 =	vadd.f32 v42, v0;
	v6 =	vadd.f32 v51, v6  }
0x99: {  	v31 =	vld [tilespmem:s21+$0x85C0];
	v1 =	vadd.f32 v43, v1;
	v2 =	vadd.f32 v50, v2  }
0x9a: {  	v0 =	vadd.f32 v46, v0;
	v6 =	vadd.f32 v60, v6;
	v60 =	vld [tilespmem:$0x1FDA0]  }
0x9b: {  	v1 =	vadd.f32 v47, v1;
	v2 =	vadd.f32 v61, v2;
	v61 =	vld [tilespmem:$0x1FDB0]  }
0x9c: {  	[tilespmem:$0x1FF40] =	vst v56;
	v56 =	vld [tilespmem:s21+$0x82C0]  }
0x9d: {  	v0 =	vadd.f32 v54, v0;
	v1 =	vadd.f32 v55, v1;
	v55 =	vld [tilespmem:$0x1FD70]  }
0x9e: {  	v63 =	vld [tilespmem:$0x1FDD0]  }
0x9f: {  	v0 =	vadd.f32 v58, v0;
	v58 =	vld [tilespmem:$0x1FD80]  }
0xa0: {  	v34 =	vld [tilespmem:$0x1FDE0]  }
0xa1: {  	v2 =	vadd.f32 v57, v2;
	[tilespmem:$0x1FF30] =	vst v56;
	v56 =	vld [tilespmem:s21+$0x82D0]  }
0xa2: {  	v1 =	vadd.f32 v59, v1;
	v59 =	vld [tilespmem:$0x1FD90];
	v6 =	vadd.f32 v55, v6  }
0xa3: {  	v2 =	vadd.f32 v60, v2;
	v38 =	vld [tilespmem:$0x1FE00]  }
0xa4: {  	v6 =	vadd.f32 v58, v6;
	v35 =	vld [tilespmem:$0x1FDF0]  }
0xa5: {  	v2 =	vadd.f32 v34, v2;
	v34 =	vld [tilespmem:s21+$0x85D0]  }
0xa6: {  	v6 =	vadd.f32 v62, v6;
	[tilespmem:$0x1FF50] =	vst v56;
	v56 =	vld [tilespmem:s21+$0x82E0]  }
0xa7: {  	v1 =	vadd.f32 v61, v1;
	v39 =	vld [tilespmem:$0x1FE10]  }
0xa8: {  	v0 =	vadd.f32 v59, v0;
	v6 =	vadd.f32 v38, v6;
	v38 =	vld [tilespmem:s21+$0x85F0]  }
0xa9: {  	v1 =	vadd.f32 v35, v1;
	v35 =	vld [tilespmem:s21+$0x85E0]  }
0xaa: {  	v0 =	vadd.f32 v63, v0;
	v40 =	vld [tilespmem:$0x1FE20]  }
0xab: {  	[tilespmem:$0x1FF60] =	vst v56;
	v56 =	vld [tilespmem:s21+$0x82F0]  }
0xac: {  	v0 =	vadd.f32 v39, v0;
	v39 =	vld [tilespmem:s21+$0x8600]  }
0xad: {  	v42 =	vld [tilespmem:$0x1FE40]  }
0xae: {  	v41 =	vld [tilespmem:$0x1FE30]  }
0xaf: {  	v2 =	vadd.f32 v40, v2;
	v40 =	vld [tilespmem:s21+$0x8610]  }
0xb0: {  	[tilespmem:$0x1FF80] =	vst v56;
	v56 =	vld [tilespmem:s21+$0x8300]  }
0xb1: {  	v43 =	vld [tilespmem:$0x1FE50]  }
0xb2: {  	v6 =	vadd.f32 v42, v6;
	v42 =	vld [tilespmem:s21+$0x8630]  }
0xb3: {  	v1 =	vadd.f32 v41, v1;
	v41 =	vld [tilespmem:s21+$0x8620]  }
0xb4: {  	v44 =	vld [tilespmem:$0x1FE60]  }
0xb5: {  	[tilespmem:$0x1FF70] =	vst v56;
	v56 =	vld [tilespmem:s21+$0x8310]  }
0xb6: {  	v0 =	vadd.f32 v43, v0;
	v43 =	vld [tilespmem:s21+$0x8640]  }
0xb7: {  	v46 =	vld [tilespmem:$0x1FE80]  }
0xb8: {  	v45 =	vld [tilespmem:$0x1FE70]  }
0xb9: {  	v2 =	vadd.f32 v44, v2;
	v44 =	vld [tilespmem:s21+$0x8650]  }
0xba: {  	[tilespmem:$0x1FF90] =	vst v56;
	v56 =	vld [tilespmem:s21+$0x8320]  }
0xbb: {  	v47 =	vld [tilespmem:$0x1FE90]  }
0xbc: {  	v6 =	vadd.f32 v46, v6;
	v46 =	vld [tilespmem:s21+$0x8670]  }
0xbd: {  	v1 =	vadd.f32 v45, v1;
	v45 =	vld [tilespmem:s21+$0x8660]  }
0xbe: {  	v50 =	vld [tilespmem:$0x1FEA0]  }
0xbf: {  	[tilespmem:$0x1FFA0] =	vst v56;
	v56 =	vld [tilespmem:s21+$0x8330]  }
0xc0: {  	v0 =	vadd.f32 v47, v0;
	v47 =	vld [tilespmem:s21+$0x8680]  }
0xc1: {  	v54 =	vld [tilespmem:$0x1FEC0]  }
0xc2: {  	v51 =	vld [tilespmem:$0x1FEB0]  }
0xc3: {  	v55 =	vld [tilespmem:$0x1FED0]  }
0xc4: {  	[tilespmem:$0x1FFC0] =	vst v56;
	v56 =	vld [tilespmem:s21+$0x8340]  }
0xc5: {  	v57 =	vld [tilespmem:$0x1FEE0]  }
0xc6: {  	v59 =	vld [tilespmem:$0x1FF00]  }
0xc7: {  	v58 =	vld [tilespmem:$0x1FEF0]  }
0xc8: {  	v60 =	vld [tilespmem:$0x1FF10]  }
0xc9: {  	[tilespmem:$0x1FFB0] =	vst v56;
	v56 =	vld [tilespmem:s21+$0x8350]  }
0xca: {  	v61 =	vld [tilespmem:$0x1FF20]  }
0xcb: {  	v63 =	vld [tilespmem:$0x1FF40]  }
0xcc: {  	v62 =	vld [tilespmem:$0x1FF30]  }
0xcd: {  	v2 =	vadd.f32 v50, v2;
	v50 =	vld [tilespmem:$0x1FF50]  }
0xce: {  	[tilespmem:$0x1FFD0] =	vst v56;
	v56 =	vld [tilespmem:s21+$0x8360]  }
0xcf: {  	v1 =	vadd.f32 v51, v1;
	v51 =	vld [tilespmem:$0x1FF60]  }
0xd0: {  	v0 =	vadd.f32 v55, v0;
	v55 =	vld [tilespmem:$0x1FF80]  }
0xd1: {  	v6 =	vadd.f32 v54, v6;
	v54 =	vld [tilespmem:$0x1FF70]  }
0xd2: {  	v2 =	vadd.f32 v57, v2;
	v57 =	vld [tilespmem:$0x1FF90]  }
0xd3: {  	[tilespmem:$0x1FFE0] =	vst v56;
	v56 =	vld [tilespmem:s21+$0x8370]  }
0xd4: {  	v1 =	vadd.f32 v58, v1;
	v58 =	vld [tilespmem:$0x1FFA0]  }
0xd5: {  	v0 =	vadd.f32 v60, v0;
	v60 =	vld [tilespmem:$0x1FFC0]  }
0xd6: {  	v6 =	vadd.f32 v59, v6;
	v2 =	vadd.f32 v61, v2;
	v61 =	vld [tilespmem:$0x1FFD0]  }
0xd7: {  	v1 =	vadd.f32 v62, v1;
	v0 =	vadd.f32 v50, v0;
	v62 =	vld [tilespmem:$0x1FFE0]  }
0xd8: {  	v6 =	vadd.f32 v63, v6;
	v2 =	vadd.f32 v51, v2;
	v59 =	vld [tilespmem:$0x1FFB0];
	[tilespmem:$0x1FFF0] =	vst v56  }
0xd9: {  	v0 =	vadd.f32 v57, v0;
	v63 =	vld [tilespmem:$0x1FFF0]  }
0xda: {  	v6 =	vadd.f32 v55, v6;
	v2 =	vadd.f32 v58, v2;
	v56 =	vld [tilespmem:s21+$0x8380]  }
0xdb: {  	v50 =	vld [tilespmem:s21+$0x8690];
	v1 =	vadd.f32 v54, v1;
	v0 =	vadd.f32 v61, v0  }
0xdc: {  	v51 =	vld [tilespmem:s21+$0x86A0];
	v6 =	vadd.f32 v60, v6;
	v2 =	vadd.f32 v62, v2  }
0xdd: {  	v55 =	vld [tilespmem:s21+$0x8730];
	v1 =	vadd.f32 v59, v1;
	v0 =	vadd.f32 v3, v0  }
0xde: {  	v54 =	vld [tilespmem:s21+$0x86B0];
	v2 =	vadd.f32 v4, v2;
	v6 =	vadd.f32 v63, v6  }
0xdf: {  	v57 =	vld [tilespmem:s21+$0x8750];
	v0 =	vadd.f32 v17, v0;
	v1 =	vadd.f32 v56, v1  }
0xe0: {  	v58 =	vld [tilespmem:s21+$0x8760];
	v2 =	vadd.f32 v20, v2;
	v5 =	vadd.f32 v5, v6  }
0xe1: {  	v60 =	vld [tilespmem:s21+$0x8780];
	v0 =	vadd.f32 v33, v0;
	v1 =	vadd.f32 v16, v1  }
0xe2: {  	v59 =	vld [tilespmem:s21+$0x8770];
	v2 =	vadd.f32 v36, v2;
	v5 =	vadd.f32 v21, v5  }
0xe3: {  	v61 =	vld [tilespmem:s21+$0x8790];
	v0 =	vadd.f32 v49, v0;
	v1 =	vadd.f32 v32, v1  }
0xe4: {  	v3 =	vld [tilespmem:s21+$0x86C0];
	v2 =	vadd.f32 v52, v2;
	v5 =	vadd.f32 v37, v5  }
0xe5: {  	v17 =	vld [tilespmem:s21+$0x8700];
	v0 =	vadd.f32 v8, v0;
	v1 =	vadd.f32 v48, v1  }
0xe6: {  	v62 =	vld [tilespmem:s21+$0x87A0];
	v2 =	vadd.f32 v9, v2;
	v5 =	vadd.f32 v53, v5  }
0xe7: {  	v33 =	vld [tilespmem:s21+$0x87D0];
	v0 =	vadd.f32 v12, v0;
	v1 =	vadd.f32 v7, v1  }
0xe8: {  	v4 =	vld [tilespmem:s21+$0x86D0];
	v2 =	vadd.f32 v13, v2;
	v5 =	vadd.f32 v10, v5  }
0xe9: {  	v49 =	vld [tilespmem:s21+$0x8720];
	v0 =	vadd.f32 v18, v0;
	v1 =	vadd.f32 v11, v1  }
0xea: {  	v56 =	vld [tilespmem:s21+$0x8740];
	v2 =	vadd.f32 v19, v2;
	v5 =	vadd.f32 v14, v5  }
0xeb: {  	v63 =	vld [tilespmem:s21+$0x87B0];
	v0 =	vadd.f32 v24, v0;
	v1 =	vadd.f32 v15, v1  }
0xec: {  	v16 =	vld [tilespmem:s21+$0x86F0];
	v2 =	vadd.f32 v25, v2;
	v5 =	vadd.f32 v22, v5  }
0xed: {  	v36 =	vld [tilespmem:s21+$0x87E0];
	v0 =	vadd.f32 v28, v0;
	v1 =	vadd.f32 v23, v1  }
0xee: {  	v6 =	vld [tilespmem:s21+$0x86E0];
	v2 =	vadd.f32 v29, v2;
	v5 =	vadd.f32 v26, v5  }
0xef: {  	v32 =	vld [tilespmem:s21+$0x87C0];
	v0 =	vadd.f32 v34, v0;
	v1 =	vadd.f32 v27, v1  }
0xf0: {  	v52 =	vld [tilespmem:s21+$0x88E0];
	v2 =	vadd.f32 v35, v2;
	v5 =	vadd.f32 v30, v5  }
0xf1: {  	v48 =	vld [tilespmem:s21+$0x8710];
	v0 =	vadd.f32 v40, v0;
	v1 =	vadd.f32 v31, v1  }
0xf2: {  	v37 =	vld [tilespmem:s21+$0x87F0];
	v2 =	vadd.f32 v41, v2;
	v5 =	vadd.f32 v38, v5  }
0xf3: {  	v53 =	vld [tilespmem:s21+$0x88F0];
	v0 =	vadd.f32 v44, v0;
	v1 =	vadd.f32 v39, v1  }
0xf4: {  	v40 =	vld [tilespmem:s21+$0x8820];
	v2 =	vadd.f32 v45, v2;
	v5 =	vadd.f32 v42, v5  }
0xf5: {  	v44 =	vld [tilespmem:s21+$0x8860];
	v0 =	vadd.f32 v50, v0;
	v1 =	vadd.f32 v43, v1  }
0xf6: {  	v50 =	vld [tilespmem:s21+$0x88C0];
	v2 =	vadd.f32 v51, v2;
	v5 =	vadd.f32 v46, v5  }
0xf7: {  	v41 =	vld [tilespmem:s21+$0x8830];
	v0 =	vadd.f32 v4, v0;
	v1 =	vadd.f32 v47, v1  }
0xf8: {  	v39 =	vld [tilespmem:s21+$0x8810];
	v2 =	vadd.f32 v6, v2;
	v5 =	vadd.f32 v54, v5  }
0xf9: {  	v45 =	vld [tilespmem:s21+$0x8870];
	v0 =	vadd.f32 v48, v0;
	v1 =	vadd.f32 v3, v1  }
0xfa: {  	v38 =	vld [tilespmem:s21+$0x8800];
	v2 =	vadd.f32 v49, v2;
	v5 =	vadd.f32 v16, v5  }
0xfb: {  	v48 =	vld [tilespmem:s21+$0x88A0];
	v0 =	vadd.f32 v57, v0;
	v1 =	vadd.f32 v17, v1  }
0xfc: {  	v43 =	vld [tilespmem:s21+$0x8850];
	v2 =	vadd.f32 v58, v2;
	v5 =	vadd.f32 v55, v5  }
0xfd: {  	v51 =	vld [tilespmem:s21+$0x88D0];
	v0 =	vadd.f32 v61, v0;
	v1 =	vadd.f32 v56, v1  }
0xfe: {  	v42 =	vld [tilespmem:s21+$0x8840];
	v2 =	vadd.f32 v62, v2;
	v5 =	vadd.f32 v59, v5  }
0xff: {  	v57 =	vld [tilespmem:s21+$0x8930];
	v0 =	vadd.f32 v33, v0;
	v1 =	vadd.f32 v60, v1  }
0x100: {  	v47 =	vld [tilespmem:s21+$0x8890];
	v2 =	vadd.f32 v36, v2;
	v5 =	vadd.f32 v63, v5  }
0x101: {  	v46 =	vld [tilespmem:s21+$0x8880];
	v0 =	vadd.f32 v39, v0;
	v1 =	vadd.f32 v32, v1  }
0x102: {  	v49 =	vld [tilespmem:s21+$0x88B0];
	v2 =	vadd.f32 v40, v2;
	v5 =	vadd.f32 v37, v5  }
0x103: {  	v54 =	vld [tilespmem:s21+$0x8900];
	v0 =	vadd.f32 v43, v0;
	v1 =	vadd.f32 v38, v1  }
0x104: {  	v55 =	vld [tilespmem:s21+$0x8910];
	v2 =	vadd.f32 v44, v2;
	v5 =	vadd.f32 v41, v5  }
0x105: {  	v56 =	vld [tilespmem:s21+$0x8920];
	v0 =	vadd.f32 v47, v0;
	v1 =	vadd.f32 v42, v1  }
0x106: {  	v59 =	vld [tilespmem:s21+$0x8950];
	v2 =	vadd.f32 v48, v2;
	v5 =	vadd.f32 v45, v5  }
0x107: {  	v60 =	vld [tilespmem:s21+$0x8960];
	v0 =	vadd.f32 v51, v0;
	v1 =	vadd.f32 v46, v1  }
0x108: {  	v58 =	vld [tilespmem:s21+$0x8940];
	v2 =	vadd.f32 v52, v2;
	v5 =	vadd.f32 v49, v5  }
0x109: {  	v61 =	vld [tilespmem:s21+$0x8970];
	v0 =	vadd.f32 v55, v0;
	v1 =	vadd.f32 v50, v1  }
0x10a: {  	v2 =	vadd.f32 v56, v2;
	v5 =	vadd.f32 v53, v5  }
0x10b: {  	s31 =	sshll.u32 s19, $0x6;
	p0 =	sne.s32 s19, $0x7;
	v0 =	vadd.f32 v59, v0;
	v1 =	vadd.f32 v54, v1  }
.Ltmp0:
0x10c: {  	s21 =	sand.u32 $0x3FFFFFC0, s31;
	v2 =	vadd.f32 v60, v2;
	v62 =	vadd.f32 v57, v5;
	(pc) =	sbr.rel @p0 .LBB2_3-.Ltmp0, $4  }
0x10d: {  	[tilespmem:s21+$0x14510] =	vst v0;
	v1 =	vadd.f32 v58, v1  }
0x10e: {  	[tilespmem:s21+$0x14520] =	vst v2;
	v63 =	vadd.f32 v61, v62  }
0x10f: {  	[tilespmem:s21+$0x14500] =	vst v1  }
0x110: {  	s19 =	sadd.s32 $0x1, s19;
	[tilespmem:s21+$0x14530] =	vst v63  }
0x111: {  	s19 =	sshll.u32 s17, $0xA  }
0x112: {  	s19 =	sadd.s32 s6, s19  }
0x113: {  	s20 =	smin.u32 s20, $0x4D;
	s19 =	sshrl.u32 s19, $0x3  }
0x114: {  	s20 =	smul.u32 $0x640, s20;
	s21 =	sadd.s32 s2, s19;
	s19 =	simm.s32 $0x0  }
0x115: {  	[hbm4b:s21+s19] =	stream.linear.scatter [tilespmem:s13], [sflag:$0x3], $0x200, $0x38;
	[tilespmem:$0x14900] =	vst v63  }
0x116: {  	_ =	swait.ge [sflag:s8], $0x200  }
0x117: {  	s20 =	sshrl.u32 s20, $0x2;
	[sflag:s8] =	ssyncset.done $0x0  }
0x118: {  	s20 =	sadd.s32 $0x320, s20;
	[sflag:s8] =	ssyncadd.s32 $0xFFFFFE00  }
0x119: {  	[tilespmem:s10], [sflag:$0x1] =	stream.indirect.gather [hbm4b:s4+s9], $0x40, s20, s9, $0xb8;
	[tilespmem:$0x14900] =	vst v63  }
0x11a: {  	_ =	swait.ge [sflag:s14], $0x6400  }
0x11b: {  	[sflag:s14] =	ssyncset.done $0x0  }
0x11c: {  	[sflag:s14] =	ssyncadd.s32 $0xFFFF9C00  }
.LBB2_5:
0x11d: {  	s20 =	smul.u32 $0x3200, s19;
	_ =	sdelay $0x1  }
0x11e: {  	s20 =	sshra.s32 s20, $0x2  }
0x11f: {  	v56 =	vld [tilespmem:s20+$0xE4F0];
	_ =	sdelay $0x4  }
0x120: {  	[tilespmem:$0x1FAF0] =	vst v56;
	v56 =	vld [tilespmem:s20+$0xE510];
	_ =	sdelay $0x4  }
0x121: {  	[tilespmem:$0x1FB00] =	vst v56;
	v56 =	vld [tilespmem:s20+$0xE520];
	_ =	sdelay $0x1  }
0x122: {  	v3 =	vld [tilespmem:s20+$0xE100]  }
0x123: {  	v4 =	vld [tilespmem:s20+$0xE110]  }
0x124: {  	v5 =	vld [tilespmem:s20+$0xE120]  }
0x125: {  	[tilespmem:$0x1FB10] =	vst v56;
	v56 =	vld [tilespmem:s20+$0xE530]  }
0x126: {  	v16 =	vld [tilespmem:s20+$0xE130]  }
0x127: {  	v17 =	vld [tilespmem:s20+$0xE140]  }
0x128: {  	v20 =	vld [tilespmem:s20+$0xE150]  }
0x129: {  	v21 =	vld [tilespmem:s20+$0xE160]  }
0x12a: {  	[tilespmem:$0x1FB30] =	vst v56;
	v56 =	vld [tilespmem:s20+$0xE540]  }
0x12b: {  	v32 =	vld [tilespmem:s20+$0xE170]  }
0x12c: {  	v33 =	vld [tilespmem:s20+$0xE180]  }
0x12d: {  	v36 =	vld [tilespmem:s20+$0xE190]  }
0x12e: {  	v37 =	vld [tilespmem:s20+$0xE1A0]  }
0x12f: {  	[tilespmem:$0x1FB20] =	vst v56;
	v56 =	vld [tilespmem:s20+$0xE550]  }
0x130: {  	v48 =	vld [tilespmem:s20+$0xE1B0]  }
0x131: {  	v49 =	vld [tilespmem:s20+$0xE1C0]  }
0x132: {  	v52 =	vld [tilespmem:s20+$0xE1D0]  }
0x133: {  	v53 =	vld [tilespmem:s20+$0xE1E0]  }
0x134: {  	[tilespmem:$0x1FB40] =	vst v56;
	v56 =	vld [tilespmem:s20+$0xE560]  }
0x135: {  	v62 =	vld [tilespmem:s20+$0xE1F0]  }
0x136: {  	v63 =	vld [tilespmem:s20+$0xE200]  }
0x137: {  	v0 =	vld [tilespmem:s20+$0xE210]  }
0x138: {  	v2 =	vld [tilespmem:s20+$0xE220]  }
0x139: {  	[tilespmem:$0x1FB50] =	vst v56;
	v56 =	vld [tilespmem:s20+$0xE570]  }
0x13a: {  	v9 =	vld [tilespmem:s20+$0xE230]  }
0x13b: {  	v1 =	vld [tilespmem:s20+$0xE240]  }
0x13c: {  	v6 =	vld [tilespmem:s20+$0xE250]  }
0x13d: {  	v8 =	vld [tilespmem:s20+$0xE260]  }
0x13e: {  	[tilespmem:$0x1FB70] =	vst v56;
	v56 =	vld [tilespmem:s20+$0xE580]  }
0x13f: {  	v13 =	vld [tilespmem:s20+$0xE270]  }
0x140: {  	v7 =	vld [tilespmem:s20+$0xE280]  }
0x141: {  	v10 =	vld [tilespmem:s20+$0xE290]  }
0x142: {  	v12 =	vld [tilespmem:s20+$0xE2A0]  }
0x143: {  	[tilespmem:$0x1FB60] =	vst v56;
	v56 =	vld [tilespmem:s20+$0xE590]  }
0x144: {  	v19 =	vld [tilespmem:s20+$0xE2B0]  }
0x145: {  	v11 =	vld [tilespmem:s20+$0xE2C0]  }
0x146: {  	v14 =	vld [tilespmem:s20+$0xE2D0]  }
0x147: {  	v18 =	vld [tilespmem:s20+$0xE2E0]  }
0x148: {  	[tilespmem:$0x1FB80] =	vst v56;
	v56 =	vld [tilespmem:s20+$0xE5A0]  }
0x149: {  	v25 =	vld [tilespmem:s20+$0xE2F0]  }
0x14a: {  	v15 =	vld [tilespmem:s20+$0xE300]  }
0x14b: {  	v22 =	vld [tilespmem:s20+$0xE310]  }
0x14c: {  	v24 =	vld [tilespmem:s20+$0xE320]  }
0x14d: {  	[tilespmem:$0x1FB90] =	vst v56;
	v56 =	vld [tilespmem:s20+$0xE5B0]  }
0x14e: {  	v29 =	vld [tilespmem:s20+$0xE330]  }
0x14f: {  	v23 =	vld [tilespmem:s20+$0xE340]  }
0x150: {  	v26 =	vld [tilespmem:s20+$0xE350]  }
0x151: {  	v28 =	vld [tilespmem:s20+$0xE360]  }
0x152: {  	[tilespmem:$0x1FBB0] =	vst v56;
	v56 =	vld [tilespmem:s20+$0xE5C0]  }
0x153: {  	v35 =	vld [tilespmem:s20+$0xE370]  }
0x154: {  	v27 =	vld [tilespmem:s20+$0xE380]  }
0x155: {  	v30 =	vld [tilespmem:s20+$0xE390]  }
0x156: {  	v34 =	vld [tilespmem:s20+$0xE3A0]  }
0x157: {  	[tilespmem:$0x1FBA0] =	vst v56;
	v56 =	vld [tilespmem:s20+$0xE5D0]  }
0x158: {  	v41 =	vld [tilespmem:s20+$0xE3B0]  }
0x159: {  	v31 =	vld [tilespmem:s20+$0xE3C0]  }
0x15a: {  	v38 =	vld [tilespmem:s20+$0xE3D0]  }
0x15b: {  	v40 =	vld [tilespmem:s20+$0xE3E0]  }
0x15c: {  	[tilespmem:$0x1FBC0] =	vst v56;
	v56 =	vld [tilespmem:s20+$0xE5E0]  }
0x15d: {  	v45 =	vld [tilespmem:s20+$0xE3F0]  }
0x15e: {  	v39 =	vld [tilespmem:s20+$0xE400]  }
0x15f: {  	v42 =	vld [tilespmem:s20+$0xE410]  }
0x160: {  	v44 =	vld [tilespmem:s20+$0xE420]  }
0x161: {  	[tilespmem:$0x1FBD0] =	vst v56;
	v56 =	vld [tilespmem:s20+$0xE5F0]  }
0x162: {  	v51 =	vld [tilespmem:s20+$0xE430]  }
0x163: {  	v43 =	vld [tilespmem:s20+$0xE440]  }
0x164: {  	v46 =	vld [tilespmem:s20+$0xE450]  }
0x165: {  	v50 =	vld [tilespmem:s20+$0xE460]  }
0x166: {  	[tilespmem:$0x1FBF0] =	vst v56;
	v56 =	vld [tilespmem:s20+$0xE600]  }
0x167: {  	v60 =	vld [tilespmem:s20+$0xE470]  }
0x168: {  	v47 =	vld [tilespmem:s20+$0xE480]  }
0x169: {  	v54 =	vld [tilespmem:s20+$0xE490]  }
0x16a: {  	v61 =	vld [tilespmem:s20+$0xE4A0]  }
0x16b: {  	[tilespmem:$0x1FBE0] =	vst v56;
	v56 =	vld [tilespmem:s20+$0xE610]  }
0x16c: {  	v55 =	vld [tilespmem:s20+$0xE4B0]  }
0x16d: {  	v58 =	vld [tilespmem:s20+$0xE4D0]  }
0x16e: {  	v57 =	vld [tilespmem:s20+$0xE4E0]  }
0x16f: {  	v59 =	vld [tilespmem:s20+$0xE500]  }
0x170: {  	[tilespmem:$0x1FC00] =	vst v56;
	v56 =	vld [tilespmem:s20+$0xE620]  }
0x171: {  	[tilespmem:$0x1FAE0] =	vst v55;
	v55 =	vld [tilespmem:s20+$0xE4C0]  }
0x172: {  	v17 =	vadd.f32 v17, v3;
	v3 =	vld [tilespmem:s20+$0xE790]  }
0x173: {  	v20 =	vadd.f32 v20, v4;
	v4 =	vld [tilespmem:s20+$0xE7A0]  }
0x174: {  	v21 =	vadd.f32 v21, v5;
	v5 =	vld [tilespmem:s20+$0xE7B0]  }
0x175: {  	v17 =	vadd.f32 v33, v17;
	[tilespmem:$0x1FC10] =	vst v56;
	v56 =	vld [tilespmem:s20+$0xE630]  }
0x176: {  	v32 =	vadd.f32 v32, v16;
	v16 =	vld [tilespmem:s20+$0xE7C0];
	v20 =	vadd.f32 v36, v20  }
0x177: {  	v21 =	vadd.f32 v37, v21;
	v33 =	vadd.f32 v49, v17;
	v17 =	vld [tilespmem:s20+$0xE7D0]  }
0x178: {  	v36 =	vadd.f32 v52, v20;
	v20 =	vld [tilespmem:s20+$0xE7E0]  }
0x179: {  	v32 =	vadd.f32 v48, v32;
	v37 =	vadd.f32 v53, v21;
	v21 =	vld [tilespmem:s20+$0xE7F0]  }
0x17a: {  	[tilespmem:$0x1FC30] =	vst v56;
	v56 =	vld [tilespmem:s20+$0xE640]  }
0x17b: {  	v48 =	vadd.f32 v62, v32;
	v32 =	vld [tilespmem:s20+$0xE800]  }
0x17c: {  	v49 =	vld [tilespmem:s20+$0xE850]  }
0x17d: {  	v52 =	vld [tilespmem:s20+$0xE860]  }
0x17e: {  	v0 =	vadd.f32 v0, v36;
	v36 =	vld [tilespmem:s20+$0xE820]  }
0x17f: {  	[tilespmem:$0x1FC20] =	vst v56;
	v56 =	vld [tilespmem:s20+$0xE650]  }
0x180: {  	v33 =	vadd.f32 v63, v33;
	v2 =	vadd.f32 v2, v37;
	v37 =	vld [tilespmem:s20+$0xE830]  }
0x181: {  	v9 =	vadd.f32 v9, v48;
	v48 =	vld [tilespmem:s20+$0xE840]  }
0x182: {  	v1 =	vadd.f32 v1, v33;
	v33 =	vld [tilespmem:s20+$0xE810]  }
0x183: {  	v2 =	vadd.f32 v8, v2;
	v8 =	vld [tilespmem:s20+$0xE890]  }
0x184: {  	[tilespmem:$0x1FC40] =	vst v56;
	v56 =	vld [tilespmem:s20+$0xE660]  }
0x185: {  	v53 =	vadd.f32 v13, v9;
	v9 =	vld [tilespmem:s20+$0xE8A0]  }
0x186: {  	v13 =	vld [tilespmem:s20+$0xE8E0]  }
0x187: {  	v0 =	vadd.f32 v6, v0;
	v6 =	vadd.f32 v19, v53;
	v53 =	vld [tilespmem:s20+$0xE870]  }
0x188: {  	v1 =	vadd.f32 v7, v1;
	v7 =	vld [tilespmem:s20+$0xE880]  }
0x189: {  	[tilespmem:$0x1FC50] =	vst v56;
	v56 =	vld [tilespmem:s20+$0xE670]  }
0x18a: {  	v0 =	vadd.f32 v10, v0;
	v10 =	vld [tilespmem:s20+$0xE8B0]  }
0x18b: {  	v2 =	vadd.f32 v12, v2;
	v12 =	vld [tilespmem:s20+$0xE8D0]  }
0x18c: {  	v19 =	vld [tilespmem:s20+$0xE920]  }
0x18d: {  	v1 =	vadd.f32 v11, v1;
	v11 =	vld [tilespmem:s20+$0xE8C0]  }
0x18e: {  	[tilespmem:$0x1FC70] =	vst v56;
	v56 =	vld [tilespmem:s20+$0xE680]  }
0x18f: {  	v0 =	vadd.f32 v14, v0;
	v14 =	vld [tilespmem:s20+$0xE8F0]  }
0x190: {  	v2 =	vadd.f32 v18, v2;
	v18 =	vld [tilespmem:s20+$0xE910]  }
0x191: {  	v6 =	vadd.f32 v25, v6;
	v25 =	vld [tilespmem:s20+$0xE960]  }
0x192: {  	v1 =	vadd.f32 v15, v1;
	v15 =	vld [tilespmem:s20+$0xE900]  }
0x193: {  	[tilespmem:$0x1FC60] =	vst v56;
	v56 =	vld [tilespmem:s20+$0xE690]  }
0x194: {  	v0 =	vadd.f32 v22, v0;
	v22 =	vld [tilespmem:s20+$0xE930]  }
0x195: {  	v2 =	vadd.f32 v24, v2;
	v24 =	vld [tilespmem:s20+$0xE950]  }
0x196: {  	v6 =	vadd.f32 v29, v6;
	v29 =	vld [tilespmem:s20+$0xE9A0]  }
0x197: {  	v1 =	vadd.f32 v23, v1;
	v2 =	vadd.f32 v28, v2;
	v23 =	vld [tilespmem:s20+$0xE940]  }
0x198: {  	v0 =	vadd.f32 v26, v0;
	v6 =	vadd.f32 v35, v6;
	[tilespmem:$0x1FC80] =	vst v56;
	v56 =	vld [tilespmem:s20+$0xE6A0]  }
0x199: {  	v26 =	vld [tilespmem:s20+$0xE970];
	v1 =	vadd.f32 v27, v1;
	v2 =	vadd.f32 v34, v2  }
0x19a: {  	v28 =	vld [tilespmem:s20+$0xE990];
	v0 =	vadd.f32 v30, v0;
	v6 =	vadd.f32 v41, v6  }
0x19b: {  	v62 =	vld [tilespmem:$0x1FB30];
	v1 =	vadd.f32 v31, v1;
	v2 =	vadd.f32 v40, v2  }
0x19c: {  	v27 =	vld [tilespmem:s20+$0xE980];
	v0 =	vadd.f32 v38, v0;
	v6 =	vadd.f32 v45, v6  }
0x19d: {  	v1 =	vadd.f32 v39, v1;
	v2 =	vadd.f32 v44, v2;
	[tilespmem:$0x1FC90] =	vst v56;
	v56 =	vld [tilespmem:s20+$0xE6B0]  }
0x19e: {  	v30 =	vld [tilespmem:s20+$0xE9B0];
	v0 =	vadd.f32 v42, v0;
	v6 =	vadd.f32 v51, v6  }
0x19f: {  	v31 =	vld [tilespmem:s20+$0xE9C0];
	v1 =	vadd.f32 v43, v1;
	v2 =	vadd.f32 v50, v2  }
0x1a0: {  	v0 =	vadd.f32 v46, v0;
	v6 =	vadd.f32 v60, v6;
	v60 =	vld [tilespmem:$0x1FB10]  }
0x1a1: {  	v1 =	vadd.f32 v47, v1;
	v2 =	vadd.f32 v61, v2;
	v61 =	vld [tilespmem:$0x1FB20]  }
0x1a2: {  	[tilespmem:$0x1FCB0] =	vst v56;
	v56 =	vld [tilespmem:s20+$0xE6C0]  }
0x1a3: {  	v0 =	vadd.f32 v54, v0;
	v1 =	vadd.f32 v55, v1;
	v55 =	vld [tilespmem:$0x1FAE0]  }
0x1a4: {  	v63 =	vld [tilespmem:$0x1FB40]  }
0x1a5: {  	v0 =	vadd.f32 v58, v0;
	v58 =	vld [tilespmem:$0x1FAF0]  }
0x1a6: {  	v34 =	vld [tilespmem:$0x1FB50]  }
0x1a7: {  	v2 =	vadd.f32 v57, v2;
	[tilespmem:$0x1FCA0] =	vst v56;
	v56 =	vld [tilespmem:s20+$0xE6D0]  }
0x1a8: {  	v1 =	vadd.f32 v59, v1;
	v59 =	vld [tilespmem:$0x1FB00];
	v6 =	vadd.f32 v55, v6  }
0x1a9: {  	v2 =	vadd.f32 v60, v2;
	v38 =	vld [tilespmem:$0x1FB70]  }
0x1aa: {  	v6 =	vadd.f32 v58, v6;
	v35 =	vld [tilespmem:$0x1FB60]  }
0x1ab: {  	v2 =	vadd.f32 v34, v2;
	v34 =	vld [tilespmem:s20+$0xE9D0]  }
0x1ac: {  	v6 =	vadd.f32 v62, v6;
	[tilespmem:$0x1FCC0] =	vst v56;
	v56 =	vld [tilespmem:s20+$0xE6E0]  }
0x1ad: {  	v1 =	vadd.f32 v61, v1;
	v39 =	vld [tilespmem:$0x1FB80]  }
0x1ae: {  	v0 =	vadd.f32 v59, v0;
	v6 =	vadd.f32 v38, v6;
	v38 =	vld [tilespmem:s20+$0xE9F0]  }
0x1af: {  	v1 =	vadd.f32 v35, v1;
	v35 =	vld [tilespmem:s20+$0xE9E0]  }
0x1b0: {  	v0 =	vadd.f32 v63, v0;
	v40 =	vld [tilespmem:$0x1FB90]  }
0x1b1: {  	[tilespmem:$0x1FCD0] =	vst v56;
	v56 =	vld [tilespmem:s20+$0xE6F0]  }
0x1b2: {  	v0 =	vadd.f32 v39, v0;
	v39 =	vld [tilespmem:s20+$0xEA00]  }
0x1b3: {  	v42 =	vld [tilespmem:$0x1FBB0]  }
0x1b4: {  	v41 =	vld [tilespmem:$0x1FBA0]  }
0x1b5: {  	v2 =	vadd.f32 v40, v2;
	v40 =	vld [tilespmem:s20+$0xEA10]  }
0x1b6: {  	[tilespmem:$0x1FCF0] =	vst v56;
	v56 =	vld [tilespmem:s20+$0xE700]  }
0x1b7: {  	v43 =	vld [tilespmem:$0x1FBC0]  }
0x1b8: {  	v6 =	vadd.f32 v42, v6;
	v42 =	vld [tilespmem:s20+$0xEA30]  }
0x1b9: {  	v1 =	vadd.f32 v41, v1;
	v41 =	vld [tilespmem:s20+$0xEA20]  }
0x1ba: {  	v44 =	vld [tilespmem:$0x1FBD0]  }
0x1bb: {  	[tilespmem:$0x1FCE0] =	vst v56;
	v56 =	vld [tilespmem:s20+$0xE710]  }
0x1bc: {  	v0 =	vadd.f32 v43, v0;
	v43 =	vld [tilespmem:s20+$0xEA40]  }
0x1bd: {  	v46 =	vld [tilespmem:$0x1FBF0]  }
0x1be: {  	v45 =	vld [tilespmem:$0x1FBE0]  }
0x1bf: {  	v2 =	vadd.f32 v44, v2;
	v44 =	vld [tilespmem:s20+$0xEA50]  }
0x1c0: {  	[tilespmem:$0x1FD00] =	vst v56;
	v56 =	vld [tilespmem:s20+$0xE720]  }
0x1c1: {  	v47 =	vld [tilespmem:$0x1FC00]  }
0x1c2: {  	v6 =	vadd.f32 v46, v6;
	v46 =	vld [tilespmem:s20+$0xEA70]  }
0x1c3: {  	v1 =	vadd.f32 v45, v1;
	v45 =	vld [tilespmem:s20+$0xEA60]  }
0x1c4: {  	v50 =	vld [tilespmem:$0x1FC10]  }
0x1c5: {  	[tilespmem:$0x1FD10] =	vst v56;
	v56 =	vld [tilespmem:s20+$0xE730]  }
0x1c6: {  	v0 =	vadd.f32 v47, v0;
	v47 =	vld [tilespmem:s20+$0xEA80]  }
0x1c7: {  	v54 =	vld [tilespmem:$0x1FC30]  }
0x1c8: {  	v51 =	vld [tilespmem:$0x1FC20]  }
0x1c9: {  	v55 =	vld [tilespmem:$0x1FC40]  }
0x1ca: {  	[tilespmem:$0x1FD30] =	vst v56;
	v56 =	vld [tilespmem:s20+$0xE740]  }
0x1cb: {  	v57 =	vld [tilespmem:$0x1FC50]  }
0x1cc: {  	v59 =	vld [tilespmem:$0x1FC70]  }
0x1cd: {  	v58 =	vld [tilespmem:$0x1FC60]  }
0x1ce: {  	v60 =	vld [tilespmem:$0x1FC80]  }
0x1cf: {  	[tilespmem:$0x1FD20] =	vst v56;
	v56 =	vld [tilespmem:s20+$0xE750]  }
0x1d0: {  	v61 =	vld [tilespmem:$0x1FC90]  }
0x1d1: {  	v63 =	vld [tilespmem:$0x1FCB0]  }
0x1d2: {  	v62 =	vld [tilespmem:$0x1FCA0]  }
0x1d3: {  	v2 =	vadd.f32 v50, v2;
	v50 =	vld [tilespmem:$0x1FCC0]  }
0x1d4: {  	[tilespmem:$0x1FD40] =	vst v56;
	v56 =	vld [tilespmem:s20+$0xE760]  }
0x1d5: {  	v1 =	vadd.f32 v51, v1;
	v51 =	vld [tilespmem:$0x1FCD0]  }
0x1d6: {  	v0 =	vadd.f32 v55, v0;
	v55 =	vld [tilespmem:$0x1FCF0]  }
0x1d7: {  	v6 =	vadd.f32 v54, v6;
	v54 =	vld [tilespmem:$0x1FCE0]  }
0x1d8: {  	v2 =	vadd.f32 v57, v2;
	v57 =	vld [tilespmem:$0x1FD00]  }
0x1d9: {  	[tilespmem:$0x1FD50] =	vst v56;
	v56 =	vld [tilespmem:s20+$0xE770]  }
0x1da: {  	v1 =	vadd.f32 v58, v1;
	v58 =	vld [tilespmem:$0x1FD10]  }
0x1db: {  	v0 =	vadd.f32 v60, v0;
	v60 =	vld [tilespmem:$0x1FD30]  }
0x1dc: {  	v6 =	vadd.f32 v59, v6;
	v2 =	vadd.f32 v61, v2;
	v61 =	vld [tilespmem:$0x1FD40]  }
0x1dd: {  	v1 =	vadd.f32 v62, v1;
	v0 =	vadd.f32 v50, v0;
	v62 =	vld [tilespmem:$0x1FD50]  }
0x1de: {  	v6 =	vadd.f32 v63, v6;
	v2 =	vadd.f32 v51, v2;
	v59 =	vld [tilespmem:$0x1FD20];
	[tilespmem:$0x1FD60] =	vst v56  }
0x1df: {  	v0 =	vadd.f32 v57, v0;
	v63 =	vld [tilespmem:$0x1FD60]  }
0x1e0: {  	v6 =	vadd.f32 v55, v6;
	v2 =	vadd.f32 v58, v2;
	v56 =	vld [tilespmem:s20+$0xE780]  }
0x1e1: {  	v50 =	vld [tilespmem:s20+$0xEA90];
	v1 =	vadd.f32 v54, v1;
	v0 =	vadd.f32 v61, v0  }
0x1e2: {  	v51 =	vld [tilespmem:s20+$0xEAA0];
	v6 =	vadd.f32 v60, v6;
	v2 =	vadd.f32 v62, v2  }
0x1e3: {  	v55 =	vld [tilespmem:s20+$0xEB30];
	v1 =	vadd.f32 v59, v1;
	v0 =	vadd.f32 v3, v0  }
0x1e4: {  	v54 =	vld [tilespmem:s20+$0xEAB0];
	v2 =	vadd.f32 v4, v2;
	v6 =	vadd.f32 v63, v6  }
0x1e5: {  	v57 =	vld [tilespmem:s20+$0xEB50];
	v0 =	vadd.f32 v17, v0;
	v1 =	vadd.f32 v56, v1  }
0x1e6: {  	v58 =	vld [tilespmem:s20+$0xEB60];
	v2 =	vadd.f32 v20, v2;
	v5 =	vadd.f32 v5, v6  }
0x1e7: {  	v60 =	vld [tilespmem:s20+$0xEB80];
	v0 =	vadd.f32 v33, v0;
	v1 =	vadd.f32 v16, v1  }
0x1e8: {  	v59 =	vld [tilespmem:s20+$0xEB70];
	v2 =	vadd.f32 v36, v2;
	v5 =	vadd.f32 v21, v5  }
0x1e9: {  	v61 =	vld [tilespmem:s20+$0xEB90];
	v0 =	vadd.f32 v49, v0;
	v1 =	vadd.f32 v32, v1  }
0x1ea: {  	v3 =	vld [tilespmem:s20+$0xEAC0];
	v2 =	vadd.f32 v52, v2;
	v5 =	vadd.f32 v37, v5  }
0x1eb: {  	v17 =	vld [tilespmem:s20+$0xEB00];
	v0 =	vadd.f32 v8, v0;
	v1 =	vadd.f32 v48, v1  }
0x1ec: {  	v62 =	vld [tilespmem:s20+$0xEBA0];
	v2 =	vadd.f32 v9, v2;
	v5 =	vadd.f32 v53, v5  }
0x1ed: {  	v33 =	vld [tilespmem:s20+$0xEBD0];
	v0 =	vadd.f32 v12, v0;
	v1 =	vadd.f32 v7, v1  }
0x1ee: {  	v4 =	vld [tilespmem:s20+$0xEAD0];
	v2 =	vadd.f32 v13, v2;
	v5 =	vadd.f32 v10, v5  }
0x1ef: {  	v49 =	vld [tilespmem:s20+$0xEB20];
	v0 =	vadd.f32 v18, v0;
	v1 =	vadd.f32 v11, v1  }
0x1f0: {  	v56 =	vld [tilespmem:s20+$0xEB40];
	v2 =	vadd.f32 v19, v2;
	v5 =	vadd.f32 v14, v5  }
0x1f1: {  	v63 =	vld [tilespmem:s20+$0xEBB0];
	v0 =	vadd.f32 v24, v0;
	v1 =	vadd.f32 v15, v1  }
0x1f2: {  	v16 =	vld [tilespmem:s20+$0xEAF0];
	v2 =	vadd.f32 v25, v2;
	v5 =	vadd.f32 v22, v5  }
0x1f3: {  	v36 =	vld [tilespmem:s20+$0xEBE0];
	v0 =	vadd.f32 v28, v0;
	v1 =	vadd.f32 v23, v1  }
0x1f4: {  	v6 =	vld [tilespmem:s20+$0xEAE0];
	v2 =	vadd.f32 v29, v2;
	v5 =	vadd.f32 v26, v5  }
0x1f5: {  	v32 =	vld [tilespmem:s20+$0xEBC0];
	v0 =	vadd.f32 v34, v0;
	v1 =	vadd.f32 v27, v1  }
0x1f6: {  	v52 =	vld [tilespmem:s20+$0xECE0];
	v2 =	vadd.f32 v35, v2;
	v5 =	vadd.f32 v30, v5  }
0x1f7: {  	v48 =	vld [tilespmem:s20+$0xEB10];
	v0 =	vadd.f32 v40, v0;
	v1 =	vadd.f32 v31, v1  }
0x1f8: {  	v37 =	vld [tilespmem:s20+$0xEBF0];
	v2 =	vadd.f32 v41, v2;
	v5 =	vadd.f32 v38, v5  }
0x1f9: {  	v53 =	vld [tilespmem:s20+$0xECF0];
	v0 =	vadd.f32 v44, v0;
	v1 =	vadd.f32 v39, v1  }
0x1fa: {  	v40 =	vld [tilespmem:s20+$0xEC20];
	v2 =	vadd.f32 v45, v2;
	v5 =	vadd.f32 v42, v5  }
0x1fb: {  	v44 =	vld [tilespmem:s20+$0xEC60];
	v0 =	vadd.f32 v50, v0;
	v1 =	vadd.f32 v43, v1  }
0x1fc: {  	v50 =	vld [tilespmem:s20+$0xECC0];
	v2 =	vadd.f32 v51, v2;
	v5 =	vadd.f32 v46, v5  }
0x1fd: {  	v41 =	vld [tilespmem:s20+$0xEC30];
	v0 =	vadd.f32 v4, v0;
	v1 =	vadd.f32 v47, v1  }
0x1fe: {  	v39 =	vld [tilespmem:s20+$0xEC10];
	v2 =	vadd.f32 v6, v2;
	v5 =	vadd.f32 v54, v5  }
0x1ff: {  	v45 =	vld [tilespmem:s20+$0xEC70];
	v0 =	vadd.f32 v48, v0;
	v1 =	vadd.f32 v3, v1  }
0x200: {  	v38 =	vld [tilespmem:s20+$0xEC00];
	v2 =	vadd.f32 v49, v2;
	v5 =	vadd.f32 v16, v5  }
0x201: {  	v48 =	vld [tilespmem:s20+$0xECA0];
	v0 =	vadd.f32 v57, v0;
	v1 =	vadd.f32 v17, v1  }
0x202: {  	v43 =	vld [tilespmem:s20+$0xEC50];
	v2 =	vadd.f32 v58, v2;
	v5 =	vadd.f32 v55, v5  }
0x203: {  	v51 =	vld [tilespmem:s20+$0xECD0];
	v0 =	vadd.f32 v61, v0;
	v1 =	vadd.f32 v56, v1  }
0x204: {  	v42 =	vld [tilespmem:s20+$0xEC40];
	v2 =	vadd.f32 v62, v2;
	v5 =	vadd.f32 v59, v5  }
0x205: {  	v57 =	vld [tilespmem:s20+$0xED30];
	v0 =	vadd.f32 v33, v0;
	v1 =	vadd.f32 v60, v1  }
0x206: {  	v47 =	vld [tilespmem:s20+$0xEC90];
	v2 =	vadd.f32 v36, v2;
	v5 =	vadd.f32 v63, v5  }
0x207: {  	v46 =	vld [tilespmem:s20+$0xEC80];
	v0 =	vadd.f32 v39, v0;
	v1 =	vadd.f32 v32, v1  }
0x208: {  	v49 =	vld [tilespmem:s20+$0xECB0];
	v2 =	vadd.f32 v40, v2;
	v5 =	vadd.f32 v37, v5  }
0x209: {  	v54 =	vld [tilespmem:s20+$0xED00];
	v0 =	vadd.f32 v43, v0;
	v1 =	vadd.f32 v38, v1  }
0x20a: {  	v55 =	vld [tilespmem:s20+$0xED10];
	v2 =	vadd.f32 v44, v2;
	v5 =	vadd.f32 v41, v5  }
0x20b: {  	v56 =	vld [tilespmem:s20+$0xED20];
	v0 =	vadd.f32 v47, v0;
	v1 =	vadd.f32 v42, v1  }
0x20c: {  	v59 =	vld [tilespmem:s20+$0xED50];
	v2 =	vadd.f32 v48, v2;
	v5 =	vadd.f32 v45, v5  }
0x20d: {  	v60 =	vld [tilespmem:s20+$0xED60];
	v0 =	vadd.f32 v51, v0;
	v1 =	vadd.f32 v46, v1  }
0x20e: {  	v58 =	vld [tilespmem:s20+$0xED40];
	v2 =	vadd.f32 v52, v2;
	v5 =	vadd.f32 v49, v5  }
0x20f: {  	v61 =	vld [tilespmem:s20+$0xED70];
	v0 =	vadd.f32 v55, v0;
	v1 =	vadd.f32 v50, v1  }
0x210: {  	v2 =	vadd.f32 v56, v2;
	v5 =	vadd.f32 v53, v5  }
0x211: {  	s31 =	sshll.u32 s19, $0x6;
	p0 =	sne.s32 s19, $0x7;
	v0 =	vadd.f32 v59, v0;
	v1 =	vadd.f32 v54, v1  }
.Ltmp1:
0x212: {  	s20 =	sand.u32 $0x3FFFFFC0, s31;
	v2 =	vadd.f32 v60, v2;
	v62 =	vadd.f32 v57, v5;
	(pc) =	sbr.rel @p0 .LBB2_5-.Ltmp1, $4  }
0x213: {  	[tilespmem:s20+$0x14710] =	vst v0;
	v1 =	vadd.f32 v58, v1  }
0x214: {  	[tilespmem:s20+$0x14720] =	vst v2;
	v63 =	vadd.f32 v61, v62  }
0x215: {  	[tilespmem:s20+$0x14700] =	vst v1  }
0x216: {  	s19 =	sadd.s32 $0x1, s19;
	[tilespmem:s20+$0x14730] =	vst v63  }
0x217: {  	s18 =	sshll.u32 s18, $0x9  }
0x218: {  	s17 =	sadd.s32 $0x1, s17;
	s18 =	sadd.s32 s6, s18  }
0x219: {  	p0 =	sne.s32 s17, $0x28;
	s18 =	sshrl.u32 s18, $0x3  }
.Ltmp2:
0x21a: {  	s18 =	sadd.s32 s2, s18;
	(pc) =	sbr.rel @p0 .LBB2_2-.Ltmp2, $4  }
0x21b: {  	[hbm4b:s18+s3] =	stream.linear.scatter [tilespmem:s15], [sflag:$0x3], $0x200, $0x38;
	[tilespmem:$0x14900] =	vst v63  }
0x21c: {  	_ =	swait.ge [sflag:s8], $0x200  }
0x21d: {  	[sflag:s8] =	ssyncset.done $0x0  }
0x21e: {  	[sflag:s8] =	ssyncadd.s32 $0xFFFFFE00  }
0x21f: {  	s16 =	sadd.s32 $0x1, s16  }
0x220: {  	p0 =	sne.s32 s16, s7  }
.Ltmp3:
0x221: {  	_ = 	snop;
	(pc) =	sbr.rel @p0 .LBB2_1-.Ltmp3, $4  }
0x222: {  	_ = 	snop  }
0x223: {  	_ =	swait.ge [sflag:s12], $0x6400  }
0x224: {  	[sflag:s12] =	ssyncset.done $0x0  }
0x225: {  	[sflag:s12] =	ssyncadd.s32 $0xFFFF9C00  }
0x226: {  	_ =	sfence.sel $0x180000  }
0x227: {  	[bflag:$0x0] =	sbarrier.arrive $0xFFFF  }
0x228: {  	p0 =	sne.s32 s0, $0x0;
	_ =	strace $0x90000047  }
0x229: {  	s0 =	sadd.s32 @!p0 $0x100000, s1;
	[bflag:$0x2] =	sbarrier.arrive $0xFFFF  }
0x22a: {  	[sflag:s0] =	ssyncadd.tile.s32 @!p0 $0x1;
	_ =	shalt  }
.Lfunc_end2:
_tile_overlayer_lowered:
.L_overlay_start_2:
0x22b: {  	(tag) =	ssettag $0x2  }
0x22c: {  	s0 =	rddreg [dreg:$0x0];
	s2 =	stileid.u32  }
0x22d: {  	s1 =	rddreg [dreg:$0x1];
	p0 =	sne.s32 s2, $0x0  }
0x22e: {  	s3 =	rddreg [dreg:$0x2];
	[bflag:$0x3] =	sbarrier.arrive $0xFFFF;
	s2 =	simm.s32 @!p0 $0x1C03  }
0x22f: {  	[timem:s3], [sflag:s2] =	dma.local @!p0 [hbm:s0], s1  }
0x230: {  	s0 =	simm.s32 @!p0 $0x3  }
0x231: {  	_ =	swait.ge @!p0 [sflag:s0], s1  }
0x232: {  	s1 =	ssub.s32 @!p0 $0x0, s1;
	[sflag:s0] =	ssyncset.done @!p0 $0x0  }
0x233: {  	[sflag:s0] =	ssyncadd.s32 @!p0 s1  }
0x234: {  	[bflag:$0x3] =	sbarrier.arrive $0xFFFF  }
0x235: {  	_ =	shalt  }

</sc_bundles>
